<compile_context>
chip_gen: v7x
topology: tpu7x:2x2x1
jax: 0.10.2.dev20260603
libtpu: 0.0.44.dev20260713+nightly
codegen_flags: <defaults>
</compile_context>

<pallas_src>
import jax
import jax.numpy as jnp
from jax.experimental import pallas as pl
from jax.experimental.pallas import tpu as pltpu

_T = 128
_IOU_THR = 0.5


def _col_boxes(p_tile):
    lo = (p_tile[0:1], p_tile[1:2], p_tile[2:3])
    hi = (p_tile[3:4], p_tile[4:5], p_tile[5:6])
    vol = p_tile[6:7]
    return lo, hi, vol


def _row_boxes(bt_tile):
    cz, cy, cx = bt_tile[:, 0:1], bt_tile[:, 1:2], bt_tile[:, 2:3]
    sz, sy, sx = bt_tile[:, 3:4], bt_tile[:, 4:5], bt_tile[:, 5:6]
    lo = (cz - sz / 2.0, cy - sy / 2.0, cx - sx / 2.0)
    hi = (cz + sz / 2.0, cy + sy / 2.0, cx + sx / 2.0)
    vol = (sz * sy) * sx
    return lo, hi, vol


def _iou_tile(rows, cols):
    (rlo, rhi, rvol), (clo, chi, cvol) = rows, cols
    o0 = jnp.maximum(jnp.minimum(rhi[0], chi[0]) - jnp.maximum(rlo[0], clo[0]), 0.0)
    o1 = jnp.maximum(jnp.minimum(rhi[1], chi[1]) - jnp.maximum(rlo[1], clo[1]), 0.0)
    o2 = jnp.maximum(jnp.minimum(rhi[2], chi[2]) - jnp.maximum(rlo[2], clo[2]), 0.0)
    inter = (o0 * o1) * o2
    union = (rvol + cvol) - inter
    return inter / union


def _matvec(act, supf):
    return jax.lax.dot_general(
        act, supf, (((1,), (0,)), ((), ())), preferred_element_type=jnp.float32
    )


def _nms_kernel(bc_ref, bt_ref, sc_ref, outs_ref, outb_ref, keep_ref, colp_ref):
    nb = bc_ref.shape[1]
    keep_ref[...] = jnp.ones_like(keep_ref)

    def pre_body(i, _):
        for b in (0, 1):
            tile = bc_ref[b, i]
            colp_ref[b, i, 0:3] = tile[0:3] - tile[3:6] * 0.5
            colp_ref[b, i, 3:6] = tile[0:3] + tile[3:6] * 0.5
            colp_ref[b, i, 6:7] = (tile[3:4] * tile[4:5]) * tile[5:6]
        return ()

    jax.lax.fori_loop(0, nb, pre_body, ())

    def blk_body(blk, _):
        rows0 = _row_boxes(bt_ref[0, blk])
        rows1 = _row_boxes(bt_ref[1, blk])
        iou0 = _iou_tile(rows0, _col_boxes(colp_ref[0, blk]))
        iou1 = _iou_tile(rows1, _col_boxes(colp_ref[1, blk]))
        rid = jax.lax.broadcasted_iota(jnp.int32, (_T, _T), 0)
        cid = jax.lax.broadcasted_iota(jnp.int32, (_T, _T), 1)
        tri = cid > rid
        supf0 = jnp.where((iou0 >= _IOU_THR) & tri, 1.0, 0.0)
        supf1 = jnp.where((iou1 >= _IOU_THR) & tri, 1.0, 0.0)
        kblk0 = keep_ref[0, blk]
        kblk1 = keep_ref[1, blk]

        def wcond(st):
            return st[2] > 0.0

        def wbody(st):
            act0, act1, _ = st
            new0 = jnp.where(_matvec(act0, supf0) > 0.5, 0.0, kblk0)
            new1 = jnp.where(_matvec(act1, supf1) > 0.5, 0.0, kblk1)
            changed = jnp.sum(jnp.abs(new0 - act0)) + jnp.sum(jnp.abs(new1 - act1))
            return new0, new1, changed

        act0, act1, _ = jax.lax.while_loop(
            wcond, wbody, (kblk0, kblk1, jnp.float32(1.0))
        )
        keep_ref[0, blk] = act0
        keep_ref[1, blk] = act1

        def suppress_at(w):
            s0 = jnp.where(_iou_tile(rows0, _col_boxes(colp_ref[0, w])) >= _IOU_THR, 1.0, 0.0)
            s1 = jnp.where(_iou_tile(rows1, _col_boxes(colp_ref[1, w])) >= _IOU_THR, 1.0, 0.0)
            sup0 = _matvec(act0, s0)
            sup1 = _matvec(act1, s1)
            keep_ref[0, w] = jnp.where(sup0 > 0.5, 0.0, keep_ref[0, w])
            keep_ref[1, w] = jnp.where(sup1 > 0.5, 0.0, keep_ref[1, w])

        nw = nb - blk - 1

        def w4_body(k, _):
            w = blk + 1 + 4 * k
            s0 = [
                jnp.where(
                    _iou_tile(rows0, _col_boxes(colp_ref[0, w + j])) >= _IOU_THR,
                    1.0, 0.0,
                )
                for j in range(4)
            ]
            s1 = [
                jnp.where(
                    _iou_tile(rows1, _col_boxes(colp_ref[1, w + j])) >= _IOU_THR,
                    1.0, 0.0,
                )
                for j in range(4)
            ]
            sup0 = _matvec(act0, jnp.concatenate(s0, axis=1))
            sup1 = _matvec(act1, jnp.concatenate(s1, axis=1))
            for j in range(4):
                sl = slice(j * _T, (j + 1) * _T)
                keep_ref[0, w + j] = jnp.where(sup0[:, sl] > 0.5, 0.0, keep_ref[0, w + j])
                keep_ref[1, w + j] = jnp.where(sup1[:, sl] > 0.5, 0.0, keep_ref[1, w + j])
            return ()

        jax.lax.fori_loop(0, nw // 4, w4_body, ())

        def tail_body(w, _):
            suppress_at(w)
            return ()

        jax.lax.fori_loop(blk + 1 + (nw // 4) * 4, nb, tail_body, ())
        return ()

    jax.lax.fori_loop(0, nb, blk_body, ())

    keep = keep_ref[...]
    outs_ref[...] = sc_ref[...] * keep
    outb_ref[...] = bc_ref[...] * keep


def kernel(bboxes, scores):
    bat, _, n = bboxes.shape
    npad = ((n + _T - 1) // _T) * _T
    nb = npad // _T

    order = jnp.argsort(-scores, axis=1)
    b = jnp.transpose(bboxes, (0, 2, 1))
    b_sorted = jnp.take_along_axis(b, order[:, :, None], axis=1)
    sc_sorted = jnp.take_along_axis(scores, order, axis=1)

    pad = npad - n
    bp = jnp.pad(b_sorted, ((0, 0), (0, pad), (0, 0)))
    scp = jnp.pad(sc_sorted, ((0, 0), (0, pad)))

    bt3 = bp.reshape(bat, nb, _T, 6)
    bc3 = jnp.transpose(bt3, (0, 1, 3, 2))
    sc3 = scp.reshape(bat, nb, 1, _T)

    outs, outb = pl.pallas_call(
        _nms_kernel,
        grid=(1,),
        in_specs=[
            pl.BlockSpec((bat, nb, 6, _T), lambda i: (0, 0, 0, 0)),
            pl.BlockSpec((bat, nb, _T, 6), lambda i: (0, 0, 0, 0)),
            pl.BlockSpec((bat, nb, 1, _T), lambda i: (0, 0, 0, 0)),
        ],
        out_specs=[
            pl.BlockSpec((bat, nb, 1, _T), lambda i: (0, 0, 0, 0)),
            pl.BlockSpec((bat, nb, 6, _T), lambda i: (0, 0, 0, 0)),
        ],
        out_shape=[
            jax.ShapeDtypeStruct((bat, nb, 1, _T), jnp.float32),
            jax.ShapeDtypeStruct((bat, nb, 6, _T), jnp.float32),
        ],
        scratch_shapes=[
            pltpu.VMEM((bat, nb, 1, _T), jnp.float32),
            pltpu.VMEM((bat, nb, 8, _T), jnp.float32),
        ],
    )(bc3, bt3, sc3)

    sel_scores = outs.reshape(bat, npad)[:, :n]
    sel_boxes = jnp.transpose(outb, (0, 1, 3, 2)).reshape(bat, npad, 6)[:, :n, :]
    return jnp.concatenate([sel_scores[:, :, None], sel_boxes], axis=2)

# --- scband reference (transcript-rebuilt; emitter-appended) ---
"""Pipeline reference for scband-mask-rcnn-41446434407127 (READ-ONLY COPY).

The authoritative reference and input builder live on the scoring server;
editing this copy changes nothing except your own understanding.
"""

import jax, jax.numpy as jnp
import numpy as np

B = 2
N = 5000
NMS_IOU = 0.5


def setup_inputs(seed: int = 0) -> dict:
    key = jax.random.key(seed)
    k1, k2 = jax.random.split(key)
    bboxes = jax.random.uniform(k1, (B, 6, N), dtype=jnp.float32)
    scores = jax.random.uniform(k2, (B, N), dtype=jnp.float32)
    return {"bboxes": bboxes, "scores": scores}


def _pairwise_iou(boxes):
    # boxes: M x 6 with (z, y, x, d, h, w); same math as _compute_ious vectorized over pairs
    c = boxes[:, :3]
    s = boxes[:, 3:]
    lo = c - s / 2.0
    hi = c + s / 2.0
    first = jnp.maximum(lo[:, None, :], lo[None, :, :])
    last = jnp.minimum(hi[:, None, :], hi[None, :, :])
    overlap = jnp.maximum(last - first, 0.0)
    inter = jnp.prod(overlap, axis=-1)
    vol = jnp.prod(s, axis=-1)
    union = vol[:, None] + vol[None, :] - inter
    return inter / union


def _nms_one(one_bboxes, one_scores, nms_iou=NMS_IOU):
    # one_bboxes: 6 x M (spatial dims flattened), one_scores: M
    b = one_bboxes.reshape(6, -1).T  # M x 6
    sc = one_scores.ravel()
    order = jnp.argsort(-sc)  # descending score order, same traversal as np.argsort[::-1]
    b_sorted = b[order]
    sc_sorted = sc[order]
    iou = jax.lax.stop_gradient(_pairwise_iou(b_sorted))  # selection is non-differentiable
    n = sc.shape[0]
    idx = jnp.arange(n)

    def body(keep, i):
        # a still-kept box i suppresses every lower-scored box with iou >= threshold
        sup = keep[i] & (iou[i] >= nms_iou) & (idx > i)
        return keep & (~sup), None

    keep, _ = jax.lax.scan(body, jnp.ones((n,), dtype=bool), idx)
    keep_f = keep.astype(sc_sorted.dtype)
    sel_scores = sc_sorted * keep_f
    sel_boxes = b_sorted * keep_f[:, None]
    # fixed-shape output: [score | z y x d h w] per sorted box, zeroed where suppressed
    return jnp.concatenate([sel_scores[:, None], sel_boxes], axis=1)  # M x 7


def reference(bboxes, scores):
    outs = [_nms_one(bboxes[i], scores[i]) for i in range(bboxes.shape[0])]
    return jnp.stack(outs)  # B x N x 7

if __name__ == "__main__":
    import jax
    _d = setup_inputs()
    print(jax.jit(kernel)(*tuple(_d.values())))

</pallas_src>

<mosaic_0001>
module attributes {stable_mosaic.version = 14 : i64} {
  func.func @_nms_kernel(%arg0: i32, %arg1: memref<2x40x6x128xf32, #tpu.memory_space<vmem>>, %arg2: memref<2x40x128x6xf32, #tpu.memory_space<vmem>>, %arg3: memref<2x40x1x128xf32, #tpu.memory_space<vmem>>, %arg4: memref<2x40x1x128xf32, #tpu.memory_space<vmem>>, %arg5: memref<2x40x6x128xf32, #tpu.memory_space<vmem>>, %arg6: memref<2x40x1x128xf32, #tpu.memory_space<vmem>>, %arg7: memref<2x40x8x128xf32, #tpu.memory_space<vmem>>) attributes {dimension_semantics = [#tpu.dimension_semantics<arbitrary>], iteration_bounds = array<i64: 1>, scalar_prefetch = 0 : i64, scratch_operands = 2 : i64, tpu.core_type = #tpu.core_type<tc>, window_params = [{pipeline_mode = #tpu.pipeline_mode<synchronous>, transform_indices = @transform_0, window_bounds = array<i64: 2, 40, 6, 128>}, {pipeline_mode = #tpu.pipeline_mode<synchronous>, transform_indices = @transform_1, window_bounds = array<i64: 2, 40, 128, 6>}, {pipeline_mode = #tpu.pipeline_mode<synchronous>, transform_indices = @transform_2, window_bounds = array<i64: 2, 40, 1, 128>}, {pipeline_mode = #tpu.pipeline_mode<synchronous>, transform_indices = @transform_3, window_bounds = array<i64: 2, 40, 1, 128>}, {pipeline_mode = #tpu.pipeline_mode<synchronous>, transform_indices = @transform_4, window_bounds = array<i64: 2, 40, 6, 128>}]} {
    %broadcast_in_dim3A = arith.constant 1.000000e+00 : f32
    %broadcast_in_dim3A_0 = vector.broadcast %broadcast_in_dim3A : f32 to vector<2x40x1x128xf32>
    %swap3A = arith.constant 0 : index
    %swap3A_1 = arith.constant 0 : index
    %swap3A_2 = arith.constant 0 : index
    %swap3A_3 = arith.constant 0 : index
    %swap3A_4 = vector.load %arg6[%swap3A, %swap3A_1, %swap3A_2, %swap3A_3] : memref<2x40x1x128xf32, #tpu.memory_space<vmem>>, vector<2x40x1x128xf32>
    tpu.vector_store %arg6[%swap3A, %swap3A_1, %swap3A_2, %swap3A_3], %broadcast_in_dim3A_0 {strides = array<i32>} : memref<2x40x1x128xf32, #tpu.memory_space<vmem>>, vector<2x40x1x128xf32>,
    %scan3A = arith.constant 0 : i32
    %scan3A_5 = arith.constant 40 : i32
    %scan3A_6 = arith.addi %scan3A, %scan3A_5 : i32
    %scan3A_7 = arith.constant 1 : i32
    scf.for %scan3A_40 = %scan3A to %scan3A_6 step %scan3A_7  : i32 {
      %get3A_41 = arith.constant 0 : index
      %get3A_42 = arith.index_cast %scan3A_40 : i32 to index
      %get3A_43 = arith.constant 0 : index
      %get3A_44 = arith.constant 0 : index
      %get3A_45 = vector.load %arg1[%get3A_41, %get3A_42, %get3A_43, %get3A_44] : memref<2x40x6x128xf32, #tpu.memory_space<vmem>>, vector<1x1x6x128xf32>
      %get3A_46 = vector.shape_cast %get3A_45 : vector<1x1x6x128xf32> to vector<6x128xf32>
      %slice3A = vector.extract_strided_slice %get3A_46 {offsets = [0, 0], sizes = [3, 128], strides = [1, 1]} : vector<6x128xf32> to vector<3x128xf32>
      %slice3A_47 = vector.extract_strided_slice %get3A_46 {offsets = [3, 0], sizes = [3, 128], strides = [1, 1]} : vector<6x128xf32> to vector<3x128xf32>
      %mul3A_48 = arith.constant 5.000000e-01 : f32
      %mul3A_49 = vector.broadcast %mul3A_48 : f32 to vector<3x128xf32>
      %mul3A_50 = arith.mulf %slice3A_47, %mul3A_49 : vector<3x128xf32>
      %sub3A = arith.subf %slice3A, %mul3A_50 : vector<3x128xf32>
      %swap3A_51 = arith.constant 0 : index
      %swap3A_52 = arith.index_cast %scan3A_40 : i32 to index
      %swap3A_53 = arith.constant 0 : index
      %swap3A_54 = arith.constant 0 : index
      %swap3A_55 = vector.load %arg7[%swap3A_51, %swap3A_52, %swap3A_53, %swap3A_54] : memref<2x40x8x128xf32, #tpu.memory_space<vmem>>, vector<1x1x3x128xf32>
      %swap3A_56 = vector.shape_cast %swap3A_55 : vector<1x1x3x128xf32> to vector<3x128xf32>
      %swap3A_57 = vector.shape_cast %sub3A : vector<3x128xf32> to vector<1x1x3x128xf32>
      tpu.vector_store %arg7[%swap3A_51, %swap3A_52, %swap3A_53, %swap3A_54], %swap3A_57 {strides = array<i32>} : memref<2x40x8x128xf32, #tpu.memory_space<vmem>>, vector<1x1x3x128xf32>,
      %slice3A_58 = vector.extract_strided_slice %get3A_46 {offsets = [0, 0], sizes = [3, 128], strides = [1, 1]} : vector<6x128xf32> to vector<3x128xf32>
      %slice3A_59 = vector.extract_strided_slice %get3A_46 {offsets = [3, 0], sizes = [3, 128], strides = [1, 1]} : vector<6x128xf32> to vector<3x128xf32>
      %mul3A_60 = arith.constant 5.000000e-01 : f32
      %mul3A_61 = vector.broadcast %mul3A_60 : f32 to vector<3x128xf32>
      %mul3A_62 = arith.mulf %slice3A_59, %mul3A_61 : vector<3x128xf32>
      %add3A = arith.addf %slice3A_58, %mul3A_62 : vector<3x128xf32>
      %swap3A_63 = arith.constant 0 : index
      %swap3A_64 = arith.index_cast %scan3A_40 : i32 to index
      %swap3A_65 = arith.constant 3 : index
      %swap3A_66 = arith.constant 0 : index
      %swap3A_67 = vector.load %arg7[%swap3A_63, %swap3A_64, %swap3A_65, %swap3A_66] : memref<2x40x8x128xf32, #tpu.memory_space<vmem>>, vector<1x1x3x128xf32>
      %swap3A_68 = vector.shape_cast %swap3A_67 : vector<1x1x3x128xf32> to vector<3x128xf32>
      %swap3A_69 = vector.shape_cast %add3A : vector<3x128xf32> to vector<1x1x3x128xf32>
      tpu.vector_store %arg7[%swap3A_63, %swap3A_64, %swap3A_65, %swap3A_66], %swap3A_69 {strides = array<i32>} : memref<2x40x8x128xf32, #tpu.memory_space<vmem>>, vector<1x1x3x128xf32>,
      %slice3A_70 = vector.extract_strided_slice %get3A_46 {offsets = [3, 0], sizes = [1, 128], strides = [1, 1]} : vector<6x128xf32> to vector<1x128xf32>
      %slice3A_71 = vector.extract_strided_slice %get3A_46 {offsets = [4, 0], sizes = [1, 128], strides = [1, 1]} : vector<6x128xf32> to vector<1x128xf32>
      %mul3A_72 = arith.mulf %slice3A_70, %slice3A_71 : vector<1x128xf32>
      %slice3A_73 = vector.extract_strided_slice %get3A_46 {offsets = [5, 0], sizes = [1, 128], strides = [1, 1]} : vector<6x128xf32> to vector<1x128xf32>
      %mul3A_74 = arith.mulf %mul3A_72, %slice3A_73 : vector<1x128xf32>
      %swap3A_75 = arith.constant 0 : index
      %swap3A_76 = arith.index_cast %scan3A_40 : i32 to index
      %swap3A_77 = arith.constant 6 : index
      %swap3A_78 = arith.constant 0 : index
      %swap3A_79 = vector.load %arg7[%swap3A_75, %swap3A_76, %swap3A_77, %swap3A_78] : memref<2x40x8x128xf32, #tpu.memory_space<vmem>>, vector<1x1x1x128xf32>
      %swap3A_80 = vector.shape_cast %swap3A_79 : vector<1x1x1x128xf32> to vector<1x128xf32>
      %swap3A_81 = vector.shape_cast %mul3A_74 : vector<1x128xf32> to vector<1x1x1x128xf32>
      tpu.vector_store %arg7[%swap3A_75, %swap3A_76, %swap3A_77, %swap3A_78], %swap3A_81 {strides = array<i32>} : memref<2x40x8x128xf32, #tpu.memory_space<vmem>>, vector<1x1x1x128xf32>,
      %get3A_82 = arith.constant 1 : index
      %get3A_83 = arith.index_cast %scan3A_40 : i32 to index
      %get3A_84 = arith.constant 0 : index
      %get3A_85 = arith.constant 0 : index
      %get3A_86 = vector.load %arg1[%get3A_82, %get3A_83, %get3A_84, %get3A_85] : memref<2x40x6x128xf32, #tpu.memory_space<vmem>>, vector<1x1x6x128xf32>
      %get3A_87 = vector.shape_cast %get3A_86 : vector<1x1x6x128xf32> to vector<6x128xf32>
      %slice3A_88 = vector.extract_strided_slice %get3A_87 {offsets = [0, 0], sizes = [3, 128], strides = [1, 1]} : vector<6x128xf32> to vector<3x128xf32>
      %slice3A_89 = vector.extract_strided_slice %get3A_87 {offsets = [3, 0], sizes = [3, 128], strides = [1, 1]} : vector<6x128xf32> to vector<3x128xf32>
      %mul3A_90 = arith.constant 5.000000e-01 : f32
      %mul3A_91 = vector.broadcast %mul3A_90 : f32 to vector<3x128xf32>
      %mul3A_92 = arith.mulf %slice3A_89, %mul3A_91 : vector<3x128xf32>
      %sub3A_93 = arith.subf %slice3A_88, %mul3A_92 : vector<3x128xf32>
      %swap3A_94 = arith.constant 1 : index
      %swap3A_95 = arith.index_cast %scan3A_40 : i32 to index
      %swap3A_96 = arith.constant 0 : index
      %swap3A_97 = arith.constant 0 : index
      %swap3A_98 = vector.load %arg7[%swap3A_94, %swap3A_95, %swap3A_96, %swap3A_97] : memref<2x40x8x128xf32, #tpu.memory_space<vmem>>, vector<1x1x3x128xf32>
      %swap3A_99 = vector.shape_cast %swap3A_98 : vector<1x1x3x128xf32> to vector<3x128xf32>
      %swap3A_100 = vector.shape_cast %sub3A_93 : vector<3x128xf32> to vector<1x1x3x128xf32>
      tpu.vector_store %arg7[%swap3A_94, %swap3A_95, %swap3A_96, %swap3A_97], %swap3A_100 {strides = array<i32>} : memref<2x40x8x128xf32, #tpu.memory_space<vmem>>, vector<1x1x3x128xf32>,
      %slice3A_101 = vector.extract_strided_slice %get3A_87 {offsets = [0, 0], sizes = [3, 128], strides = [1, 1]} : vector<6x128xf32> to vector<3x128xf32>
      %slice3A_102 = vector.extract_strided_slice %get3A_87 {offsets = [3, 0], sizes = [3, 128], strides = [1, 1]} : vector<6x128xf32> to vector<3x128xf32>
      %mul3A_103 = arith.constant 5.000000e-01 : f32
      %mul3A_104 = vector.broadcast %mul3A_103 : f32 to vector<3x128xf32>
      %mul3A_105 = arith.mulf %slice3A_102, %mul3A_104 : vector<3x128xf32>
      %add3A_106 = arith.addf %slice3A_101, %mul3A_105 : vector<3x128xf32>
      %swap3A_107 = arith.constant 1 : index
      %swap3A_108 = arith.index_cast %scan3A_40 : i32 to index
      %swap3A_109 = arith.constant 3 : index
      %swap3A_110 = arith.constant 0 : index
      %swap3A_111 = vector.load %arg7[%swap3A_107, %swap3A_108, %swap3A_109, %swap3A_110] : memref<2x40x8x128xf32, #tpu.memory_space<vmem>>, vector<1x1x3x128xf32>
      %swap3A_112 = vector.shape_cast %swap3A_111 : vector<1x1x3x128xf32> to vector<3x128xf32>
      %swap3A_113 = vector.shape_cast %add3A_106 : vector<3x128xf32> to vector<1x1x3x128xf32>
      tpu.vector_store %arg7[%swap3A_107, %swap3A_108, %swap3A_109, %swap3A_110], %swap3A_113 {strides = array<i32>} : memref<2x40x8x128xf32, #tpu.memory_space<vmem>>, vector<1x1x3x128xf32>,
      %slice3A_114 = vector.extract_strided_slice %get3A_87 {offsets = [3, 0], sizes = [1, 128], strides = [1, 1]} : vector<6x128xf32> to vector<1x128xf32>
      %slice3A_115 = vector.extract_strided_slice %get3A_87 {offsets = [4, 0], sizes = [1, 128], strides = [1, 1]} : vector<6x128xf32> to vector<1x128xf32>
      %mul3A_116 = arith.mulf %slice3A_114, %slice3A_115 : vector<1x128xf32>
      %slice3A_117 = vector.extract_strided_slice %get3A_87 {offsets = [5, 0], sizes = [1, 128], strides = [1, 1]} : vector<6x128xf32> to vector<1x128xf32>
      %mul3A_118 = arith.mulf %mul3A_116, %slice3A_117 : vector<1x128xf32>
      %swap3A_119 = arith.constant 1 : index
      %swap3A_120 = arith.index_cast %scan3A_40 : i32 to index
      %swap3A_121 = arith.constant 6 : index
      %swap3A_122 = arith.constant 0 : index
      %swap3A_123 = vector.load %arg7[%swap3A_119, %swap3A_120, %swap3A_121, %swap3A_122] : memref<2x40x8x128xf32, #tpu.memory_space<vmem>>, vector<1x1x1x128xf32>
      %swap3A_124 = vector.shape_cast %swap3A_123 : vector<1x1x1x128xf32> to vector<1x128xf32>
      %swap3A_125 = vector.shape_cast %mul3A_118 : vector<1x128xf32> to vector<1x1x1x128xf32>
      tpu.vector_store %arg7[%swap3A_119, %swap3A_120, %swap3A_121, %swap3A_122], %swap3A_125 {strides = array<i32>} : memref<2x40x8x128xf32, #tpu.memory_space<vmem>>, vector<1x1x1x128xf32>,
    }
    %scan3A_8 = arith.constant 40 : i32
    %scan3A_9 = arith.constant 0 : i32
    %scan3A_10 = arith.constant 40 : i32
    %scan3A_11 = arith.addi %scan3A_9, %scan3A_10 : i32
    %scan3A_12 = arith.constant 1 : i32
    scf.for %scan3A_40 = %scan3A_9 to %scan3A_11 step %scan3A_12  : i32 {
      %get3A_41 = arith.constant 0 : index
      %get3A_42 = arith.index_cast %scan3A_40 : i32 to index
      %get3A_43 = arith.constant 0 : index
      %get3A_44 = arith.constant 0 : index
      %get3A_45 = vector.load %arg2[%get3A_41, %get3A_42, %get3A_43, %get3A_44] : memref<2x40x128x6xf32, #tpu.memory_space<vmem>>, vector<1x1x128x6xf32>
      %get3A_46 = vector.shape_cast %get3A_45 : vector<1x1x128x6xf32> to vector<128x6xf32>
      %slice3A = vector.extract_strided_slice %get3A_46 {offsets = [0, 0], sizes = [128, 1], strides = [1, 1]} : vector<128x6xf32> to vector<128x1xf32>
      %slice3A_47 = vector.extract_strided_slice %get3A_46 {offsets = [0, 1], sizes = [128, 1], strides = [1, 1]} : vector<128x6xf32> to vector<128x1xf32>
      %slice3A_48 = vector.extract_strided_slice %get3A_46 {offsets = [0, 2], sizes = [128, 1], strides = [1, 1]} : vector<128x6xf32> to vector<128x1xf32>
      %slice3A_49 = vector.extract_strided_slice %get3A_46 {offsets = [0, 3], sizes = [128, 1], strides = [1, 1]} : vector<128x6xf32> to vector<128x1xf32>
      %slice3A_50 = vector.extract_strided_slice %get3A_46 {offsets = [0, 4], sizes = [128, 1], strides = [1, 1]} : vector<128x6xf32> to vector<128x1xf32>
      %slice3A_51 = vector.extract_strided_slice %get3A_46 {offsets = [0, 5], sizes = [128, 1], strides = [1, 1]} : vector<128x6xf32> to vector<128x1xf32>
      %div3A = arith.constant 2.000000e+00 : f32
      %div3A_52 = vector.broadcast %div3A : f32 to vector<128x1xf32>
      %div3A_53 = arith.divf %slice3A_49, %div3A_52 : vector<128x1xf32>
      %sub3A = arith.subf %slice3A, %div3A_53 : vector<128x1xf32>
      %div3A_54 = arith.constant 2.000000e+00 : f32
      %div3A_55 = vector.broadcast %div3A_54 : f32 to vector<128x1xf32>
      %div3A_56 = arith.divf %slice3A_50, %div3A_55 : vector<128x1xf32>
      %sub3A_57 = arith.subf %slice3A_47, %div3A_56 : vector<128x1xf32>
      %div3A_58 = arith.constant 2.000000e+00 : f32
      %div3A_59 = vector.broadcast %div3A_58 : f32 to vector<128x1xf32>
      %div3A_60 = arith.divf %slice3A_51, %div3A_59 : vector<128x1xf32>
      %sub3A_61 = arith.subf %slice3A_48, %div3A_60 : vector<128x1xf32>
      %div3A_62 = arith.constant 2.000000e+00 : f32
      %div3A_63 = vector.broadcast %div3A_62 : f32 to vector<128x1xf32>
      %div3A_64 = arith.divf %slice3A_49, %div3A_63 : vector<128x1xf32>
      %add3A = arith.addf %slice3A, %div3A_64 : vector<128x1xf32>
      %div3A_65 = arith.constant 2.000000e+00 : f32
      %div3A_66 = vector.broadcast %div3A_65 : f32 to vector<128x1xf32>
      %div3A_67 = arith.divf %slice3A_50, %div3A_66 : vector<128x1xf32>
      %add3A_68 = arith.addf %slice3A_47, %div3A_67 : vector<128x1xf32>
      %div3A_69 = arith.constant 2.000000e+00 : f32
      %div3A_70 = vector.broadcast %div3A_69 : f32 to vector<128x1xf32>
      %div3A_71 = arith.divf %slice3A_51, %div3A_70 : vector<128x1xf32>
      %add3A_72 = arith.addf %slice3A_48, %div3A_71 : vector<128x1xf32>
      %mul3A_73 = arith.mulf %slice3A_49, %slice3A_50 : vector<128x1xf32>
      %mul3A_74 = arith.mulf %mul3A_73, %slice3A_51 : vector<128x1xf32>
      %get3A_75 = arith.constant 1 : index
      %get3A_76 = arith.index_cast %scan3A_40 : i32 to index
      %get3A_77 = arith.constant 0 : index
      %get3A_78 = arith.constant 0 : index
      %get3A_79 = vector.load %arg2[%get3A_75, %get3A_76, %get3A_77, %get3A_78] : memref<2x40x128x6xf32, #tpu.memory_space<vmem>>, vector<1x1x128x6xf32>
      %get3A_80 = vector.shape_cast %get3A_79 : vector<1x1x128x6xf32> to vector<128x6xf32>
      %slice3A_81 = vector.extract_strided_slice %get3A_80 {offsets = [0, 0], sizes = [128, 1], strides = [1, 1]} : vector<128x6xf32> to vector<128x1xf32>
      %slice3A_82 = vector.extract_strided_slice %get3A_80 {offsets = [0, 1], sizes = [128, 1], strides = [1, 1]} : vector<128x6xf32> to vector<128x1xf32>
      %slice3A_83 = vector.extract_strided_slice %get3A_80 {offsets = [0, 2], sizes = [128, 1], strides = [1, 1]} : vector<128x6xf32> to vector<128x1xf32>
      %slice3A_84 = vector.extract_strided_slice %get3A_80 {offsets = [0, 3], sizes = [128, 1], strides = [1, 1]} : vector<128x6xf32> to vector<128x1xf32>
      %slice3A_85 = vector.extract_strided_slice %get3A_80 {offsets = [0, 4], sizes = [128, 1], strides = [1, 1]} : vector<128x6xf32> to vector<128x1xf32>
      %slice3A_86 = vector.extract_strided_slice %get3A_80 {offsets = [0, 5], sizes = [128, 1], strides = [1, 1]} : vector<128x6xf32> to vector<128x1xf32>
      %div3A_87 = arith.constant 2.000000e+00 : f32
      %div3A_88 = vector.broadcast %div3A_87 : f32 to vector<128x1xf32>
      %div3A_89 = arith.divf %slice3A_84, %div3A_88 : vector<128x1xf32>
      %sub3A_90 = arith.subf %slice3A_81, %div3A_89 : vector<128x1xf32>
      %div3A_91 = arith.constant 2.000000e+00 : f32
      %div3A_92 = vector.broadcast %div3A_91 : f32 to vector<128x1xf32>
      %div3A_93 = arith.divf %slice3A_85, %div3A_92 : vector<128x1xf32>
      %sub3A_94 = arith.subf %slice3A_82, %div3A_93 : vector<128x1xf32>
      %div3A_95 = arith.constant 2.000000e+00 : f32
      %div3A_96 = vector.broadcast %div3A_95 : f32 to vector<128x1xf32>
      %div3A_97 = arith.divf %slice3A_86, %div3A_96 : vector<128x1xf32>
      %sub3A_98 = arith.subf %slice3A_83, %div3A_97 : vector<128x1xf32>
      %div3A_99 = arith.constant 2.000000e+00 : f32
      %div3A_100 = vector.broadcast %div3A_99 : f32 to vector<128x1xf32>
      %div3A_101 = arith.divf %slice3A_84, %div3A_100 : vector<128x1xf32>
      %add3A_102 = arith.addf %slice3A_81, %div3A_101 : vector<128x1xf32>
      %div3A_103 = arith.constant 2.000000e+00 : f32
      %div3A_104 = vector.broadcast %div3A_103 : f32 to vector<128x1xf32>
      %div3A_105 = arith.divf %slice3A_85, %div3A_104 : vector<128x1xf32>
      %add3A_106 = arith.addf %slice3A_82, %div3A_105 : vector<128x1xf32>
      %div3A_107 = arith.constant 2.000000e+00 : f32
      %div3A_108 = vector.broadcast %div3A_107 : f32 to vector<128x1xf32>
      %div3A_109 = arith.divf %slice3A_86, %div3A_108 : vector<128x1xf32>
      %add3A_110 = arith.addf %slice3A_83, %div3A_109 : vector<128x1xf32>
      %mul3A_111 = arith.mulf %slice3A_84, %slice3A_85 : vector<128x1xf32>
      %mul3A_112 = arith.mulf %mul3A_111, %slice3A_86 : vector<128x1xf32>
      %get3A_113 = arith.constant 0 : index
      %get3A_114 = arith.index_cast %scan3A_40 : i32 to index
      %get3A_115 = arith.constant 0 : index
      %get3A_116 = arith.constant 0 : index
      %get3A_117 = vector.load %arg7[%get3A_113, %get3A_114, %get3A_115, %get3A_116] : memref<2x40x8x128xf32, #tpu.memory_space<vmem>>, vector<1x1x8x128xf32>
      %get3A_118 = vector.shape_cast %get3A_117 : vector<1x1x8x128xf32> to vector<8x128xf32>
      %slice3A_119 = vector.extract_strided_slice %get3A_118 {offsets = [0, 0], sizes = [1, 128], strides = [1, 1]} : vector<8x128xf32> to vector<1x128xf32>
      %slice3A_120 = vector.extract_strided_slice %get3A_118 {offsets = [1, 0], sizes = [1, 128], strides = [1, 1]} : vector<8x128xf32> to vector<1x128xf32>
      %slice3A_121 = vector.extract_strided_slice %get3A_118 {offsets = [2, 0], sizes = [1, 128], strides = [1, 1]} : vector<8x128xf32> to vector<1x128xf32>
      %slice3A_122 = vector.extract_strided_slice %get3A_118 {offsets = [3, 0], sizes = [1, 128], strides = [1, 1]} : vector<8x128xf32> to vector<1x128xf32>
      %slice3A_123 = vector.extract_strided_slice %get3A_118 {offsets = [4, 0], sizes = [1, 128], strides = [1, 1]} : vector<8x128xf32> to vector<1x128xf32>
      %slice3A_124 = vector.extract_strided_slice %get3A_118 {offsets = [5, 0], sizes = [1, 128], strides = [1, 1]} : vector<8x128xf32> to vector<1x128xf32>
      %slice3A_125 = vector.extract_strided_slice %get3A_118 {offsets = [6, 0], sizes = [1, 128], strides = [1, 1]} : vector<8x128xf32> to vector<1x128xf32>
      %min3A = vector.broadcast %add3A : vector<128x1xf32> to vector<128x128xf32>
      %min3A_126 = vector.broadcast %slice3A_122 : vector<1x128xf32> to vector<128x128xf32>
      %min3A_127 = arith.minimumf %min3A, %min3A_126 : vector<128x128xf32>
      %max3A = vector.broadcast %sub3A : vector<128x1xf32> to vector<128x128xf32>
      %max3A_128 = vector.broadcast %slice3A_119 : vector<1x128xf32> to vector<128x128xf32>
      %max3A_129 = arith.maximumf %max3A, %max3A_128 : vector<128x128xf32>
      %sub3A_130 = arith.subf %min3A_127, %max3A_129 : vector<128x128xf32>
      %max3A_131 = arith.constant 0.000000e+00 : f32
      %max3A_132 = vector.broadcast %max3A_131 : f32 to vector<128x128xf32>
      %max3A_133 = arith.maximumf %sub3A_130, %max3A_132 : vector<128x128xf32>
      %min3A_134 = vector.broadcast %add3A_68 : vector<128x1xf32> to vector<128x128xf32>
      %min3A_135 = vector.broadcast %slice3A_123 : vector<1x128xf32> to vector<128x128xf32>
      %min3A_136 = arith.minimumf %min3A_134, %min3A_135 : vector<128x128xf32>
      %max3A_137 = vector.broadcast %sub3A_57 : vector<128x1xf32> to vector<128x128xf32>
      %max3A_138 = vector.broadcast %slice3A_120 : vector<1x128xf32> to vector<128x128xf32>
      %max3A_139 = arith.maximumf %max3A_137, %max3A_138 : vector<128x128xf32>
      %sub3A_140 = arith.subf %min3A_136, %max3A_139 : vector<128x128xf32>
      %max3A_141 = arith.constant 0.000000e+00 : f32
      %max3A_142 = vector.broadcast %max3A_141 : f32 to vector<128x128xf32>
      %max3A_143 = arith.maximumf %sub3A_140, %max3A_142 : vector<128x128xf32>
      %min3A_144 = vector.broadcast %add3A_72 : vector<128x1xf32> to vector<128x128xf32>
      %min3A_145 = vector.broadcast %slice3A_124 : vector<1x128xf32> to vector<128x128xf32>
      %min3A_146 = arith.minimumf %min3A_144, %min3A_145 : vector<128x128xf32>
      %max3A_147 = vector.broadcast %sub3A_61 : vector<128x1xf32> to vector<128x128xf32>
      %max3A_148 = vector.broadcast %slice3A_121 : vector<1x128xf32> to vector<128x128xf32>
      %max3A_149 = arith.maximumf %max3A_147, %max3A_148 : vector<128x128xf32>
      %sub3A_150 = arith.subf %min3A_146, %max3A_149 : vector<128x128xf32>
      %max3A_151 = arith.constant 0.000000e+00 : f32
      %max3A_152 = vector.broadcast %max3A_151 : f32 to vector<128x128xf32>
      %max3A_153 = arith.maximumf %sub3A_150, %max3A_152 : vector<128x128xf32>
      %mul3A_154 = arith.mulf %max3A_133, %max3A_143 : vector<128x128xf32>
      %mul3A_155 = arith.mulf %mul3A_154, %max3A_153 : vector<128x128xf32>
      %add3A_156 = vector.broadcast %mul3A_74 : vector<128x1xf32> to vector<128x128xf32>
      %add3A_157 = vector.broadcast %slice3A_125 : vector<1x128xf32> to vector<128x128xf32>
      %add3A_158 = arith.addf %add3A_156, %add3A_157 : vector<128x128xf32>
      %sub3A_159 = arith.subf %add3A_158, %mul3A_155 : vector<128x128xf32>
      %div3A_160 = arith.divf %mul3A_155, %sub3A_159 : vector<128x128xf32>
      %get3A_161 = arith.constant 1 : index
      %get3A_162 = arith.index_cast %scan3A_40 : i32 to index
      %get3A_163 = arith.constant 0 : index
      %get3A_164 = arith.constant 0 : index
      %get3A_165 = vector.load %arg7[%get3A_161, %get3A_162, %get3A_163, %get3A_164] : memref<2x40x8x128xf32, #tpu.memory_space<vmem>>, vector<1x1x8x128xf32>
      %get3A_166 = vector.shape_cast %get3A_165 : vector<1x1x8x128xf32> to vector<8x128xf32>
      %slice3A_167 = vector.extract_strided_slice %get3A_166 {offsets = [0, 0], sizes = [1, 128], strides = [1, 1]} : vector<8x128xf32> to vector<1x128xf32>
      %slice3A_168 = vector.extract_strided_slice %get3A_166 {offsets = [1, 0], sizes = [1, 128], strides = [1, 1]} : vector<8x128xf32> to vector<1x128xf32>
      %slice3A_169 = vector.extract_strided_slice %get3A_166 {offsets = [2, 0], sizes = [1, 128], strides = [1, 1]} : vector<8x128xf32> to vector<1x128xf32>
      %slice3A_170 = vector.extract_strided_slice %get3A_166 {offsets = [3, 0], sizes = [1, 128], strides = [1, 1]} : vector<8x128xf32> to vector<1x128xf32>
      %slice3A_171 = vector.extract_strided_slice %get3A_166 {offsets = [4, 0], sizes = [1, 128], strides = [1, 1]} : vector<8x128xf32> to vector<1x128xf32>
      %slice3A_172 = vector.extract_strided_slice %get3A_166 {offsets = [5, 0], sizes = [1, 128], strides = [1, 1]} : vector<8x128xf32> to vector<1x128xf32>
      %slice3A_173 = vector.extract_strided_slice %get3A_166 {offsets = [6, 0], sizes = [1, 128], strides = [1, 1]} : vector<8x128xf32> to vector<1x128xf32>
      %min3A_174 = vector.broadcast %add3A_102 : vector<128x1xf32> to vector<128x128xf32>
      %min3A_175 = vector.broadcast %slice3A_170 : vector<1x128xf32> to vector<128x128xf32>
      %min3A_176 = arith.minimumf %min3A_174, %min3A_175 : vector<128x128xf32>
      %max3A_177 = vector.broadcast %sub3A_90 : vector<128x1xf32> to vector<128x128xf32>
      %max3A_178 = vector.broadcast %slice3A_167 : vector<1x128xf32> to vector<128x128xf32>
      %max3A_179 = arith.maximumf %max3A_177, %max3A_178 : vector<128x128xf32>
      %sub3A_180 = arith.subf %min3A_176, %max3A_179 : vector<128x128xf32>
      %max3A_181 = arith.constant 0.000000e+00 : f32
      %max3A_182 = vector.broadcast %max3A_181 : f32 to vector<128x128xf32>
      %max3A_183 = arith.maximumf %sub3A_180, %max3A_182 : vector<128x128xf32>
      %min3A_184 = vector.broadcast %add3A_106 : vector<128x1xf32> to vector<128x128xf32>
      %min3A_185 = vector.broadcast %slice3A_171 : vector<1x128xf32> to vector<128x128xf32>
      %min3A_186 = arith.minimumf %min3A_184, %min3A_185 : vector<128x128xf32>
      %max3A_187 = vector.broadcast %sub3A_94 : vector<128x1xf32> to vector<128x128xf32>
      %max3A_188 = vector.broadcast %slice3A_168 : vector<1x128xf32> to vector<128x128xf32>
      %max3A_189 = arith.maximumf %max3A_187, %max3A_188 : vector<128x128xf32>
      %sub3A_190 = arith.subf %min3A_186, %max3A_189 : vector<128x128xf32>
      %max3A_191 = arith.constant 0.000000e+00 : f32
      %max3A_192 = vector.broadcast %max3A_191 : f32 to vector<128x128xf32>
      %max3A_193 = arith.maximumf %sub3A_190, %max3A_192 : vector<128x128xf32>
      %min3A_194 = vector.broadcast %add3A_110 : vector<128x1xf32> to vector<128x128xf32>
      %min3A_195 = vector.broadcast %slice3A_172 : vector<1x128xf32> to vector<128x128xf32>
      %min3A_196 = arith.minimumf %min3A_194, %min3A_195 : vector<128x128xf32>
      %max3A_197 = vector.broadcast %sub3A_98 : vector<128x1xf32> to vector<128x128xf32>
      %max3A_198 = vector.broadcast %slice3A_169 : vector<1x128xf32> to vector<128x128xf32>
      %max3A_199 = arith.maximumf %max3A_197, %max3A_198 : vector<128x128xf32>
      %sub3A_200 = arith.subf %min3A_196, %max3A_199 : vector<128x128xf32>
      %max3A_201 = arith.constant 0.000000e+00 : f32
      %max3A_202 = vector.broadcast %max3A_201 : f32 to vector<128x128xf32>
      %max3A_203 = arith.maximumf %sub3A_200, %max3A_202 : vector<128x128xf32>
      %mul3A_204 = arith.mulf %max3A_183, %max3A_193 : vector<128x128xf32>
      %mul3A_205 = arith.mulf %mul3A_204, %max3A_203 : vector<128x128xf32>
      %add3A_206 = vector.broadcast %mul3A_112 : vector<128x1xf32> to vector<128x128xf32>
      %add3A_207 = vector.broadcast %slice3A_173 : vector<1x128xf32> to vector<128x128xf32>
      %add3A_208 = arith.addf %add3A_206, %add3A_207 : vector<128x128xf32>
      %sub3A_209 = arith.subf %add3A_208, %mul3A_205 : vector<128x128xf32>
      %div3A_210 = arith.divf %mul3A_205, %sub3A_209 : vector<128x128xf32>
      %iota3A = tpu.iota {dimensions = array<i32: 0>} : vector<128x128xi32>
      %iota3A_211 = tpu.iota {dimensions = array<i32: 1>} : vector<128x128xi32>
      %gt3A = arith.cmpi sgt, %iota3A_211, %iota3A : vector<128x128xi32>
      %ge3A = arith.constant 5.000000e-01 : f32
      %ge3A_212 = vector.broadcast %ge3A : f32 to vector<128x128xf32>
      %ge3A_213 = arith.cmpf oge, %div3A_160, %ge3A_212 : vector<128x128xf32>
      %and3A = arith.andi %ge3A_213, %gt3A : vector<128x128xi1>
      %jit3A = arith.constant 1.000000e+00 : f32
      %jit3A_214 = arith.constant 0.000000e+00 : f32
      %broadcast_in_dim3A_215 = vector.broadcast %jit3A : f32 to vector<128x128xf32>
      %broadcast_in_dim3A_216 = vector.broadcast %jit3A_214 : f32 to vector<128x128xf32>
      %select_n3A = arith.select %and3A, %broadcast_in_dim3A_215, %broadcast_in_dim3A_216 : vector<128x128xi1>, vector<128x128xf32>
      %ge3A_217 = arith.constant 5.000000e-01 : f32
      %ge3A_218 = vector.broadcast %ge3A_217 : f32 to vector<128x128xf32>
      %ge3A_219 = arith.cmpf oge, %div3A_210, %ge3A_218 : vector<128x128xf32>
      %and3A_220 = arith.andi %ge3A_219, %gt3A : vector<128x128xi1>
      %jit3A_221 = arith.constant 1.000000e+00 : f32
      %jit3A_222 = arith.constant 0.000000e+00 : f32
      %broadcast_in_dim3A_223 = vector.broadcast %jit3A_221 : f32 to vector<128x128xf32>
      %broadcast_in_dim3A_224 = vector.broadcast %jit3A_222 : f32 to vector<128x128xf32>
      %select_n3A_225 = arith.select %and3A_220, %broadcast_in_dim3A_223, %broadcast_in_dim3A_224 : vector<128x128xi1>, vector<128x128xf32>
      %get3A_226 = arith.constant 0 : index
      %get3A_227 = arith.index_cast %scan3A_40 : i32 to index
      %get3A_228 = arith.constant 0 : index
      %get3A_229 = arith.constant 0 : index
      %get3A_230 = vector.load %arg6[%get3A_226, %get3A_227, %get3A_228, %get3A_229] : memref<2x40x1x128xf32, #tpu.memory_space<vmem>>, vector<1x1x1x128xf32>
      %get3A_231 = vector.shape_cast %get3A_230 : vector<1x1x1x128xf32> to vector<1x128xf32>
      %get3A_232 = arith.constant 1 : index
      %get3A_233 = arith.index_cast %scan3A_40 : i32 to index
      %get3A_234 = arith.constant 0 : index
      %get3A_235 = arith.constant 0 : index
      %get3A_236 = vector.load %arg6[%get3A_232, %get3A_233, %get3A_234, %get3A_235] : memref<2x40x1x128xf32, #tpu.memory_space<vmem>>, vector<1x1x1x128xf32>
      %get3A_237 = vector.shape_cast %get3A_236 : vector<1x1x1x128xf32> to vector<1x128xf32>
      %while3A = arith.constant 1.000000e+00 : f32
      %while3A_238:3 = scf.while (%while3A_325 = %get3A_231, %while3A_326 = %get3A_237, %while3A_327 = %while3A) : (vector<1x128xf32>, vector<1x128xf32>, f32) -> (vector<1x128xf32>, vector<1x128xf32>, f32) {
        %gt3A_328 = arith.constant 0.000000e+00 : f32
        %gt3A_329 = arith.cmpf ogt, %while3A_327, %gt3A_328 : f32
        scf.condition(%gt3A_329) %while3A_325, %while3A_326, %while3A_327 : vector<1x128xf32>, vector<1x128xf32>, f32
      } do {
      ^bb0(%while3A_325: vector<1x128xf32>, %while3A_326: vector<1x128xf32>, %while3A_327: f32):
        %dot_general3A = arith.constant dense<0.000000e+00> : vector<1x128xf32>
        %dot_general3A_328 = tpu.matmul %while3A_325, %select_n3A, %dot_general3A {dimension_numbers = #tpu.dot_dimension_numbers<[1], [0], [0], [1], [0, 0, 1, 1], [], []>, transpose_lhs_hint = false} : vector<1x128xf32>, vector<128x128xf32>, vector<1x128xf32> -> vector<1x128xf32>
        %gt3A_329 = arith.constant 5.000000e-01 : f32
        %gt3A_330 = vector.broadcast %gt3A_329 : f32 to vector<1x128xf32>
        %gt3A_331 = arith.cmpf ogt, %dot_general3A_328, %gt3A_330 : vector<1x128xf32>
        %jit3A_332 = arith.constant 0.000000e+00 : f32
        %broadcast_in_dim3A_333 = vector.broadcast %jit3A_332 : f32 to vector<1x128xf32>
        %select_n3A_334 = arith.select %gt3A_331, %broadcast_in_dim3A_333, %get3A_231 : vector<1x128xi1>, vector<1x128xf32>
        %dot_general3A_335 = arith.constant dense<0.000000e+00> : vector<1x128xf32>
        %dot_general3A_336 = tpu.matmul %while3A_326, %select_n3A_225, %dot_general3A_335 {dimension_numbers = #tpu.dot_dimension_numbers<[1], [0], [0], [1], [0, 0, 1, 1], [], []>, transpose_lhs_hint = false} : vector<1x128xf32>, vector<128x128xf32>, vector<1x128xf32> -> vector<1x128xf32>
        %gt3A_337 = arith.constant 5.000000e-01 : f32
        %gt3A_338 = vector.broadcast %gt3A_337 : f32 to vector<1x128xf32>
        %gt3A_339 = arith.cmpf ogt, %dot_general3A_336, %gt3A_338 : vector<1x128xf32>
        %jit3A_340 = arith.constant 0.000000e+00 : f32
        %broadcast_in_dim3A_341 = vector.broadcast %jit3A_340 : f32 to vector<1x128xf32>
        %select_n3A_342 = arith.select %gt3A_339, %broadcast_in_dim3A_341, %get3A_237 : vector<1x128xi1>, vector<1x128xf32>
        %sub3A_343 = arith.subf %select_n3A_334, %while3A_325 : vector<1x128xf32>
        %abs3A = math.absf %sub3A_343 : vector<1x128xf32>
        %reduce_sum3A = vector.shape_cast %abs3A : vector<1x128xf32> to vector<1x1x128xf32>
        %reduce_sum3A_344 = arith.constant dense<0.000000e+00> : vector<1xf32>
        %reduce_sum3A_345 = vector.multi_reduction <add>, %reduce_sum3A, %reduce_sum3A_344 [1, 2] : vector<1x1x128xf32> to vector<1xf32>
        %reduce_sum3A_346 = vector.shape_cast %reduce_sum3A_345 : vector<1xf32> to vector<1x1x1xf32>
        %reduce_sum3A_347 = vector.extract %reduce_sum3A_346[0, 0, 0] : f32 from vector<1x1x1xf32>
        %sub3A_348 = arith.subf %select_n3A_342, %while3A_326 : vector<1x128xf32>
        %abs3A_349 = math.absf %sub3A_348 : vector<1x128xf32>
        %reduce_sum3A_350 = vector.shape_cast %abs3A_349 : vector<1x128xf32> to vector<1x1x128xf32>
        %reduce_sum3A_351 = arith.constant dense<0.000000e+00> : vector<1xf32>
        %reduce_sum3A_352 = vector.multi_reduction <add>, %reduce_sum3A_350, %reduce_sum3A_351 [1, 2] : vector<1x1x128xf32> to vector<1xf32>
        %reduce_sum3A_353 = vector.shape_cast %reduce_sum3A_352 : vector<1xf32> to vector<1x1x1xf32>
        %reduce_sum3A_354 = vector.extract %reduce_sum3A_353[0, 0, 0] : f32 from vector<1x1x1xf32>
        %add3A_355 = arith.addf %reduce_sum3A_347, %reduce_sum3A_354 : f32
        scf.yield %select_n3A_334, %select_n3A_342, %add3A_355 : vector<1x128xf32>, vector<1x128xf32>, f32
      }
      %swap3A_239 = arith.constant 0 : index
      %swap3A_240 = arith.index_cast %scan3A_40 : i32 to index
      %swap3A_241 = arith.constant 0 : index
      %swap3A_242 = arith.constant 0 : index
      %swap3A_243 = vector.load %arg6[%swap3A_239, %swap3A_240, %swap3A_241, %swap3A_242] : memref<2x40x1x128xf32, #tpu.memory_space<vmem>>, vector<1x1x1x128xf32>
      %swap3A_244 = vector.shape_cast %swap3A_243 : vector<1x1x1x128xf32> to vector<1x128xf32>
      %swap3A_245 = vector.shape_cast %while3A_238#0 : vector<1x128xf32> to vector<1x1x1x128xf32>
      tpu.vector_store %arg6[%swap3A_239, %swap3A_240, %swap3A_241, %swap3A_242], %swap3A_245 {strides = array<i32>} : memref<2x40x1x128xf32, #tpu.memory_space<vmem>>, vector<1x1x1x128xf32>,
      %swap3A_246 = arith.constant 1 : index
      %swap3A_247 = arith.index_cast %scan3A_40 : i32 to index
      %swap3A_248 = arith.constant 0 : index
      %swap3A_249 = arith.constant 0 : index
      %swap3A_250 = vector.load %arg6[%swap3A_246, %swap3A_247, %swap3A_248, %swap3A_249] : memref<2x40x1x128xf32, #tpu.memory_space<vmem>>, vector<1x1x1x128xf32>
      %swap3A_251 = vector.shape_cast %swap3A_250 : vector<1x1x1x128xf32> to vector<1x128xf32>
      %swap3A_252 = vector.shape_cast %while3A_238#1 : vector<1x128xf32> to vector<1x1x1x128xf32>
      tpu.vector_store %arg6[%swap3A_246, %swap3A_247, %swap3A_248, %swap3A_249], %swap3A_252 {strides = array<i32>} : memref<2x40x1x128xf32, #tpu.memory_space<vmem>>, vector<1x1x1x128xf32>,
      %sub3A_253 = arith.constant 40 : i32
      %sub3A_254 = arith.subi %sub3A_253, %scan3A_40 : i32
      %sub3A_255 = arith.constant 1 : i32
      %sub3A_256 = arith.subi %sub3A_254, %sub3A_255 : i32
      %jit3A_257 = arith.constant 4 : i32
      %div3A_258 = arith.divsi %sub3A_256, %jit3A_257 : i32
      %sign3A = arith.constant 0 : i32
      %sign3A_259 = arith.cmpi sgt, %sub3A_256, %sign3A : i32
      %sign3A_260 = arith.extui %sign3A_259 : i1 to i32
      %sign3A_261 = arith.constant 0 : i32
      %sign3A_262 = arith.cmpi slt, %sub3A_256, %sign3A_261 : i32
      %sign3A_263 = arith.extui %sign3A_262 : i1 to i32
      %sign3A_264 = arith.subi %sign3A_260, %sign3A_263 : i32
      %sign3A_265 = arith.constant 0 : i32
      %sign3A_266 = arith.cmpi sgt, %jit3A_257, %sign3A_265 : i32
      %sign3A_267 = arith.extui %sign3A_266 : i1 to i32
      %sign3A_268 = arith.constant 0 : i32
      %sign3A_269 = arith.cmpi slt, %jit3A_257, %sign3A_268 : i32
      %sign3A_270 = arith.extui %sign3A_269 : i1 to i32
      %sign3A_271 = arith.subi %sign3A_267, %sign3A_270 : i32
      %ne3A = arith.cmpi ne, %sign3A_264, %sign3A_271 : i32
      %rem3A = arith.remsi %sub3A_256, %jit3A_257 : i32
      %ne3A_272 = arith.constant 0 : i32
      %ne3A_273 = arith.cmpi ne, %rem3A, %ne3A_272 : i32
      %and3A_274 = arith.andi %ne3A, %ne3A_273 : i1
      %sub3A_275 = arith.constant 1 : i32
      %sub3A_276 = arith.subi %div3A_258, %sub3A_275 : i32
      %select_n3A_277 = arith.select %and3A_274, %sub3A_276, %div3A_258 : i32
      %while3A_278 = arith.constant 0 : i32
      %while3A_279 = arith.subi %select_n3A_277, %while3A_278 : i32
      %while3A_280 = arith.addi %while3A_278, %while3A_279 : i32
      %while3A_281 = arith.constant 1 : i32
      %while3A_282 = arith.divsi %while3A_279, %while3A_281 : i32
      %while3A_283 = arith.muli %while3A_282, %while3A_281 : i32
      %while3A_284 = arith.addi %while3A_278, %while3A_283 : i32
      %while3A_285 = arith.constant 1 : i32
      scf.for %while3A_325 = %while3A_278 to %while3A_284 step %while3A_285  : i32 {
        %add3A_326 = arith.constant 1 : i32
        %add3A_327 = arith.addi %scan3A_40, %add3A_326 : i32
        %mul3A_328 = arith.constant 4 : i32
        %mul3A_329 = arith.muli %mul3A_328, %while3A_325 : i32
        %add3A_330 = arith.addi %add3A_327, %mul3A_329 : i32
        %add3A_331 = arith.constant 0 : i32
        %add3A_332 = arith.addi %add3A_330, %add3A_331 : i32
        %get3A_333 = arith.constant 0 : index
        %get3A_334 = arith.index_cast %add3A_332 : i32 to index
        %get3A_335 = arith.constant 0 : index
        %get3A_336 = arith.constant 0 : index
        %get3A_337 = vector.load %arg7[%get3A_333, %get3A_334, %get3A_335, %get3A_336] : memref<2x40x8x128xf32, #tpu.memory_space<vmem>>, vector<1x1x8x128xf32>
        %get3A_338 = vector.shape_cast %get3A_337 : vector<1x1x8x128xf32> to vector<8x128xf32>
        %slice3A_339 = vector.extract_strided_slice %get3A_338 {offsets = [0, 0], sizes = [1, 128], strides = [1, 1]} : vector<8x128xf32> to vector<1x128xf32>
        %slice3A_340 = vector.extract_strided_slice %get3A_338 {offsets = [1, 0], sizes = [1, 128], strides = [1, 1]} : vector<8x128xf32> to vector<1x128xf32>
        %slice3A_341 = vector.extract_strided_slice %get3A_338 {offsets = [2, 0], sizes = [1, 128], strides = [1, 1]} : vector<8x128xf32> to vector<1x128xf32>
        %slice3A_342 = vector.extract_strided_slice %get3A_338 {offsets = [3, 0], sizes = [1, 128], strides = [1, 1]} : vector<8x128xf32> to vector<1x128xf32>
        %slice3A_343 = vector.extract_strided_slice %get3A_338 {offsets = [4, 0], sizes = [1, 128], strides = [1, 1]} : vector<8x128xf32> to vector<1x128xf32>
        %slice3A_344 = vector.extract_strided_slice %get3A_338 {offsets = [5, 0], sizes = [1, 128], strides = [1, 1]} : vector<8x128xf32> to vector<1x128xf32>
        %slice3A_345 = vector.extract_strided_slice %get3A_338 {offsets = [6, 0], sizes = [1, 128], strides = [1, 1]} : vector<8x128xf32> to vector<1x128xf32>
        %min3A_346 = vector.broadcast %add3A : vector<128x1xf32> to vector<128x128xf32>
        %min3A_347 = vector.broadcast %slice3A_342 : vector<1x128xf32> to vector<128x128xf32>
        %min3A_348 = arith.minimumf %min3A_346, %min3A_347 : vector<128x128xf32>
        %max3A_349 = vector.broadcast %sub3A : vector<128x1xf32> to vector<128x128xf32>
        %max3A_350 = vector.broadcast %slice3A_339 : vector<1x128xf32> to vector<128x128xf32>
        %max3A_351 = arith.maximumf %max3A_349, %max3A_350 : vector<128x128xf32>
        %sub3A_352 = arith.subf %min3A_348, %max3A_351 : vector<128x128xf32>
        %max3A_353 = arith.constant 0.000000e+00 : f32
        %max3A_354 = vector.broadcast %max3A_353 : f32 to vector<128x128xf32>
        %max3A_355 = arith.maximumf %sub3A_352, %max3A_354 : vector<128x128xf32>
        %min3A_356 = vector.broadcast %add3A_68 : vector<128x1xf32> to vector<128x128xf32>
        %min3A_357 = vector.broadcast %slice3A_343 : vector<1x128xf32> to vector<128x128xf32>
        %min3A_358 = arith.minimumf %min3A_356, %min3A_357 : vector<128x128xf32>
        %max3A_359 = vector.broadcast %sub3A_57 : vector<128x1xf32> to vector<128x128xf32>
        %max3A_360 = vector.broadcast %slice3A_340 : vector<1x128xf32> to vector<128x128xf32>
        %max3A_361 = arith.maximumf %max3A_359, %max3A_360 : vector<128x128xf32>
        %sub3A_362 = arith.subf %min3A_358, %max3A_361 : vector<128x128xf32>
        %max3A_363 = arith.constant 0.000000e+00 : f32
        %max3A_364 = vector.broadcast %max3A_363 : f32 to vector<128x128xf32>
        %max3A_365 = arith.maximumf %sub3A_362, %max3A_364 : vector<128x128xf32>
        %min3A_366 = vector.broadcast %add3A_72 : vector<128x1xf32> to vector<128x128xf32>
        %min3A_367 = vector.broadcast %slice3A_344 : vector<1x128xf32> to vector<128x128xf32>
        %min3A_368 = arith.minimumf %min3A_366, %min3A_367 : vector<128x128xf32>
        %max3A_369 = vector.broadcast %sub3A_61 : vector<128x1xf32> to vector<128x128xf32>
        %max3A_370 = vector.broadcast %slice3A_341 : vector<1x128xf32> to vector<128x128xf32>
        %max3A_371 = arith.maximumf %max3A_369, %max3A_370 : vector<128x128xf32>
        %sub3A_372 = arith.subf %min3A_368, %max3A_371 : vector<128x128xf32>
        %max3A_373 = arith.constant 0.000000e+00 : f32
        %max3A_374 = vector.broadcast %max3A_373 : f32 to vector<128x128xf32>
        %max3A_375 = arith.maximumf %sub3A_372, %max3A_374 : vector<128x128xf32>
        %mul3A_376 = arith.mulf %max3A_355, %max3A_365 : vector<128x128xf32>
        %mul3A_377 = arith.mulf %mul3A_376, %max3A_375 : vector<128x128xf32>
        %add3A_378 = vector.broadcast %mul3A_74 : vector<128x1xf32> to vector<128x128xf32>
        %add3A_379 = vector.broadcast %slice3A_345 : vector<1x128xf32> to vector<128x128xf32>
        %add3A_380 = arith.addf %add3A_378, %add3A_379 : vector<128x128xf32>
        %sub3A_381 = arith.subf %add3A_380, %mul3A_377 : vector<128x128xf32>
        %div3A_382 = arith.divf %mul3A_377, %sub3A_381 : vector<128x128xf32>
        %ge3A_383 = arith.constant 5.000000e-01 : f32
        %ge3A_384 = vector.broadcast %ge3A_383 : f32 to vector<128x128xf32>
        %ge3A_385 = arith.cmpf oge, %div3A_382, %ge3A_384 : vector<128x128xf32>
        %jit3A_386 = arith.constant 1.000000e+00 : f32
        %jit3A_387 = arith.constant 0.000000e+00 : f32
        %broadcast_in_dim3A_388 = vector.broadcast %jit3A_386 : f32 to vector<128x128xf32>
        %broadcast_in_dim3A_389 = vector.broadcast %jit3A_387 : f32 to vector<128x128xf32>
        %select_n3A_390 = arith.select %ge3A_385, %broadcast_in_dim3A_388, %broadcast_in_dim3A_389 : vector<128x128xi1>, vector<128x128xf32>
        %add3A_391 = arith.constant 1 : i32
        %add3A_392 = arith.addi %add3A_330, %add3A_391 : i32
        %get3A_393 = arith.constant 0 : index
        %get3A_394 = arith.index_cast %add3A_392 : i32 to index
        %get3A_395 = arith.constant 0 : index
        %get3A_396 = arith.constant 0 : index
        %get3A_397 = vector.load %arg7[%get3A_393, %get3A_394, %get3A_395, %get3A_396] : memref<2x40x8x128xf32, #tpu.memory_space<vmem>>, vector<1x1x8x128xf32>
        %get3A_398 = vector.shape_cast %get3A_397 : vector<1x1x8x128xf32> to vector<8x128xf32>
        %slice3A_399 = vector.extract_strided_slice %get3A_398 {offsets = [0, 0], sizes = [1, 128], strides = [1, 1]} : vector<8x128xf32> to vector<1x128xf32>
        %slice3A_400 = vector.extract_strided_slice %get3A_398 {offsets = [1, 0], sizes = [1, 128], strides = [1, 1]} : vector<8x128xf32> to vector<1x128xf32>
        %slice3A_401 = vector.extract_strided_slice %get3A_398 {offsets = [2, 0], sizes = [1, 128], strides = [1, 1]} : vector<8x128xf32> to vector<1x128xf32>
        %slice3A_402 = vector.extract_strided_slice %get3A_398 {offsets = [3, 0], sizes = [1, 128], strides = [1, 1]} : vector<8x128xf32> to vector<1x128xf32>
        %slice3A_403 = vector.extract_strided_slice %get3A_398 {offsets = [4, 0], sizes = [1, 128], strides = [1, 1]} : vector<8x128xf32> to vector<1x128xf32>
        %slice3A_404 = vector.extract_strided_slice %get3A_398 {offsets = [5, 0], sizes = [1, 128], strides = [1, 1]} : vector<8x128xf32> to vector<1x128xf32>
        %slice3A_405 = vector.extract_strided_slice %get3A_398 {offsets = [6, 0], sizes = [1, 128], strides = [1, 1]} : vector<8x128xf32> to vector<1x128xf32>
        %min3A_406 = vector.broadcast %add3A : vector<128x1xf32> to vector<128x128xf32>
        %min3A_407 = vector.broadcast %slice3A_402 : vector<1x128xf32> to vector<128x128xf32>
        %min3A_408 = arith.minimumf %min3A_406, %min3A_407 : vector<128x128xf32>
        %max3A_409 = vector.broadcast %sub3A : vector<128x1xf32> to vector<128x128xf32>
        %max3A_410 = vector.broadcast %slice3A_399 : vector<1x128xf32> to vector<128x128xf32>
        %max3A_411 = arith.maximumf %max3A_409, %max3A_410 : vector<128x128xf32>
        %sub3A_412 = arith.subf %min3A_408, %max3A_411 : vector<128x128xf32>
        %max3A_413 = arith.constant 0.000000e+00 : f32
        %max3A_414 = vector.broadcast %max3A_413 : f32 to vector<128x128xf32>
        %max3A_415 = arith.maximumf %sub3A_412, %max3A_414 : vector<128x128xf32>
        %min3A_416 = vector.broadcast %add3A_68 : vector<128x1xf32> to vector<128x128xf32>
        %min3A_417 = vector.broadcast %slice3A_403 : vector<1x128xf32> to vector<128x128xf32>
        %min3A_418 = arith.minimumf %min3A_416, %min3A_417 : vector<128x128xf32>
        %max3A_419 = vector.broadcast %sub3A_57 : vector<128x1xf32> to vector<128x128xf32>
        %max3A_420 = vector.broadcast %slice3A_400 : vector<1x128xf32> to vector<128x128xf32>
        %max3A_421 = arith.maximumf %max3A_419, %max3A_420 : vector<128x128xf32>
        %sub3A_422 = arith.subf %min3A_418, %max3A_421 : vector<128x128xf32>
        %max3A_423 = arith.constant 0.000000e+00 : f32
        %max3A_424 = vector.broadcast %max3A_423 : f32 to vector<128x128xf32>
        %max3A_425 = arith.maximumf %sub3A_422, %max3A_424 : vector<128x128xf32>
        %min3A_426 = vector.broadcast %add3A_72 : vector<128x1xf32> to vector<128x128xf32>
        %min3A_427 = vector.broadcast %slice3A_404 : vector<1x128xf32> to vector<128x128xf32>
        %min3A_428 = arith.minimumf %min3A_426, %min3A_427 : vector<128x128xf32>
        %max3A_429 = vector.broadcast %sub3A_61 : vector<128x1xf32> to vector<128x128xf32>
        %max3A_430 = vector.broadcast %slice3A_401 : vector<1x128xf32> to vector<128x128xf32>
        %max3A_431 = arith.maximumf %max3A_429, %max3A_430 : vector<128x128xf32>
        %sub3A_432 = arith.subf %min3A_428, %max3A_431 : vector<128x128xf32>
        %max3A_433 = arith.constant 0.000000e+00 : f32
        %max3A_434 = vector.broadcast %max3A_433 : f32 to vector<128x128xf32>
        %max3A_435 = arith.maximumf %sub3A_432, %max3A_434 : vector<128x128xf32>
        %mul3A_436 = arith.mulf %max3A_415, %max3A_425 : vector<128x128xf32>
        %mul3A_437 = arith.mulf %mul3A_436, %max3A_435 : vector<128x128xf32>
        %add3A_438 = vector.broadcast %mul3A_74 : vector<128x1xf32> to vector<128x128xf32>
        %add3A_439 = vector.broadcast %slice3A_405 : vector<1x128xf32> to vector<128x128xf32>
        %add3A_440 = arith.addf %add3A_438, %add3A_439 : vector<128x128xf32>
        %sub3A_441 = arith.subf %add3A_440, %mul3A_437 : vector<128x128xf32>
        %div3A_442 = arith.divf %mul3A_437, %sub3A_441 : vector<128x128xf32>
        %ge3A_443 = arith.constant 5.000000e-01 : f32
        %ge3A_444 = vector.broadcast %ge3A_443 : f32 to vector<128x128xf32>
        %ge3A_445 = arith.cmpf oge, %div3A_442, %ge3A_444 : vector<128x128xf32>
        %jit3A_446 = arith.constant 1.000000e+00 : f32
        %jit3A_447 = arith.constant 0.000000e+00 : f32
        %broadcast_in_dim3A_448 = vector.broadcast %jit3A_446 : f32 to vector<128x128xf32>
        %broadcast_in_dim3A_449 = vector.broadcast %jit3A_447 : f32 to vector<128x128xf32>
        %select_n3A_450 = arith.select %ge3A_445, %broadcast_in_dim3A_448, %broadcast_in_dim3A_449 : vector<128x128xi1>, vector<128x128xf32>
        %add3A_451 = arith.constant 2 : i32
        %add3A_452 = arith.addi %add3A_330, %add3A_451 : i32
        %get3A_453 = arith.constant 0 : index
        %get3A_454 = arith.index_cast %add3A_452 : i32 to index
        %get3A_455 = arith.constant 0 : index
        %get3A_456 = arith.constant 0 : index
        %get3A_457 = vector.load %arg7[%get3A_453, %get3A_454, %get3A_455, %get3A_456] : memref<2x40x8x128xf32, #tpu.memory_space<vmem>>, vector<1x1x8x128xf32>
        %get3A_458 = vector.shape_cast %get3A_457 : vector<1x1x8x128xf32> to vector<8x128xf32>
        %slice3A_459 = vector.extract_strided_slice %get3A_458 {offsets = [0, 0], sizes = [1, 128], strides = [1, 1]} : vector<8x128xf32> to vector<1x128xf32>
        %slice3A_460 = vector.extract_strided_slice %get3A_458 {offsets = [1, 0], sizes = [1, 128], strides = [1, 1]} : vector<8x128xf32> to vector<1x128xf32>
        %slice3A_461 = vector.extract_strided_slice %get3A_458 {offsets = [2, 0], sizes = [1, 128], strides = [1, 1]} : vector<8x128xf32> to vector<1x128xf32>
        %slice3A_462 = vector.extract_strided_slice %get3A_458 {offsets = [3, 0], sizes = [1, 128], strides = [1, 1]} : vector<8x128xf32> to vector<1x128xf32>
        %slice3A_463 = vector.extract_strided_slice %get3A_458 {offsets = [4, 0], sizes = [1, 128], strides = [1, 1]} : vector<8x128xf32> to vector<1x128xf32>
        %slice3A_464 = vector.extract_strided_slice %get3A_458 {offsets = [5, 0], sizes = [1, 128], strides = [1, 1]} : vector<8x128xf32> to vector<1x128xf32>
        %slice3A_465 = vector.extract_strided_slice %get3A_458 {offsets = [6, 0], sizes = [1, 128], strides = [1, 1]} : vector<8x128xf32> to vector<1x128xf32>
        %min3A_466 = vector.broadcast %add3A : vector<128x1xf32> to vector<128x128xf32>
        %min3A_467 = vector.broadcast %slice3A_462 : vector<1x128xf32> to vector<128x128xf32>
        %min3A_468 = arith.minimumf %min3A_466, %min3A_467 : vector<128x128xf32>
        %max3A_469 = vector.broadcast %sub3A : vector<128x1xf32> to vector<128x128xf32>
        %max3A_470 = vector.broadcast %slice3A_459 : vector<1x128xf32> to vector<128x128xf32>
        %max3A_471 = arith.maximumf %max3A_469, %max3A_470 : vector<128x128xf32>
        %sub3A_472 = arith.subf %min3A_468, %max3A_471 : vector<128x128xf32>
        %max3A_473 = arith.constant 0.000000e+00 : f32
        %max3A_474 = vector.broadcast %max3A_473 : f32 to vector<128x128xf32>
        %max3A_475 = arith.maximumf %sub3A_472, %max3A_474 : vector<128x128xf32>
        %min3A_476 = vector.broadcast %add3A_68 : vector<128x1xf32> to vector<128x128xf32>
        %min3A_477 = vector.broadcast %slice3A_463 : vector<1x128xf32> to vector<128x128xf32>
        %min3A_478 = arith.minimumf %min3A_476, %min3A_477 : vector<128x128xf32>
        %max3A_479 = vector.broadcast %sub3A_57 : vector<128x1xf32> to vector<128x128xf32>
        %max3A_480 = vector.broadcast %slice3A_460 : vector<1x128xf32> to vector<128x128xf32>
        %max3A_481 = arith.maximumf %max3A_479, %max3A_480 : vector<128x128xf32>
        %sub3A_482 = arith.subf %min3A_478, %max3A_481 : vector<128x128xf32>
        %max3A_483 = arith.constant 0.000000e+00 : f32
        %max3A_484 = vector.broadcast %max3A_483 : f32 to vector<128x128xf32>
        %max3A_485 = arith.maximumf %sub3A_482, %max3A_484 : vector<128x128xf32>
        %min3A_486 = vector.broadcast %add3A_72 : vector<128x1xf32> to vector<128x128xf32>
        %min3A_487 = vector.broadcast %slice3A_464 : vector<1x128xf32> to vector<128x128xf32>
        %min3A_488 = arith.minimumf %min3A_486, %min3A_487 : vector<128x128xf32>
        %max3A_489 = vector.broadcast %sub3A_61 : vector<128x1xf32> to vector<128x128xf32>
        %max3A_490 = vector.broadcast %slice3A_461 : vector<1x128xf32> to vector<128x128xf32>
        %max3A_491 = arith.maximumf %max3A_489, %max3A_490 : vector<128x128xf32>
        %sub3A_492 = arith.subf %min3A_488, %max3A_491 : vector<128x128xf32>
        %max3A_493 = arith.constant 0.000000e+00 : f32
        %max3A_494 = vector.broadcast %max3A_493 : f32 to vector<128x128xf32>
        %max3A_495 = arith.maximumf %sub3A_492, %max3A_494 : vector<128x128xf32>
        %mul3A_496 = arith.mulf %max3A_475, %max3A_485 : vector<128x128xf32>
        %mul3A_497 = arith.mulf %mul3A_496, %max3A_495 : vector<128x128xf32>
        %add3A_498 = vector.broadcast %mul3A_74 : vector<128x1xf32> to vector<128x128xf32>
        %add3A_499 = vector.broadcast %slice3A_465 : vector<1x128xf32> to vector<128x128xf32>
        %add3A_500 = arith.addf %add3A_498, %add3A_499 : vector<128x128xf32>
        %sub3A_501 = arith.subf %add3A_500, %mul3A_497 : vector<128x128xf32>
        %div3A_502 = arith.divf %mul3A_497, %sub3A_501 : vector<128x128xf32>
        %ge3A_503 = arith.constant 5.000000e-01 : f32
        %ge3A_504 = vector.broadcast %ge3A_503 : f32 to vector<128x128xf32>
        %ge3A_505 = arith.cmpf oge, %div3A_502, %ge3A_504 : vector<128x128xf32>
        %jit3A_506 = arith.constant 1.000000e+00 : f32
        %jit3A_507 = arith.constant 0.000000e+00 : f32
        %broadcast_in_dim3A_508 = vector.broadcast %jit3A_506 : f32 to vector<128x128xf32>
        %broadcast_in_dim3A_509 = vector.broadcast %jit3A_507 : f32 to vector<128x128xf32>
        %select_n3A_510 = arith.select %ge3A_505, %broadcast_in_dim3A_508, %broadcast_in_dim3A_509 : vector<128x128xi1>, vector<128x128xf32>
        %add3A_511 = arith.constant 3 : i32
        %add3A_512 = arith.addi %add3A_330, %add3A_511 : i32
        %get3A_513 = arith.constant 0 : index
        %get3A_514 = arith.index_cast %add3A_512 : i32 to index
        %get3A_515 = arith.constant 0 : index
        %get3A_516 = arith.constant 0 : index
        %get3A_517 = vector.load %arg7[%get3A_513, %get3A_514, %get3A_515, %get3A_516] : memref<2x40x8x128xf32, #tpu.memory_space<vmem>>, vector<1x1x8x128xf32>
        %get3A_518 = vector.shape_cast %get3A_517 : vector<1x1x8x128xf32> to vector<8x128xf32>
        %slice3A_519 = vector.extract_strided_slice %get3A_518 {offsets = [0, 0], sizes = [1, 128], strides = [1, 1]} : vector<8x128xf32> to vector<1x128xf32>
        %slice3A_520 = vector.extract_strided_slice %get3A_518 {offsets = [1, 0], sizes = [1, 128], strides = [1, 1]} : vector<8x128xf32> to vector<1x128xf32>
        %slice3A_521 = vector.extract_strided_slice %get3A_518 {offsets = [2, 0], sizes = [1, 128], strides = [1, 1]} : vector<8x128xf32> to vector<1x128xf32>
        %slice3A_522 = vector.extract_strided_slice %get3A_518 {offsets = [3, 0], sizes = [1, 128], strides = [1, 1]} : vector<8x128xf32> to vector<1x128xf32>
        %slice3A_523 = vector.extract_strided_slice %get3A_518 {offsets = [4, 0], sizes = [1, 128], strides = [1, 1]} : vector<8x128xf32> to vector<1x128xf32>
        %slice3A_524 = vector.extract_strided_slice %get3A_518 {offsets = [5, 0], sizes = [1, 128], strides = [1, 1]} : vector<8x128xf32> to vector<1x128xf32>
        %slice3A_525 = vector.extract_strided_slice %get3A_518 {offsets = [6, 0], sizes = [1, 128], strides = [1, 1]} : vector<8x128xf32> to vector<1x128xf32>
        %min3A_526 = vector.broadcast %add3A : vector<128x1xf32> to vector<128x128xf32>
        %min3A_527 = vector.broadcast %slice3A_522 : vector<1x128xf32> to vector<128x128xf32>
        %min3A_528 = arith.minimumf %min3A_526, %min3A_527 : vector<128x128xf32>
        %max3A_529 = vector.broadcast %sub3A : vector<128x1xf32> to vector<128x128xf32>
        %max3A_530 = vector.broadcast %slice3A_519 : vector<1x128xf32> to vector<128x128xf32>
        %max3A_531 = arith.maximumf %max3A_529, %max3A_530 : vector<128x128xf32>
        %sub3A_532 = arith.subf %min3A_528, %max3A_531 : vector<128x128xf32>
        %max3A_533 = arith.constant 0.000000e+00 : f32
        %max3A_534 = vector.broadcast %max3A_533 : f32 to vector<128x128xf32>
        %max3A_535 = arith.maximumf %sub3A_532, %max3A_534 : vector<128x128xf32>
        %min3A_536 = vector.broadcast %add3A_68 : vector<128x1xf32> to vector<128x128xf32>
        %min3A_537 = vector.broadcast %slice3A_523 : vector<1x128xf32> to vector<128x128xf32>
        %min3A_538 = arith.minimumf %min3A_536, %min3A_537 : vector<128x128xf32>
        %max3A_539 = vector.broadcast %sub3A_57 : vector<128x1xf32> to vector<128x128xf32>
        %max3A_540 = vector.broadcast %slice3A_520 : vector<1x128xf32> to vector<128x128xf32>
        %max3A_541 = arith.maximumf %max3A_539, %max3A_540 : vector<128x128xf32>
        %sub3A_542 = arith.subf %min3A_538, %max3A_541 : vector<128x128xf32>
        %max3A_543 = arith.constant 0.000000e+00 : f32
        %max3A_544 = vector.broadcast %max3A_543 : f32 to vector<128x128xf32>
        %max3A_545 = arith.maximumf %sub3A_542, %max3A_544 : vector<128x128xf32>
        %min3A_546 = vector.broadcast %add3A_72 : vector<128x1xf32> to vector<128x128xf32>
        %min3A_547 = vector.broadcast %slice3A_524 : vector<1x128xf32> to vector<128x128xf32>
        %min3A_548 = arith.minimumf %min3A_546, %min3A_547 : vector<128x128xf32>
        %max3A_549 = vector.broadcast %sub3A_61 : vector<128x1xf32> to vector<128x128xf32>
        %max3A_550 = vector.broadcast %slice3A_521 : vector<1x128xf32> to vector<128x128xf32>
        %max3A_551 = arith.maximumf %max3A_549, %max3A_550 : vector<128x128xf32>
        %sub3A_552 = arith.subf %min3A_548, %max3A_551 : vector<128x128xf32>
        %max3A_553 = arith.constant 0.000000e+00 : f32
        %max3A_554 = vector.broadcast %max3A_553 : f32 to vector<128x128xf32>
        %max3A_555 = arith.maximumf %sub3A_552, %max3A_554 : vector<128x128xf32>
        %mul3A_556 = arith.mulf %max3A_535, %max3A_545 : vector<128x128xf32>
        %mul3A_557 = arith.mulf %mul3A_556, %max3A_555 : vector<128x128xf32>
        %add3A_558 = vector.broadcast %mul3A_74 : vector<128x1xf32> to vector<128x128xf32>
        %add3A_559 = vector.broadcast %slice3A_525 : vector<1x128xf32> to vector<128x128xf32>
        %add3A_560 = arith.addf %add3A_558, %add3A_559 : vector<128x128xf32>
        %sub3A_561 = arith.subf %add3A_560, %mul3A_557 : vector<128x128xf32>
        %div3A_562 = arith.divf %mul3A_557, %sub3A_561 : vector<128x128xf32>
        %ge3A_563 = arith.constant 5.000000e-01 : f32
        %ge3A_564 = vector.broadcast %ge3A_563 : f32 to vector<128x128xf32>
        %ge3A_565 = arith.cmpf oge, %div3A_562, %ge3A_564 : vector<128x128xf32>
        %jit3A_566 = arith.constant 1.000000e+00 : f32
        %jit3A_567 = arith.constant 0.000000e+00 : f32
        %broadcast_in_dim3A_568 = vector.broadcast %jit3A_566 : f32 to vector<128x128xf32>
        %broadcast_in_dim3A_569 = vector.broadcast %jit3A_567 : f32 to vector<128x128xf32>
        %select_n3A_570 = arith.select %ge3A_565, %broadcast_in_dim3A_568, %broadcast_in_dim3A_569 : vector<128x128xi1>, vector<128x128xf32>
        %add3A_571 = arith.constant 0 : i32
        %add3A_572 = arith.addi %add3A_330, %add3A_571 : i32
        %get3A_573 = arith.constant 1 : index
        %get3A_574 = arith.index_cast %add3A_572 : i32 to index
        %get3A_575 = arith.constant 0 : index
        %get3A_576 = arith.constant 0 : index
        %get3A_577 = vector.load %arg7[%get3A_573, %get3A_574, %get3A_575, %get3A_576] : memref<2x40x8x128xf32, #tpu.memory_space<vmem>>, vector<1x1x8x128xf32>
        %get3A_578 = vector.shape_cast %get3A_577 : vector<1x1x8x128xf32> to vector<8x128xf32>
        %slice3A_579 = vector.extract_strided_slice %get3A_578 {offsets = [0, 0], sizes = [1, 128], strides = [1, 1]} : vector<8x128xf32> to vector<1x128xf32>
        %slice3A_580 = vector.extract_strided_slice %get3A_578 {offsets = [1, 0], sizes = [1, 128], strides = [1, 1]} : vector<8x128xf32> to vector<1x128xf32>
        %slice3A_581 = vector.extract_strided_slice %get3A_578 {offsets = [2, 0], sizes = [1, 128], strides = [1, 1]} : vector<8x128xf32> to vector<1x128xf32>
        %slice3A_582 = vector.extract_strided_slice %get3A_578 {offsets = [3, 0], sizes = [1, 128], strides = [1, 1]} : vector<8x128xf32> to vector<1x128xf32>
        %slice3A_583 = vector.extract_strided_slice %get3A_578 {offsets = [4, 0], sizes = [1, 128], strides = [1, 1]} : vector<8x128xf32> to vector<1x128xf32>
        %slice3A_584 = vector.extract_strided_slice %get3A_578 {offsets = [5, 0], sizes = [1, 128], strides = [1, 1]} : vector<8x128xf32> to vector<1x128xf32>
        %slice3A_585 = vector.extract_strided_slice %get3A_578 {offsets = [6, 0], sizes = [1, 128], strides = [1, 1]} : vector<8x128xf32> to vector<1x128xf32>
        %min3A_586 = vector.broadcast %add3A_102 : vector<128x1xf32> to vector<128x128xf32>
        %min3A_587 = vector.broadcast %slice3A_582 : vector<1x128xf32> to vector<128x128xf32>
        %min3A_588 = arith.minimumf %min3A_586, %min3A_587 : vector<128x128xf32>
        %max3A_589 = vector.broadcast %sub3A_90 : vector<128x1xf32> to vector<128x128xf32>
        %max3A_590 = vector.broadcast %slice3A_579 : vector<1x128xf32> to vector<128x128xf32>
        %max3A_591 = arith.maximumf %max3A_589, %max3A_590 : vector<128x128xf32>
        %sub3A_592 = arith.subf %min3A_588, %max3A_591 : vector<128x128xf32>
        %max3A_593 = arith.constant 0.000000e+00 : f32
        %max3A_594 = vector.broadcast %max3A_593 : f32 to vector<128x128xf32>
        %max3A_595 = arith.maximumf %sub3A_592, %max3A_594 : vector<128x128xf32>
        %min3A_596 = vector.broadcast %add3A_106 : vector<128x1xf32> to vector<128x128xf32>
        %min3A_597 = vector.broadcast %slice3A_583 : vector<1x128xf32> to vector<128x128xf32>
        %min3A_598 = arith.minimumf %min3A_596, %min3A_597 : vector<128x128xf32>
        %max3A_599 = vector.broadcast %sub3A_94 : vector<128x1xf32> to vector<128x128xf32>
        %max3A_600 = vector.broadcast %slice3A_580 : vector<1x128xf32> to vector<128x128xf32>
        %max3A_601 = arith.maximumf %max3A_599, %max3A_600 : vector<128x128xf32>
        %sub3A_602 = arith.subf %min3A_598, %max3A_601 : vector<128x128xf32>
        %max3A_603 = arith.constant 0.000000e+00 : f32
        %max3A_604 = vector.broadcast %max3A_603 : f32 to vector<128x128xf32>
        %max3A_605 = arith.maximumf %sub3A_602, %max3A_604 : vector<128x128xf32>
        %min3A_606 = vector.broadcast %add3A_110 : vector<128x1xf32> to vector<128x128xf32>
        %min3A_607 = vector.broadcast %slice3A_584 : vector<1x128xf32> to vector<128x128xf32>
        %min3A_608 = arith.minimumf %min3A_606, %min3A_607 : vector<128x128xf32>
        %max3A_609 = vector.broadcast %sub3A_98 : vector<128x1xf32> to vector<128x128xf32>
        %max3A_610 = vector.broadcast %slice3A_581 : vector<1x128xf32> to vector<128x128xf32>
        %max3A_611 = arith.maximumf %max3A_609, %max3A_610 : vector<128x128xf32>
        %sub3A_612 = arith.subf %min3A_608, %max3A_611 : vector<128x128xf32>
        %max3A_613 = arith.constant 0.000000e+00 : f32
        %max3A_614 = vector.broadcast %max3A_613 : f32 to vector<128x128xf32>
        %max3A_615 = arith.maximumf %sub3A_612, %max3A_614 : vector<128x128xf32>
        %mul3A_616 = arith.mulf %max3A_595, %max3A_605 : vector<128x128xf32>
        %mul3A_617 = arith.mulf %mul3A_616, %max3A_615 : vector<128x128xf32>
        %add3A_618 = vector.broadcast %mul3A_112 : vector<128x1xf32> to vector<128x128xf32>
        %add3A_619 = vector.broadcast %slice3A_585 : vector<1x128xf32> to vector<128x128xf32>
        %add3A_620 = arith.addf %add3A_618, %add3A_619 : vector<128x128xf32>
        %sub3A_621 = arith.subf %add3A_620, %mul3A_617 : vector<128x128xf32>
        %div3A_622 = arith.divf %mul3A_617, %sub3A_621 : vector<128x128xf32>
        %ge3A_623 = arith.constant 5.000000e-01 : f32
        %ge3A_624 = vector.broadcast %ge3A_623 : f32 to vector<128x128xf32>
        %ge3A_625 = arith.cmpf oge, %div3A_622, %ge3A_624 : vector<128x128xf32>
        %jit3A_626 = arith.constant 1.000000e+00 : f32
        %jit3A_627 = arith.constant 0.000000e+00 : f32
        %broadcast_in_dim3A_628 = vector.broadcast %jit3A_626 : f32 to vector<128x128xf32>
        %broadcast_in_dim3A_629 = vector.broadcast %jit3A_627 : f32 to vector<128x128xf32>
        %select_n3A_630 = arith.select %ge3A_625, %broadcast_in_dim3A_628, %broadcast_in_dim3A_629 : vector<128x128xi1>, vector<128x128xf32>
        %add3A_631 = arith.constant 1 : i32
        %add3A_632 = arith.addi %add3A_330, %add3A_631 : i32
        %get3A_633 = arith.constant 1 : index
        %get3A_634 = arith.index_cast %add3A_632 : i32 to index
        %get3A_635 = arith.constant 0 : index
        %get3A_636 = arith.constant 0 : index
        %get3A_637 = vector.load %arg7[%get3A_633, %get3A_634, %get3A_635, %get3A_636] : memref<2x40x8x128xf32, #tpu.memory_space<vmem>>, vector<1x1x8x128xf32>
        %get3A_638 = vector.shape_cast %get3A_637 : vector<1x1x8x128xf32> to vector<8x128xf32>
        %slice3A_639 = vector.extract_strided_slice %get3A_638 {offsets = [0, 0], sizes = [1, 128], strides = [1, 1]} : vector<8x128xf32> to vector<1x128xf32>
        %slice3A_640 = vector.extract_strided_slice %get3A_638 {offsets = [1, 0], sizes = [1, 128], strides = [1, 1]} : vector<8x128xf32> to vector<1x128xf32>
        %slice3A_641 = vector.extract_strided_slice %get3A_638 {offsets = [2, 0], sizes = [1, 128], strides = [1, 1]} : vector<8x128xf32> to vector<1x128xf32>
        %slice3A_642 = vector.extract_strided_slice %get3A_638 {offsets = [3, 0], sizes = [1, 128], strides = [1, 1]} : vector<8x128xf32> to vector<1x128xf32>
        %slice3A_643 = vector.extract_strided_slice %get3A_638 {offsets = [4, 0], sizes = [1, 128], strides = [1, 1]} : vector<8x128xf32> to vector<1x128xf32>
        %slice3A_644 = vector.extract_strided_slice %get3A_638 {offsets = [5, 0], sizes = [1, 128], strides = [1, 1]} : vector<8x128xf32> to vector<1x128xf32>
        %slice3A_645 = vector.extract_strided_slice %get3A_638 {offsets = [6, 0], sizes = [1, 128], strides = [1, 1]} : vector<8x128xf32> to vector<1x128xf32>
        %min3A_646 = vector.broadcast %add3A_102 : vector<128x1xf32> to vector<128x128xf32>
        %min3A_647 = vector.broadcast %slice3A_642 : vector<1x128xf32> to vector<128x128xf32>
        %min3A_648 = arith.minimumf %min3A_646, %min3A_647 : vector<128x128xf32>
        %max3A_649 = vector.broadcast %sub3A_90 : vector<128x1xf32> to vector<128x128xf32>
        %max3A_650 = vector.broadcast %slice3A_639 : vector<1x128xf32> to vector<128x128xf32>
        %max3A_651 = arith.maximumf %max3A_649, %max3A_650 : vector<128x128xf32>
        %sub3A_652 = arith.subf %min3A_648, %max3A_651 : vector<128x128xf32>
        %max3A_653 = arith.constant 0.000000e+00 : f32
        %max3A_654 = vector.broadcast %max3A_653 : f32 to vector<128x128xf32>
        %max3A_655 = arith.maximumf %sub3A_652, %max3A_654 : vector<128x128xf32>
        %min3A_656 = vector.broadcast %add3A_106 : vector<128x1xf32> to vector<128x128xf32>
        %min3A_657 = vector.broadcast %slice3A_643 : vector<1x128xf32> to vector<128x128xf32>
        %min3A_658 = arith.minimumf %min3A_656, %min3A_657 : vector<128x128xf32>
        %max3A_659 = vector.broadcast %sub3A_94 : vector<128x1xf32> to vector<128x128xf32>
        %max3A_660 = vector.broadcast %slice3A_640 : vector<1x128xf32> to vector<128x128xf32>
        %max3A_661 = arith.maximumf %max3A_659, %max3A_660 : vector<128x128xf32>
        %sub3A_662 = arith.subf %min3A_658, %max3A_661 : vector<128x128xf32>
        %max3A_663 = arith.constant 0.000000e+00 : f32
        %max3A_664 = vector.broadcast %max3A_663 : f32 to vector<128x128xf32>
        %max3A_665 = arith.maximumf %sub3A_662, %max3A_664 : vector<128x128xf32>
        %min3A_666 = vector.broadcast %add3A_110 : vector<128x1xf32> to vector<128x128xf32>
        %min3A_667 = vector.broadcast %slice3A_644 : vector<1x128xf32> to vector<128x128xf32>
        %min3A_668 = arith.minimumf %min3A_666, %min3A_667 : vector<128x128xf32>
        %max3A_669 = vector.broadcast %sub3A_98 : vector<128x1xf32> to vector<128x128xf32>
        %max3A_670 = vector.broadcast %slice3A_641 : vector<1x128xf32> to vector<128x128xf32>
        %max3A_671 = arith.maximumf %max3A_669, %max3A_670 : vector<128x128xf32>
        %sub3A_672 = arith.subf %min3A_668, %max3A_671 : vector<128x128xf32>
        %max3A_673 = arith.constant 0.000000e+00 : f32
        %max3A_674 = vector.broadcast %max3A_673 : f32 to vector<128x128xf32>
        %max3A_675 = arith.maximumf %sub3A_672, %max3A_674 : vector<128x128xf32>
        %mul3A_676 = arith.mulf %max3A_655, %max3A_665 : vector<128x128xf32>
        %mul3A_677 = arith.mulf %mul3A_676, %max3A_675 : vector<128x128xf32>
        %add3A_678 = vector.broadcast %mul3A_112 : vector<128x1xf32> to vector<128x128xf32>
        %add3A_679 = vector.broadcast %slice3A_645 : vector<1x128xf32> to vector<128x128xf32>
        %add3A_680 = arith.addf %add3A_678, %add3A_679 : vector<128x128xf32>
        %sub3A_681 = arith.subf %add3A_680, %mul3A_677 : vector<128x128xf32>
        %div3A_682 = arith.divf %mul3A_677, %sub3A_681 : vector<128x128xf32>
        %ge3A_683 = arith.constant 5.000000e-01 : f32
        %ge3A_684 = vector.broadcast %ge3A_683 : f32 to vector<128x128xf32>
        %ge3A_685 = arith.cmpf oge, %div3A_682, %ge3A_684 : vector<128x128xf32>
        %jit3A_686 = arith.constant 1.000000e+00 : f32
        %jit3A_687 = arith.constant 0.000000e+00 : f32
        %broadcast_in_dim3A_688 = vector.broadcast %jit3A_686 : f32 to vector<128x128xf32>
        %broadcast_in_dim3A_689 = vector.broadcast %jit3A_687 : f32 to vector<128x128xf32>
        %select_n3A_690 = arith.select %ge3A_685, %broadcast_in_dim3A_688, %broadcast_in_dim3A_689 : vector<128x128xi1>, vector<128x128xf32>
        %add3A_691 = arith.constant 2 : i32
        %add3A_692 = arith.addi %add3A_330, %add3A_691 : i32
        %get3A_693 = arith.constant 1 : index
        %get3A_694 = arith.index_cast %add3A_692 : i32 to index
        %get3A_695 = arith.constant 0 : index
        %get3A_696 = arith.constant 0 : index
        %get3A_697 = vector.load %arg7[%get3A_693, %get3A_694, %get3A_695, %get3A_696] : memref<2x40x8x128xf32, #tpu.memory_space<vmem>>, vector<1x1x8x128xf32>
        %get3A_698 = vector.shape_cast %get3A_697 : vector<1x1x8x128xf32> to vector<8x128xf32>
        %slice3A_699 = vector.extract_strided_slice %get3A_698 {offsets = [0, 0], sizes = [1, 128], strides = [1, 1]} : vector<8x128xf32> to vector<1x128xf32>
        %slice3A_700 = vector.extract_strided_slice %get3A_698 {offsets = [1, 0], sizes = [1, 128], strides = [1, 1]} : vector<8x128xf32> to vector<1x128xf32>
        %slice3A_701 = vector.extract_strided_slice %get3A_698 {offsets = [2, 0], sizes = [1, 128], strides = [1, 1]} : vector<8x128xf32> to vector<1x128xf32>
        %slice3A_702 = vector.extract_strided_slice %get3A_698 {offsets = [3, 0], sizes = [1, 128], strides = [1, 1]} : vector<8x128xf32> to vector<1x128xf32>
        %slice3A_703 = vector.extract_strided_slice %get3A_698 {offsets = [4, 0], sizes = [1, 128], strides = [1, 1]} : vector<8x128xf32> to vector<1x128xf32>
        %slice3A_704 = vector.extract_strided_slice %get3A_698 {offsets = [5, 0], sizes = [1, 128], strides = [1, 1]} : vector<8x128xf32> to vector<1x128xf32>
        %slice3A_705 = vector.extract_strided_slice %get3A_698 {offsets = [6, 0], sizes = [1, 128], strides = [1, 1]} : vector<8x128xf32> to vector<1x128xf32>
        %min3A_706 = vector.broadcast %add3A_102 : vector<128x1xf32> to vector<128x128xf32>
        %min3A_707 = vector.broadcast %slice3A_702 : vector<1x128xf32> to vector<128x128xf32>
        %min3A_708 = arith.minimumf %min3A_706, %min3A_707 : vector<128x128xf32>
        %max3A_709 = vector.broadcast %sub3A_90 : vector<128x1xf32> to vector<128x128xf32>
        %max3A_710 = vector.broadcast %slice3A_699 : vector<1x128xf32> to vector<128x128xf32>
        %max3A_711 = arith.maximumf %max3A_709, %max3A_710 : vector<128x128xf32>
        %sub3A_712 = arith.subf %min3A_708, %max3A_711 : vector<128x128xf32>
        %max3A_713 = arith.constant 0.000000e+00 : f32
        %max3A_714 = vector.broadcast %max3A_713 : f32 to vector<128x128xf32>
        %max3A_715 = arith.maximumf %sub3A_712, %max3A_714 : vector<128x128xf32>
        %min3A_716 = vector.broadcast %add3A_106 : vector<128x1xf32> to vector<128x128xf32>
        %min3A_717 = vector.broadcast %slice3A_703 : vector<1x128xf32> to vector<128x128xf32>
        %min3A_718 = arith.minimumf %min3A_716, %min3A_717 : vector<128x128xf32>
        %max3A_719 = vector.broadcast %sub3A_94 : vector<128x1xf32> to vector<128x128xf32>
        %max3A_720 = vector.broadcast %slice3A_700 : vector<1x128xf32> to vector<128x128xf32>
        %max3A_721 = arith.maximumf %max3A_719, %max3A_720 : vector<128x128xf32>
        %sub3A_722 = arith.subf %min3A_718, %max3A_721 : vector<128x128xf32>
        %max3A_723 = arith.constant 0.000000e+00 : f32
        %max3A_724 = vector.broadcast %max3A_723 : f32 to vector<128x128xf32>
        %max3A_725 = arith.maximumf %sub3A_722, %max3A_724 : vector<128x128xf32>
        %min3A_726 = vector.broadcast %add3A_110 : vector<128x1xf32> to vector<128x128xf32>
        %min3A_727 = vector.broadcast %slice3A_704 : vector<1x128xf32> to vector<128x128xf32>
        %min3A_728 = arith.minimumf %min3A_726, %min3A_727 : vector<128x128xf32>
        %max3A_729 = vector.broadcast %sub3A_98 : vector<128x1xf32> to vector<128x128xf32>
        %max3A_730 = vector.broadcast %slice3A_701 : vector<1x128xf32> to vector<128x128xf32>
        %max3A_731 = arith.maximumf %max3A_729, %max3A_730 : vector<128x128xf32>
        %sub3A_732 = arith.subf %min3A_728, %max3A_731 : vector<128x128xf32>
        %max3A_733 = arith.constant 0.000000e+00 : f32
        %max3A_734 = vector.broadcast %max3A_733 : f32 to vector<128x128xf32>
        %max3A_735 = arith.maximumf %sub3A_732, %max3A_734 : vector<128x128xf32>
        %mul3A_736 = arith.mulf %max3A_715, %max3A_725 : vector<128x128xf32>
        %mul3A_737 = arith.mulf %mul3A_736, %max3A_735 : vector<128x128xf32>
        %add3A_738 = vector.broadcast %mul3A_112 : vector<128x1xf32> to vector<128x128xf32>
        %add3A_739 = vector.broadcast %slice3A_705 : vector<1x128xf32> to vector<128x128xf32>
        %add3A_740 = arith.addf %add3A_738, %add3A_739 : vector<128x128xf32>
        %sub3A_741 = arith.subf %add3A_740, %mul3A_737 : vector<128x128xf32>
        %div3A_742 = arith.divf %mul3A_737, %sub3A_741 : vector<128x128xf32>
        %ge3A_743 = arith.constant 5.000000e-01 : f32
        %ge3A_744 = vector.broadcast %ge3A_743 : f32 to vector<128x128xf32>
        %ge3A_745 = arith.cmpf oge, %div3A_742, %ge3A_744 : vector<128x128xf32>
        %jit3A_746 = arith.constant 1.000000e+00 : f32
        %jit3A_747 = arith.constant 0.000000e+00 : f32
        %broadcast_in_dim3A_748 = vector.broadcast %jit3A_746 : f32 to vector<128x128xf32>
        %broadcast_in_dim3A_749 = vector.broadcast %jit3A_747 : f32 to vector<128x128xf32>
        %select_n3A_750 = arith.select %ge3A_745, %broadcast_in_dim3A_748, %broadcast_in_dim3A_749 : vector<128x128xi1>, vector<128x128xf32>
        %add3A_751 = arith.constant 3 : i32
        %add3A_752 = arith.addi %add3A_330, %add3A_751 : i32
        %get3A_753 = arith.constant 1 : index
        %get3A_754 = arith.index_cast %add3A_752 : i32 to index
        %get3A_755 = arith.constant 0 : index
        %get3A_756 = arith.constant 0 : index
        %get3A_757 = vector.load %arg7[%get3A_753, %get3A_754, %get3A_755, %get3A_756] : memref<2x40x8x128xf32, #tpu.memory_space<vmem>>, vector<1x1x8x128xf32>
        %get3A_758 = vector.shape_cast %get3A_757 : vector<1x1x8x128xf32> to vector<8x128xf32>
        %slice3A_759 = vector.extract_strided_slice %get3A_758 {offsets = [0, 0], sizes = [1, 128], strides = [1, 1]} : vector<8x128xf32> to vector<1x128xf32>
        %slice3A_760 = vector.extract_strided_slice %get3A_758 {offsets = [1, 0], sizes = [1, 128], strides = [1, 1]} : vector<8x128xf32> to vector<1x128xf32>
        %slice3A_761 = vector.extract_strided_slice %get3A_758 {offsets = [2, 0], sizes = [1, 128], strides = [1, 1]} : vector<8x128xf32> to vector<1x128xf32>
        %slice3A_762 = vector.extract_strided_slice %get3A_758 {offsets = [3, 0], sizes = [1, 128], strides = [1, 1]} : vector<8x128xf32> to vector<1x128xf32>
        %slice3A_763 = vector.extract_strided_slice %get3A_758 {offsets = [4, 0], sizes = [1, 128], strides = [1, 1]} : vector<8x128xf32> to vector<1x128xf32>
        %slice3A_764 = vector.extract_strided_slice %get3A_758 {offsets = [5, 0], sizes = [1, 128], strides = [1, 1]} : vector<8x128xf32> to vector<1x128xf32>
        %slice3A_765 = vector.extract_strided_slice %get3A_758 {offsets = [6, 0], sizes = [1, 128], strides = [1, 1]} : vector<8x128xf32> to vector<1x128xf32>
        %min3A_766 = vector.broadcast %add3A_102 : vector<128x1xf32> to vector<128x128xf32>
        %min3A_767 = vector.broadcast %slice3A_762 : vector<1x128xf32> to vector<128x128xf32>
        %min3A_768 = arith.minimumf %min3A_766, %min3A_767 : vector<128x128xf32>
        %max3A_769 = vector.broadcast %sub3A_90 : vector<128x1xf32> to vector<128x128xf32>
        %max3A_770 = vector.broadcast %slice3A_759 : vector<1x128xf32> to vector<128x128xf32>
        %max3A_771 = arith.maximumf %max3A_769, %max3A_770 : vector<128x128xf32>
        %sub3A_772 = arith.subf %min3A_768, %max3A_771 : vector<128x128xf32>
        %max3A_773 = arith.constant 0.000000e+00 : f32
        %max3A_774 = vector.broadcast %max3A_773 : f32 to vector<128x128xf32>
        %max3A_775 = arith.maximumf %sub3A_772, %max3A_774 : vector<128x128xf32>
        %min3A_776 = vector.broadcast %add3A_106 : vector<128x1xf32> to vector<128x128xf32>
        %min3A_777 = vector.broadcast %slice3A_763 : vector<1x128xf32> to vector<128x128xf32>
        %min3A_778 = arith.minimumf %min3A_776, %min3A_777 : vector<128x128xf32>
        %max3A_779 = vector.broadcast %sub3A_94 : vector<128x1xf32> to vector<128x128xf32>
        %max3A_780 = vector.broadcast %slice3A_760 : vector<1x128xf32> to vector<128x128xf32>
        %max3A_781 = arith.maximumf %max3A_779, %max3A_780 : vector<128x128xf32>
        %sub3A_782 = arith.subf %min3A_778, %max3A_781 : vector<128x128xf32>
        %max3A_783 = arith.constant 0.000000e+00 : f32
        %max3A_784 = vector.broadcast %max3A_783 : f32 to vector<128x128xf32>
        %max3A_785 = arith.maximumf %sub3A_782, %max3A_784 : vector<128x128xf32>
        %min3A_786 = vector.broadcast %add3A_110 : vector<128x1xf32> to vector<128x128xf32>
        %min3A_787 = vector.broadcast %slice3A_764 : vector<1x128xf32> to vector<128x128xf32>
        %min3A_788 = arith.minimumf %min3A_786, %min3A_787 : vector<128x128xf32>
        %max3A_789 = vector.broadcast %sub3A_98 : vector<128x1xf32> to vector<128x128xf32>
        %max3A_790 = vector.broadcast %slice3A_761 : vector<1x128xf32> to vector<128x128xf32>
        %max3A_791 = arith.maximumf %max3A_789, %max3A_790 : vector<128x128xf32>
        %sub3A_792 = arith.subf %min3A_788, %max3A_791 : vector<128x128xf32>
        %max3A_793 = arith.constant 0.000000e+00 : f32
        %max3A_794 = vector.broadcast %max3A_793 : f32 to vector<128x128xf32>
        %max3A_795 = arith.maximumf %sub3A_792, %max3A_794 : vector<128x128xf32>
        %mul3A_796 = arith.mulf %max3A_775, %max3A_785 : vector<128x128xf32>
        %mul3A_797 = arith.mulf %mul3A_796, %max3A_795 : vector<128x128xf32>
        %add3A_798 = vector.broadcast %mul3A_112 : vector<128x1xf32> to vector<128x128xf32>
        %add3A_799 = vector.broadcast %slice3A_765 : vector<1x128xf32> to vector<128x128xf32>
        %add3A_800 = arith.addf %add3A_798, %add3A_799 : vector<128x128xf32>
        %sub3A_801 = arith.subf %add3A_800, %mul3A_797 : vector<128x128xf32>
        %div3A_802 = arith.divf %mul3A_797, %sub3A_801 : vector<128x128xf32>
        %ge3A_803 = arith.constant 5.000000e-01 : f32
        %ge3A_804 = vector.broadcast %ge3A_803 : f32 to vector<128x128xf32>
        %ge3A_805 = arith.cmpf oge, %div3A_802, %ge3A_804 : vector<128x128xf32>
        %jit3A_806 = arith.constant 1.000000e+00 : f32
        %jit3A_807 = arith.constant 0.000000e+00 : f32
        %broadcast_in_dim3A_808 = vector.broadcast %jit3A_806 : f32 to vector<128x128xf32>
        %broadcast_in_dim3A_809 = vector.broadcast %jit3A_807 : f32 to vector<128x128xf32>
        %select_n3A_810 = arith.select %ge3A_805, %broadcast_in_dim3A_808, %broadcast_in_dim3A_809 : vector<128x128xi1>, vector<128x128xf32>
        %concatenate3A = tpu.concatenate %select_n3A_390, %select_n3A_450, %select_n3A_510, %select_n3A_570 in 1 : vector<128x128xf32>, vector<128x128xf32>, vector<128x128xf32>, vector<128x128xf32> -> vector<128x512xf32>
        %dot_general3A = arith.constant dense<0.000000e+00> : vector<1x512xf32>
        %dot_general3A_811 = tpu.matmul %while3A_238#0, %concatenate3A, %dot_general3A {dimension_numbers = #tpu.dot_dimension_numbers<[1], [0], [0], [1], [0, 0, 1, 1], [], []>, transpose_lhs_hint = false} : vector<1x128xf32>, vector<128x512xf32>, vector<1x512xf32> -> vector<1x512xf32>
        %concatenate3A_812 = tpu.concatenate %select_n3A_630, %select_n3A_690, %select_n3A_750, %select_n3A_810 in 1 : vector<128x128xf32>, vector<128x128xf32>, vector<128x128xf32>, vector<128x128xf32> -> vector<128x512xf32>
        %dot_general3A_813 = arith.constant dense<0.000000e+00> : vector<1x512xf32>
        %dot_general3A_814 = tpu.matmul %while3A_238#1, %concatenate3A_812, %dot_general3A_813 {dimension_numbers = #tpu.dot_dimension_numbers<[1], [0], [0], [1], [0, 0, 1, 1], [], []>, transpose_lhs_hint = false} : vector<1x128xf32>, vector<128x512xf32>, vector<1x512xf32> -> vector<1x512xf32>
        %slice3A_815 = vector.extract_strided_slice %dot_general3A_811 {offsets = [0, 0], sizes = [1, 128], strides = [1, 1]} : vector<1x512xf32> to vector<1x128xf32>
        %gt3A_816 = arith.constant 5.000000e-01 : f32
        %gt3A_817 = vector.broadcast %gt3A_816 : f32 to vector<1x128xf32>
        %gt3A_818 = arith.cmpf ogt, %slice3A_815, %gt3A_817 : vector<1x128xf32>
        %add3A_819 = arith.constant 0 : i32
        %add3A_820 = arith.addi %add3A_330, %add3A_819 : i32
        %get3A_821 = arith.constant 0 : index
        %get3A_822 = arith.index_cast %add3A_820 : i32 to index
        %get3A_823 = arith.constant 0 : index
        %get3A_824 = arith.constant 0 : index
        %get3A_825 = vector.load %arg6[%get3A_821, %get3A_822, %get3A_823, %get3A_824] : memref<2x40x1x128xf32, #tpu.memory_space<vmem>>, vector<1x1x1x128xf32>
        %get3A_826 = vector.shape_cast %get3A_825 : vector<1x1x1x128xf32> to vector<1x128xf32>
        %jit3A_827 = arith.constant 0.000000e+00 : f32
        %broadcast_in_dim3A_828 = vector.broadcast %jit3A_827 : f32 to vector<1x128xf32>
        %select_n3A_829 = arith.select %gt3A_818, %broadcast_in_dim3A_828, %get3A_826 : vector<1x128xi1>, vector<1x128xf32>
        %add3A_830 = arith.constant 0 : i32
        %add3A_831 = arith.addi %add3A_330, %add3A_830 : i32
        %swap3A_832 = arith.constant 0 : index
        %swap3A_833 = arith.index_cast %add3A_831 : i32 to index
        %swap3A_834 = arith.constant 0 : index
        %swap3A_835 = arith.constant 0 : index
        %swap3A_836 = vector.load %arg6[%swap3A_832, %swap3A_833, %swap3A_834, %swap3A_835] : memref<2x40x1x128xf32, #tpu.memory_space<vmem>>, vector<1x1x1x128xf32>
        %swap3A_837 = vector.shape_cast %swap3A_836 : vector<1x1x1x128xf32> to vector<1x128xf32>
        %swap3A_838 = vector.shape_cast %select_n3A_829 : vector<1x128xf32> to vector<1x1x1x128xf32>
        tpu.vector_store %arg6[%swap3A_832, %swap3A_833, %swap3A_834, %swap3A_835], %swap3A_838 {strides = array<i32>} : memref<2x40x1x128xf32, #tpu.memory_space<vmem>>, vector<1x1x1x128xf32>,
        %slice3A_839 = vector.extract_strided_slice %dot_general3A_814 {offsets = [0, 0], sizes = [1, 128], strides = [1, 1]} : vector<1x512xf32> to vector<1x128xf32>
        %gt3A_840 = arith.constant 5.000000e-01 : f32
        %gt3A_841 = vector.broadcast %gt3A_840 : f32 to vector<1x128xf32>
        %gt3A_842 = arith.cmpf ogt, %slice3A_839, %gt3A_841 : vector<1x128xf32>
        %add3A_843 = arith.constant 0 : i32
        %add3A_844 = arith.addi %add3A_330, %add3A_843 : i32
        %get3A_845 = arith.constant 1 : index
        %get3A_846 = arith.index_cast %add3A_844 : i32 to index
        %get3A_847 = arith.constant 0 : index
        %get3A_848 = arith.constant 0 : index
        %get3A_849 = vector.load %arg6[%get3A_845, %get3A_846, %get3A_847, %get3A_848] : memref<2x40x1x128xf32, #tpu.memory_space<vmem>>, vector<1x1x1x128xf32>
        %get3A_850 = vector.shape_cast %get3A_849 : vector<1x1x1x128xf32> to vector<1x128xf32>
        %jit3A_851 = arith.constant 0.000000e+00 : f32
        %broadcast_in_dim3A_852 = vector.broadcast %jit3A_851 : f32 to vector<1x128xf32>
        %select_n3A_853 = arith.select %gt3A_842, %broadcast_in_dim3A_852, %get3A_850 : vector<1x128xi1>, vector<1x128xf32>
        %add3A_854 = arith.constant 0 : i32
        %add3A_855 = arith.addi %add3A_330, %add3A_854 : i32
        %swap3A_856 = arith.constant 1 : index
        %swap3A_857 = arith.index_cast %add3A_855 : i32 to index
        %swap3A_858 = arith.constant 0 : index
        %swap3A_859 = arith.constant 0 : index
        %swap3A_860 = vector.load %arg6[%swap3A_856, %swap3A_857, %swap3A_858, %swap3A_859] : memref<2x40x1x128xf32, #tpu.memory_space<vmem>>, vector<1x1x1x128xf32>
        %swap3A_861 = vector.shape_cast %swap3A_860 : vector<1x1x1x128xf32> to vector<1x128xf32>
        %swap3A_862 = vector.shape_cast %select_n3A_853 : vector<1x128xf32> to vector<1x1x1x128xf32>
        tpu.vector_store %arg6[%swap3A_856, %swap3A_857, %swap3A_858, %swap3A_859], %swap3A_862 {strides = array<i32>} : memref<2x40x1x128xf32, #tpu.memory_space<vmem>>, vector<1x1x1x128xf32>,
        %slice3A_863 = vector.extract_strided_slice %dot_general3A_811 {offsets = [0, 128], sizes = [1, 128], strides = [1, 1]} : vector<1x512xf32> to vector<1x128xf32>
        %gt3A_864 = arith.constant 5.000000e-01 : f32
        %gt3A_865 = vector.broadcast %gt3A_864 : f32 to vector<1x128xf32>
        %gt3A_866 = arith.cmpf ogt, %slice3A_863, %gt3A_865 : vector<1x128xf32>
        %add3A_867 = arith.constant 1 : i32
        %add3A_868 = arith.addi %add3A_330, %add3A_867 : i32
        %get3A_869 = arith.constant 0 : index
        %get3A_870 = arith.index_cast %add3A_868 : i32 to index
        %get3A_871 = arith.constant 0 : index
        %get3A_872 = arith.constant 0 : index
        %get3A_873 = vector.load %arg6[%get3A_869, %get3A_870, %get3A_871, %get3A_872] : memref<2x40x1x128xf32, #tpu.memory_space<vmem>>, vector<1x1x1x128xf32>
        %get3A_874 = vector.shape_cast %get3A_873 : vector<1x1x1x128xf32> to vector<1x128xf32>
        %jit3A_875 = arith.constant 0.000000e+00 : f32
        %broadcast_in_dim3A_876 = vector.broadcast %jit3A_875 : f32 to vector<1x128xf32>
        %select_n3A_877 = arith.select %gt3A_866, %broadcast_in_dim3A_876, %get3A_874 : vector<1x128xi1>, vector<1x128xf32>
        %add3A_878 = arith.constant 1 : i32
        %add3A_879 = arith.addi %add3A_330, %add3A_878 : i32
        %swap3A_880 = arith.constant 0 : index
        %swap3A_881 = arith.index_cast %add3A_879 : i32 to index
        %swap3A_882 = arith.constant 0 : index
        %swap3A_883 = arith.constant 0 : index
        %swap3A_884 = vector.load %arg6[%swap3A_880, %swap3A_881, %swap3A_882, %swap3A_883] : memref<2x40x1x128xf32, #tpu.memory_space<vmem>>, vector<1x1x1x128xf32>
        %swap3A_885 = vector.shape_cast %swap3A_884 : vector<1x1x1x128xf32> to vector<1x128xf32>
        %swap3A_886 = vector.shape_cast %select_n3A_877 : vector<1x128xf32> to vector<1x1x1x128xf32>
        tpu.vector_store %arg6[%swap3A_880, %swap3A_881, %swap3A_882, %swap3A_883], %swap3A_886 {strides = array<i32>} : memref<2x40x1x128xf32, #tpu.memory_space<vmem>>, vector<1x1x1x128xf32>,
        %slice3A_887 = vector.extract_strided_slice %dot_general3A_814 {offsets = [0, 128], sizes = [1, 128], strides = [1, 1]} : vector<1x512xf32> to vector<1x128xf32>
        %gt3A_888 = arith.constant 5.000000e-01 : f32
        %gt3A_889 = vector.broadcast %gt3A_888 : f32 to vector<1x128xf32>
        %gt3A_890 = arith.cmpf ogt, %slice3A_887, %gt3A_889 : vector<1x128xf32>
        %add3A_891 = arith.constant 1 : i32
        %add3A_892 = arith.addi %add3A_330, %add3A_891 : i32
        %get3A_893 = arith.constant 1 : index
        %get3A_894 = arith.index_cast %add3A_892 : i32 to index
        %get3A_895 = arith.constant 0 : index
        %get3A_896 = arith.constant 0 : index
        %get3A_897 = vector.load %arg6[%get3A_893, %get3A_894, %get3A_895, %get3A_896] : memref<2x40x1x128xf32, #tpu.memory_space<vmem>>, vector<1x1x1x128xf32>
        %get3A_898 = vector.shape_cast %get3A_897 : vector<1x1x1x128xf32> to vector<1x128xf32>
        %jit3A_899 = arith.constant 0.000000e+00 : f32
        %broadcast_in_dim3A_900 = vector.broadcast %jit3A_899 : f32 to vector<1x128xf32>
        %select_n3A_901 = arith.select %gt3A_890, %broadcast_in_dim3A_900, %get3A_898 : vector<1x128xi1>, vector<1x128xf32>
        %add3A_902 = arith.constant 1 : i32
        %add3A_903 = arith.addi %add3A_330, %add3A_902 : i32
        %swap3A_904 = arith.constant 1 : index
        %swap3A_905 = arith.index_cast %add3A_903 : i32 to index
        %swap3A_906 = arith.constant 0 : index
        %swap3A_907 = arith.constant 0 : index
        %swap3A_908 = vector.load %arg6[%swap3A_904, %swap3A_905, %swap3A_906, %swap3A_907] : memref<2x40x1x128xf32, #tpu.memory_space<vmem>>, vector<1x1x1x128xf32>
        %swap3A_909 = vector.shape_cast %swap3A_908 : vector<1x1x1x128xf32> to vector<1x128xf32>
        %swap3A_910 = vector.shape_cast %select_n3A_901 : vector<1x128xf32> to vector<1x1x1x128xf32>
        tpu.vector_store %arg6[%swap3A_904, %swap3A_905, %swap3A_906, %swap3A_907], %swap3A_910 {strides = array<i32>} : memref<2x40x1x128xf32, #tpu.memory_space<vmem>>, vector<1x1x1x128xf32>,
        %slice3A_911 = vector.extract_strided_slice %dot_general3A_811 {offsets = [0, 256], sizes = [1, 128], strides = [1, 1]} : vector<1x512xf32> to vector<1x128xf32>
        %gt3A_912 = arith.constant 5.000000e-01 : f32
        %gt3A_913 = vector.broadcast %gt3A_912 : f32 to vector<1x128xf32>
        %gt3A_914 = arith.cmpf ogt, %slice3A_911, %gt3A_913 : vector<1x128xf32>
        %add3A_915 = arith.constant 2 : i32
        %add3A_916 = arith.addi %add3A_330, %add3A_915 : i32
        %get3A_917 = arith.constant 0 : index
        %get3A_918 = arith.index_cast %add3A_916 : i32 to index
        %get3A_919 = arith.constant 0 : index
        %get3A_920 = arith.constant 0 : index
        %get3A_921 = vector.load %arg6[%get3A_917, %get3A_918, %get3A_919, %get3A_920] : memref<2x40x1x128xf32, #tpu.memory_space<vmem>>, vector<1x1x1x128xf32>
        %get3A_922 = vector.shape_cast %get3A_921 : vector<1x1x1x128xf32> to vector<1x128xf32>
        %jit3A_923 = arith.constant 0.000000e+00 : f32
        %broadcast_in_dim3A_924 = vector.broadcast %jit3A_923 : f32 to vector<1x128xf32>
        %select_n3A_925 = arith.select %gt3A_914, %broadcast_in_dim3A_924, %get3A_922 : vector<1x128xi1>, vector<1x128xf32>
        %add3A_926 = arith.constant 2 : i32
        %add3A_927 = arith.addi %add3A_330, %add3A_926 : i32
        %swap3A_928 = arith.constant 0 : index
        %swap3A_929 = arith.index_cast %add3A_927 : i32 to index
        %swap3A_930 = arith.constant 0 : index
        %swap3A_931 = arith.constant 0 : index
        %swap3A_932 = vector.load %arg6[%swap3A_928, %swap3A_929, %swap3A_930, %swap3A_931] : memref<2x40x1x128xf32, #tpu.memory_space<vmem>>, vector<1x1x1x128xf32>
        %swap3A_933 = vector.shape_cast %swap3A_932 : vector<1x1x1x128xf32> to vector<1x128xf32>
        %swap3A_934 = vector.shape_cast %select_n3A_925 : vector<1x128xf32> to vector<1x1x1x128xf32>
        tpu.vector_store %arg6[%swap3A_928, %swap3A_929, %swap3A_930, %swap3A_931], %swap3A_934 {strides = array<i32>} : memref<2x40x1x128xf32, #tpu.memory_space<vmem>>, vector<1x1x1x128xf32>,
        %slice3A_935 = vector.extract_strided_slice %dot_general3A_814 {offsets = [0, 256], sizes = [1, 128], strides = [1, 1]} : vector<1x512xf32> to vector<1x128xf32>
        %gt3A_936 = arith.constant 5.000000e-01 : f32
        %gt3A_937 = vector.broadcast %gt3A_936 : f32 to vector<1x128xf32>
        %gt3A_938 = arith.cmpf ogt, %slice3A_935, %gt3A_937 : vector<1x128xf32>
        %add3A_939 = arith.constant 2 : i32
        %add3A_940 = arith.addi %add3A_330, %add3A_939 : i32
        %get3A_941 = arith.constant 1 : index
        %get3A_942 = arith.index_cast %add3A_940 : i32 to index
        %get3A_943 = arith.constant 0 : index
        %get3A_944 = arith.constant 0 : index
        %get3A_945 = vector.load %arg6[%get3A_941, %get3A_942, %get3A_943, %get3A_944] : memref<2x40x1x128xf32, #tpu.memory_space<vmem>>, vector<1x1x1x128xf32>
        %get3A_946 = vector.shape_cast %get3A_945 : vector<1x1x1x128xf32> to vector<1x128xf32>
        %jit3A_947 = arith.constant 0.000000e+00 : f32
        %broadcast_in_dim3A_948 = vector.broadcast %jit3A_947 : f32 to vector<1x128xf32>
        %select_n3A_949 = arith.select %gt3A_938, %broadcast_in_dim3A_948, %get3A_946 : vector<1x128xi1>, vector<1x128xf32>
        %add3A_950 = arith.constant 2 : i32
        %add3A_951 = arith.addi %add3A_330, %add3A_950 : i32
        %swap3A_952 = arith.constant 1 : index
        %swap3A_953 = arith.index_cast %add3A_951 : i32 to index
        %swap3A_954 = arith.constant 0 : index
        %swap3A_955 = arith.constant 0 : index
        %swap3A_956 = vector.load %arg6[%swap3A_952, %swap3A_953, %swap3A_954, %swap3A_955] : memref<2x40x1x128xf32, #tpu.memory_space<vmem>>, vector<1x1x1x128xf32>
        %swap3A_957 = vector.shape_cast %swap3A_956 : vector<1x1x1x128xf32> to vector<1x128xf32>
        %swap3A_958 = vector.shape_cast %select_n3A_949 : vector<1x128xf32> to vector<1x1x1x128xf32>
        tpu.vector_store %arg6[%swap3A_952, %swap3A_953, %swap3A_954, %swap3A_955], %swap3A_958 {strides = array<i32>} : memref<2x40x1x128xf32, #tpu.memory_space<vmem>>, vector<1x1x1x128xf32>,
        %slice3A_959 = vector.extract_strided_slice %dot_general3A_811 {offsets = [0, 384], sizes = [1, 128], strides = [1, 1]} : vector<1x512xf32> to vector<1x128xf32>
        %gt3A_960 = arith.constant 5.000000e-01 : f32
        %gt3A_961 = vector.broadcast %gt3A_960 : f32 to vector<1x128xf32>
        %gt3A_962 = arith.cmpf ogt, %slice3A_959, %gt3A_961 : vector<1x128xf32>
        %add3A_963 = arith.constant 3 : i32
        %add3A_964 = arith.addi %add3A_330, %add3A_963 : i32
        %get3A_965 = arith.constant 0 : index
        %get3A_966 = arith.index_cast %add3A_964 : i32 to index
        %get3A_967 = arith.constant 0 : index
        %get3A_968 = arith.constant 0 : index
        %get3A_969 = vector.load %arg6[%get3A_965, %get3A_966, %get3A_967, %get3A_968] : memref<2x40x1x128xf32, #tpu.memory_space<vmem>>, vector<1x1x1x128xf32>
        %get3A_970 = vector.shape_cast %get3A_969 : vector<1x1x1x128xf32> to vector<1x128xf32>
        %jit3A_971 = arith.constant 0.000000e+00 : f32
        %broadcast_in_dim3A_972 = vector.broadcast %jit3A_971 : f32 to vector<1x128xf32>
        %select_n3A_973 = arith.select %gt3A_962, %broadcast_in_dim3A_972, %get3A_970 : vector<1x128xi1>, vector<1x128xf32>
        %add3A_974 = arith.constant 3 : i32
        %add3A_975 = arith.addi %add3A_330, %add3A_974 : i32
        %swap3A_976 = arith.constant 0 : index
        %swap3A_977 = arith.index_cast %add3A_975 : i32 to index
        %swap3A_978 = arith.constant 0 : index
        %swap3A_979 = arith.constant 0 : index
        %swap3A_980 = vector.load %arg6[%swap3A_976, %swap3A_977, %swap3A_978, %swap3A_979] : memref<2x40x1x128xf32, #tpu.memory_space<vmem>>, vector<1x1x1x128xf32>
        %swap3A_981 = vector.shape_cast %swap3A_980 : vector<1x1x1x128xf32> to vector<1x128xf32>
        %swap3A_982 = vector.shape_cast %select_n3A_973 : vector<1x128xf32> to vector<1x1x1x128xf32>
        tpu.vector_store %arg6[%swap3A_976, %swap3A_977, %swap3A_978, %swap3A_979], %swap3A_982 {strides = array<i32>} : memref<2x40x1x128xf32, #tpu.memory_space<vmem>>, vector<1x1x1x128xf32>,
        %slice3A_983 = vector.extract_strided_slice %dot_general3A_814 {offsets = [0, 384], sizes = [1, 128], strides = [1, 1]} : vector<1x512xf32> to vector<1x128xf32>
        %gt3A_984 = arith.constant 5.000000e-01 : f32
        %gt3A_985 = vector.broadcast %gt3A_984 : f32 to vector<1x128xf32>
        %gt3A_986 = arith.cmpf ogt, %slice3A_983, %gt3A_985 : vector<1x128xf32>
        %add3A_987 = arith.constant 3 : i32
        %add3A_988 = arith.addi %add3A_330, %add3A_987 : i32
        %get3A_989 = arith.constant 1 : index
        %get3A_990 = arith.index_cast %add3A_988 : i32 to index
        %get3A_991 = arith.constant 0 : index
        %get3A_992 = arith.constant 0 : index
        %get3A_993 = vector.load %arg6[%get3A_989, %get3A_990, %get3A_991, %get3A_992] : memref<2x40x1x128xf32, #tpu.memory_space<vmem>>, vector<1x1x1x128xf32>
        %get3A_994 = vector.shape_cast %get3A_993 : vector<1x1x1x128xf32> to vector<1x128xf32>
        %jit3A_995 = arith.constant 0.000000e+00 : f32
        %broadcast_in_dim3A_996 = vector.broadcast %jit3A_995 : f32 to vector<1x128xf32>
        %select_n3A_997 = arith.select %gt3A_986, %broadcast_in_dim3A_996, %get3A_994 : vector<1x128xi1>, vector<1x128xf32>
        %add3A_998 = arith.constant 3 : i32
        %add3A_999 = arith.addi %add3A_330, %add3A_998 : i32
        %swap3A_1000 = arith.constant 1 : index
        %swap3A_1001 = arith.index_cast %add3A_999 : i32 to index
        %swap3A_1002 = arith.constant 0 : index
        %swap3A_1003 = arith.constant 0 : index
        %swap3A_1004 = vector.load %arg6[%swap3A_1000, %swap3A_1001, %swap3A_1002, %swap3A_1003] : memref<2x40x1x128xf32, #tpu.memory_space<vmem>>, vector<1x1x1x128xf32>
        %swap3A_1005 = vector.shape_cast %swap3A_1004 : vector<1x1x1x128xf32> to vector<1x128xf32>
        %swap3A_1006 = vector.shape_cast %select_n3A_997 : vector<1x128xf32> to vector<1x1x1x128xf32>
        tpu.vector_store %arg6[%swap3A_1000, %swap3A_1001, %swap3A_1002, %swap3A_1003], %swap3A_1006 {strides = array<i32>} : memref<2x40x1x128xf32, #tpu.memory_space<vmem>>, vector<1x1x1x128xf32>,
      }
      %while3A_286 = arith.constant 1 : i32
      scf.for %while3A_325 = %while3A_284 to %while3A_280 step %while3A_286  : i32 {
        %add3A_326 = arith.constant 1 : i32
        %add3A_327 = arith.addi %scan3A_40, %add3A_326 : i32
        %mul3A_328 = arith.constant 4 : i32
        %mul3A_329 = arith.muli %mul3A_328, %while3A_325 : i32
        %add3A_330 = arith.addi %add3A_327, %mul3A_329 : i32
        %add3A_331 = arith.constant 0 : i32
        %add3A_332 = arith.addi %add3A_330, %add3A_331 : i32
        %get3A_333 = arith.constant 0 : index
        %get3A_334 = arith.index_cast %add3A_332 : i32 to index
        %get3A_335 = arith.constant 0 : index
        %get3A_336 = arith.constant 0 : index
        %get3A_337 = vector.load %arg7[%get3A_333, %get3A_334, %get3A_335, %get3A_336] : memref<2x40x8x128xf32, #tpu.memory_space<vmem>>, vector<1x1x8x128xf32>
        %get3A_338 = vector.shape_cast %get3A_337 : vector<1x1x8x128xf32> to vector<8x128xf32>
        %slice3A_339 = vector.extract_strided_slice %get3A_338 {offsets = [0, 0], sizes = [1, 128], strides = [1, 1]} : vector<8x128xf32> to vector<1x128xf32>
        %slice3A_340 = vector.extract_strided_slice %get3A_338 {offsets = [1, 0], sizes = [1, 128], strides = [1, 1]} : vector<8x128xf32> to vector<1x128xf32>
        %slice3A_341 = vector.extract_strided_slice %get3A_338 {offsets = [2, 0], sizes = [1, 128], strides = [1, 1]} : vector<8x128xf32> to vector<1x128xf32>
        %slice3A_342 = vector.extract_strided_slice %get3A_338 {offsets = [3, 0], sizes = [1, 128], strides = [1, 1]} : vector<8x128xf32> to vector<1x128xf32>
        %slice3A_343 = vector.extract_strided_slice %get3A_338 {offsets = [4, 0], sizes = [1, 128], strides = [1, 1]} : vector<8x128xf32> to vector<1x128xf32>
        %slice3A_344 = vector.extract_strided_slice %get3A_338 {offsets = [5, 0], sizes = [1, 128], strides = [1, 1]} : vector<8x128xf32> to vector<1x128xf32>
        %slice3A_345 = vector.extract_strided_slice %get3A_338 {offsets = [6, 0], sizes = [1, 128], strides = [1, 1]} : vector<8x128xf32> to vector<1x128xf32>
        %min3A_346 = vector.broadcast %add3A : vector<128x1xf32> to vector<128x128xf32>
        %min3A_347 = vector.broadcast %slice3A_342 : vector<1x128xf32> to vector<128x128xf32>
        %min3A_348 = arith.minimumf %min3A_346, %min3A_347 : vector<128x128xf32>
        %max3A_349 = vector.broadcast %sub3A : vector<128x1xf32> to vector<128x128xf32>
        %max3A_350 = vector.broadcast %slice3A_339 : vector<1x128xf32> to vector<128x128xf32>
        %max3A_351 = arith.maximumf %max3A_349, %max3A_350 : vector<128x128xf32>
        %sub3A_352 = arith.subf %min3A_348, %max3A_351 : vector<128x128xf32>
        %max3A_353 = arith.constant 0.000000e+00 : f32
        %max3A_354 = vector.broadcast %max3A_353 : f32 to vector<128x128xf32>
        %max3A_355 = arith.maximumf %sub3A_352, %max3A_354 : vector<128x128xf32>
        %min3A_356 = vector.broadcast %add3A_68 : vector<128x1xf32> to vector<128x128xf32>
        %min3A_357 = vector.broadcast %slice3A_343 : vector<1x128xf32> to vector<128x128xf32>
        %min3A_358 = arith.minimumf %min3A_356, %min3A_357 : vector<128x128xf32>
        %max3A_359 = vector.broadcast %sub3A_57 : vector<128x1xf32> to vector<128x128xf32>
        %max3A_360 = vector.broadcast %slice3A_340 : vector<1x128xf32> to vector<128x128xf32>
        %max3A_361 = arith.maximumf %max3A_359, %max3A_360 : vector<128x128xf32>
        %sub3A_362 = arith.subf %min3A_358, %max3A_361 : vector<128x128xf32>
        %max3A_363 = arith.constant 0.000000e+00 : f32
        %max3A_364 = vector.broadcast %max3A_363 : f32 to vector<128x128xf32>
        %max3A_365 = arith.maximumf %sub3A_362, %max3A_364 : vector<128x128xf32>
        %min3A_366 = vector.broadcast %add3A_72 : vector<128x1xf32> to vector<128x128xf32>
        %min3A_367 = vector.broadcast %slice3A_344 : vector<1x128xf32> to vector<128x128xf32>
        %min3A_368 = arith.minimumf %min3A_366, %min3A_367 : vector<128x128xf32>
        %max3A_369 = vector.broadcast %sub3A_61 : vector<128x1xf32> to vector<128x128xf32>
        %max3A_370 = vector.broadcast %slice3A_341 : vector<1x128xf32> to vector<128x128xf32>
        %max3A_371 = arith.maximumf %max3A_369, %max3A_370 : vector<128x128xf32>
        %sub3A_372 = arith.subf %min3A_368, %max3A_371 : vector<128x128xf32>
        %max3A_373 = arith.constant 0.000000e+00 : f32
        %max3A_374 = vector.broadcast %max3A_373 : f32 to vector<128x128xf32>
        %max3A_375 = arith.maximumf %sub3A_372, %max3A_374 : vector<128x128xf32>
        %mul3A_376 = arith.mulf %max3A_355, %max3A_365 : vector<128x128xf32>
        %mul3A_377 = arith.mulf %mul3A_376, %max3A_375 : vector<128x128xf32>
        %add3A_378 = vector.broadcast %mul3A_74 : vector<128x1xf32> to vector<128x128xf32>
        %add3A_379 = vector.broadcast %slice3A_345 : vector<1x128xf32> to vector<128x128xf32>
        %add3A_380 = arith.addf %add3A_378, %add3A_379 : vector<128x128xf32>
        %sub3A_381 = arith.subf %add3A_380, %mul3A_377 : vector<128x128xf32>
        %div3A_382 = arith.divf %mul3A_377, %sub3A_381 : vector<128x128xf32>
        %ge3A_383 = arith.constant 5.000000e-01 : f32
        %ge3A_384 = vector.broadcast %ge3A_383 : f32 to vector<128x128xf32>
        %ge3A_385 = arith.cmpf oge, %div3A_382, %ge3A_384 : vector<128x128xf32>
        %jit3A_386 = arith.constant 1.000000e+00 : f32
        %jit3A_387 = arith.constant 0.000000e+00 : f32
        %broadcast_in_dim3A_388 = vector.broadcast %jit3A_386 : f32 to vector<128x128xf32>
        %broadcast_in_dim3A_389 = vector.broadcast %jit3A_387 : f32 to vector<128x128xf32>
        %select_n3A_390 = arith.select %ge3A_385, %broadcast_in_dim3A_388, %broadcast_in_dim3A_389 : vector<128x128xi1>, vector<128x128xf32>
        %add3A_391 = arith.constant 1 : i32
        %add3A_392 = arith.addi %add3A_330, %add3A_391 : i32
        %get3A_393 = arith.constant 0 : index
        %get3A_394 = arith.index_cast %add3A_392 : i32 to index
        %get3A_395 = arith.constant 0 : index
        %get3A_396 = arith.constant 0 : index
        %get3A_397 = vector.load %arg7[%get3A_393, %get3A_394, %get3A_395, %get3A_396] : memref<2x40x8x128xf32, #tpu.memory_space<vmem>>, vector<1x1x8x128xf32>
        %get3A_398 = vector.shape_cast %get3A_397 : vector<1x1x8x128xf32> to vector<8x128xf32>
        %slice3A_399 = vector.extract_strided_slice %get3A_398 {offsets = [0, 0], sizes = [1, 128], strides = [1, 1]} : vector<8x128xf32> to vector<1x128xf32>
        %slice3A_400 = vector.extract_strided_slice %get3A_398 {offsets = [1, 0], sizes = [1, 128], strides = [1, 1]} : vector<8x128xf32> to vector<1x128xf32>
        %slice3A_401 = vector.extract_strided_slice %get3A_398 {offsets = [2, 0], sizes = [1, 128], strides = [1, 1]} : vector<8x128xf32> to vector<1x128xf32>
        %slice3A_402 = vector.extract_strided_slice %get3A_398 {offsets = [3, 0], sizes = [1, 128], strides = [1, 1]} : vector<8x128xf32> to vector<1x128xf32>
        %slice3A_403 = vector.extract_strided_slice %get3A_398 {offsets = [4, 0], sizes = [1, 128], strides = [1, 1]} : vector<8x128xf32> to vector<1x128xf32>
        %slice3A_404 = vector.extract_strided_slice %get3A_398 {offsets = [5, 0], sizes = [1, 128], strides = [1, 1]} : vector<8x128xf32> to vector<1x128xf32>
        %slice3A_405 = vector.extract_strided_slice %get3A_398 {offsets = [6, 0], sizes = [1, 128], strides = [1, 1]} : vector<8x128xf32> to vector<1x128xf32>
        %min3A_406 = vector.broadcast %add3A : vector<128x1xf32> to vector<128x128xf32>
        %min3A_407 = vector.broadcast %slice3A_402 : vector<1x128xf32> to vector<128x128xf32>
        %min3A_408 = arith.minimumf %min3A_406, %min3A_407 : vector<128x128xf32>
        %max3A_409 = vector.broadcast %sub3A : vector<128x1xf32> to vector<128x128xf32>
        %max3A_410 = vector.broadcast %slice3A_399 : vector<1x128xf32> to vector<128x128xf32>
        %max3A_411 = arith.maximumf %max3A_409, %max3A_410 : vector<128x128xf32>
        %sub3A_412 = arith.subf %min3A_408, %max3A_411 : vector<128x128xf32>
        %max3A_413 = arith.constant 0.000000e+00 : f32
        %max3A_414 = vector.broadcast %max3A_413 : f32 to vector<128x128xf32>
        %max3A_415 = arith.maximumf %sub3A_412, %max3A_414 : vector<128x128xf32>
        %min3A_416 = vector.broadcast %add3A_68 : vector<128x1xf32> to vector<128x128xf32>
        %min3A_417 = vector.broadcast %slice3A_403 : vector<1x128xf32> to vector<128x128xf32>
        %min3A_418 = arith.minimumf %min3A_416, %min3A_417 : vector<128x128xf32>
        %max3A_419 = vector.broadcast %sub3A_57 : vector<128x1xf32> to vector<128x128xf32>
        %max3A_420 = vector.broadcast %slice3A_400 : vector<1x128xf32> to vector<128x128xf32>
        %max3A_421 = arith.maximumf %max3A_419, %max3A_420 : vector<128x128xf32>
        %sub3A_422 = arith.subf %min3A_418, %max3A_421 : vector<128x128xf32>
        %max3A_423 = arith.constant 0.000000e+00 : f32
        %max3A_424 = vector.broadcast %max3A_423 : f32 to vector<128x128xf32>
        %max3A_425 = arith.maximumf %sub3A_422, %max3A_424 : vector<128x128xf32>
        %min3A_426 = vector.broadcast %add3A_72 : vector<128x1xf32> to vector<128x128xf32>
        %min3A_427 = vector.broadcast %slice3A_404 : vector<1x128xf32> to vector<128x128xf32>
        %min3A_428 = arith.minimumf %min3A_426, %min3A_427 : vector<128x128xf32>
        %max3A_429 = vector.broadcast %sub3A_61 : vector<128x1xf32> to vector<128x128xf32>
        %max3A_430 = vector.broadcast %slice3A_401 : vector<1x128xf32> to vector<128x128xf32>
        %max3A_431 = arith.maximumf %max3A_429, %max3A_430 : vector<128x128xf32>
        %sub3A_432 = arith.subf %min3A_428, %max3A_431 : vector<128x128xf32>
        %max3A_433 = arith.constant 0.000000e+00 : f32
        %max3A_434 = vector.broadcast %max3A_433 : f32 to vector<128x128xf32>
        %max3A_435 = arith.maximumf %sub3A_432, %max3A_434 : vector<128x128xf32>
        %mul3A_436 = arith.mulf %max3A_415, %max3A_425 : vector<128x128xf32>
        %mul3A_437 = arith.mulf %mul3A_436, %max3A_435 : vector<128x128xf32>
        %add3A_438 = vector.broadcast %mul3A_74 : vector<128x1xf32> to vector<128x128xf32>
        %add3A_439 = vector.broadcast %slice3A_405 : vector<1x128xf32> to vector<128x128xf32>
        %add3A_440 = arith.addf %add3A_438, %add3A_439 : vector<128x128xf32>
        %sub3A_441 = arith.subf %add3A_440, %mul3A_437 : vector<128x128xf32>
        %div3A_442 = arith.divf %mul3A_437, %sub3A_441 : vector<128x128xf32>
        %ge3A_443 = arith.constant 5.000000e-01 : f32
        %ge3A_444 = vector.broadcast %ge3A_443 : f32 to vector<128x128xf32>
        %ge3A_445 = arith.cmpf oge, %div3A_442, %ge3A_444 : vector<128x128xf32>
        %jit3A_446 = arith.constant 1.000000e+00 : f32
        %jit3A_447 = arith.constant 0.000000e+00 : f32
        %broadcast_in_dim3A_448 = vector.broadcast %jit3A_446 : f32 to vector<128x128xf32>
        %broadcast_in_dim3A_449 = vector.broadcast %jit3A_447 : f32 to vector<128x128xf32>
        %select_n3A_450 = arith.select %ge3A_445, %broadcast_in_dim3A_448, %broadcast_in_dim3A_449 : vector<128x128xi1>, vector<128x128xf32>
        %add3A_451 = arith.constant 2 : i32
        %add3A_452 = arith.addi %add3A_330, %add3A_451 : i32
        %get3A_453 = arith.constant 0 : index
        %get3A_454 = arith.index_cast %add3A_452 : i32 to index
        %get3A_455 = arith.constant 0 : index
        %get3A_456 = arith.constant 0 : index
        %get3A_457 = vector.load %arg7[%get3A_453, %get3A_454, %get3A_455, %get3A_456] : memref<2x40x8x128xf32, #tpu.memory_space<vmem>>, vector<1x1x8x128xf32>
        %get3A_458 = vector.shape_cast %get3A_457 : vector<1x1x8x128xf32> to vector<8x128xf32>
        %slice3A_459 = vector.extract_strided_slice %get3A_458 {offsets = [0, 0], sizes = [1, 128], strides = [1, 1]} : vector<8x128xf32> to vector<1x128xf32>
        %slice3A_460 = vector.extract_strided_slice %get3A_458 {offsets = [1, 0], sizes = [1, 128], strides = [1, 1]} : vector<8x128xf32> to vector<1x128xf32>
        %slice3A_461 = vector.extract_strided_slice %get3A_458 {offsets = [2, 0], sizes = [1, 128], strides = [1, 1]} : vector<8x128xf32> to vector<1x128xf32>
        %slice3A_462 = vector.extract_strided_slice %get3A_458 {offsets = [3, 0], sizes = [1, 128], strides = [1, 1]} : vector<8x128xf32> to vector<1x128xf32>
        %slice3A_463 = vector.extract_strided_slice %get3A_458 {offsets = [4, 0], sizes = [1, 128], strides = [1, 1]} : vector<8x128xf32> to vector<1x128xf32>
        %slice3A_464 = vector.extract_strided_slice %get3A_458 {offsets = [5, 0], sizes = [1, 128], strides = [1, 1]} : vector<8x128xf32> to vector<1x128xf32>
        %slice3A_465 = vector.extract_strided_slice %get3A_458 {offsets = [6, 0], sizes = [1, 128], strides = [1, 1]} : vector<8x128xf32> to vector<1x128xf32>
        %min3A_466 = vector.broadcast %add3A : vector<128x1xf32> to vector<128x128xf32>
        %min3A_467 = vector.broadcast %slice3A_462 : vector<1x128xf32> to vector<128x128xf32>
        %min3A_468 = arith.minimumf %min3A_466, %min3A_467 : vector<128x128xf32>
        %max3A_469 = vector.broadcast %sub3A : vector<128x1xf32> to vector<128x128xf32>
        %max3A_470 = vector.broadcast %slice3A_459 : vector<1x128xf32> to vector<128x128xf32>
        %max3A_471 = arith.maximumf %max3A_469, %max3A_470 : vector<128x128xf32>
        %sub3A_472 = arith.subf %min3A_468, %max3A_471 : vector<128x128xf32>
        %max3A_473 = arith.constant 0.000000e+00 : f32
        %max3A_474 = vector.broadcast %max3A_473 : f32 to vector<128x128xf32>
        %max3A_475 = arith.maximumf %sub3A_472, %max3A_474 : vector<128x128xf32>
        %min3A_476 = vector.broadcast %add3A_68 : vector<128x1xf32> to vector<128x128xf32>
        %min3A_477 = vector.broadcast %slice3A_463 : vector<1x128xf32> to vector<128x128xf32>
        %min3A_478 = arith.minimumf %min3A_476, %min3A_477 : vector<128x128xf32>
        %max3A_479 = vector.broadcast %sub3A_57 : vector<128x1xf32> to vector<128x128xf32>
        %max3A_480 = vector.broadcast %slice3A_460 : vector<1x128xf32> to vector<128x128xf32>
        %max3A_481 = arith.maximumf %max3A_479, %max3A_480 : vector<128x128xf32>
        %sub3A_482 = arith.subf %min3A_478, %max3A_481 : vector<128x128xf32>
        %max3A_483 = arith.constant 0.000000e+00 : f32
        %max3A_484 = vector.broadcast %max3A_483 : f32 to vector<128x128xf32>
        %max3A_485 = arith.maximumf %sub3A_482, %max3A_484 : vector<128x128xf32>
        %min3A_486 = vector.broadcast %add3A_72 : vector<128x1xf32> to vector<128x128xf32>
        %min3A_487 = vector.broadcast %slice3A_464 : vector<1x128xf32> to vector<128x128xf32>
        %min3A_488 = arith.minimumf %min3A_486, %min3A_487 : vector<128x128xf32>
        %max3A_489 = vector.broadcast %sub3A_61 : vector<128x1xf32> to vector<128x128xf32>
        %max3A_490 = vector.broadcast %slice3A_461 : vector<1x128xf32> to vector<128x128xf32>
        %max3A_491 = arith.maximumf %max3A_489, %max3A_490 : vector<128x128xf32>
        %sub3A_492 = arith.subf %min3A_488, %max3A_491 : vector<128x128xf32>
        %max3A_493 = arith.constant 0.000000e+00 : f32
        %max3A_494 = vector.broadcast %max3A_493 : f32 to vector<128x128xf32>
        %max3A_495 = arith.maximumf %sub3A_492, %max3A_494 : vector<128x128xf32>
        %mul3A_496 = arith.mulf %max3A_475, %max3A_485 : vector<128x128xf32>
        %mul3A_497 = arith.mulf %mul3A_496, %max3A_495 : vector<128x128xf32>
        %add3A_498 = vector.broadcast %mul3A_74 : vector<128x1xf32> to vector<128x128xf32>
        %add3A_499 = vector.broadcast %slice3A_465 : vector<1x128xf32> to vector<128x128xf32>
        %add3A_500 = arith.addf %add3A_498, %add3A_499 : vector<128x128xf32>
        %sub3A_501 = arith.subf %add3A_500, %mul3A_497 : vector<128x128xf32>
        %div3A_502 = arith.divf %mul3A_497, %sub3A_501 : vector<128x128xf32>
        %ge3A_503 = arith.constant 5.000000e-01 : f32
        %ge3A_504 = vector.broadcast %ge3A_503 : f32 to vector<128x128xf32>
        %ge3A_505 = arith.cmpf oge, %div3A_502, %ge3A_504 : vector<128x128xf32>
        %jit3A_506 = arith.constant 1.000000e+00 : f32
        %jit3A_507 = arith.constant 0.000000e+00 : f32
        %broadcast_in_dim3A_508 = vector.broadcast %jit3A_506 : f32 to vector<128x128xf32>
        %broadcast_in_dim3A_509 = vector.broadcast %jit3A_507 : f32 to vector<128x128xf32>
        %select_n3A_510 = arith.select %ge3A_505, %broadcast_in_dim3A_508, %broadcast_in_dim3A_509 : vector<128x128xi1>, vector<128x128xf32>
        %add3A_511 = arith.constant 3 : i32
        %add3A_512 = arith.addi %add3A_330, %add3A_511 : i32
        %get3A_513 = arith.constant 0 : index
        %get3A_514 = arith.index_cast %add3A_512 : i32 to index
        %get3A_515 = arith.constant 0 : index
        %get3A_516 = arith.constant 0 : index
        %get3A_517 = vector.load %arg7[%get3A_513, %get3A_514, %get3A_515, %get3A_516] : memref<2x40x8x128xf32, #tpu.memory_space<vmem>>, vector<1x1x8x128xf32>
        %get3A_518 = vector.shape_cast %get3A_517 : vector<1x1x8x128xf32> to vector<8x128xf32>
        %slice3A_519 = vector.extract_strided_slice %get3A_518 {offsets = [0, 0], sizes = [1, 128], strides = [1, 1]} : vector<8x128xf32> to vector<1x128xf32>
        %slice3A_520 = vector.extract_strided_slice %get3A_518 {offsets = [1, 0], sizes = [1, 128], strides = [1, 1]} : vector<8x128xf32> to vector<1x128xf32>
        %slice3A_521 = vector.extract_strided_slice %get3A_518 {offsets = [2, 0], sizes = [1, 128], strides = [1, 1]} : vector<8x128xf32> to vector<1x128xf32>
        %slice3A_522 = vector.extract_strided_slice %get3A_518 {offsets = [3, 0], sizes = [1, 128], strides = [1, 1]} : vector<8x128xf32> to vector<1x128xf32>
        %slice3A_523 = vector.extract_strided_slice %get3A_518 {offsets = [4, 0], sizes = [1, 128], strides = [1, 1]} : vector<8x128xf32> to vector<1x128xf32>
        %slice3A_524 = vector.extract_strided_slice %get3A_518 {offsets = [5, 0], sizes = [1, 128], strides = [1, 1]} : vector<8x128xf32> to vector<1x128xf32>
        %slice3A_525 = vector.extract_strided_slice %get3A_518 {offsets = [6, 0], sizes = [1, 128], strides = [1, 1]} : vector<8x128xf32> to vector<1x128xf32>
        %min3A_526 = vector.broadcast %add3A : vector<128x1xf32> to vector<128x128xf32>
        %min3A_527 = vector.broadcast %slice3A_522 : vector<1x128xf32> to vector<128x128xf32>
        %min3A_528 = arith.minimumf %min3A_526, %min3A_527 : vector<128x128xf32>
        %max3A_529 = vector.broadcast %sub3A : vector<128x1xf32> to vector<128x128xf32>
        %max3A_530 = vector.broadcast %slice3A_519 : vector<1x128xf32> to vector<128x128xf32>
        %max3A_531 = arith.maximumf %max3A_529, %max3A_530 : vector<128x128xf32>
        %sub3A_532 = arith.subf %min3A_528, %max3A_531 : vector<128x128xf32>
        %max3A_533 = arith.constant 0.000000e+00 : f32
        %max3A_534 = vector.broadcast %max3A_533 : f32 to vector<128x128xf32>
        %max3A_535 = arith.maximumf %sub3A_532, %max3A_534 : vector<128x128xf32>
        %min3A_536 = vector.broadcast %add3A_68 : vector<128x1xf32> to vector<128x128xf32>
        %min3A_537 = vector.broadcast %slice3A_523 : vector<1x128xf32> to vector<128x128xf32>
        %min3A_538 = arith.minimumf %min3A_536, %min3A_537 : vector<128x128xf32>
        %max3A_539 = vector.broadcast %sub3A_57 : vector<128x1xf32> to vector<128x128xf32>
        %max3A_540 = vector.broadcast %slice3A_520 : vector<1x128xf32> to vector<128x128xf32>
        %max3A_541 = arith.maximumf %max3A_539, %max3A_540 : vector<128x128xf32>
        %sub3A_542 = arith.subf %min3A_538, %max3A_541 : vector<128x128xf32>
        %max3A_543 = arith.constant 0.000000e+00 : f32
        %max3A_544 = vector.broadcast %max3A_543 : f32 to vector<128x128xf32>
        %max3A_545 = arith.maximumf %sub3A_542, %max3A_544 : vector<128x128xf32>
        %min3A_546 = vector.broadcast %add3A_72 : vector<128x1xf32> to vector<128x128xf32>
        %min3A_547 = vector.broadcast %slice3A_524 : vector<1x128xf32> to vector<128x128xf32>
        %min3A_548 = arith.minimumf %min3A_546, %min3A_547 : vector<128x128xf32>
        %max3A_549 = vector.broadcast %sub3A_61 : vector<128x1xf32> to vector<128x128xf32>
        %max3A_550 = vector.broadcast %slice3A_521 : vector<1x128xf32> to vector<128x128xf32>
        %max3A_551 = arith.maximumf %max3A_549, %max3A_550 : vector<128x128xf32>
        %sub3A_552 = arith.subf %min3A_548, %max3A_551 : vector<128x128xf32>
        %max3A_553 = arith.constant 0.000000e+00 : f32
        %max3A_554 = vector.broadcast %max3A_553 : f32 to vector<128x128xf32>
        %max3A_555 = arith.maximumf %sub3A_552, %max3A_554 : vector<128x128xf32>
        %mul3A_556 = arith.mulf %max3A_535, %max3A_545 : vector<128x128xf32>
        %mul3A_557 = arith.mulf %mul3A_556, %max3A_555 : vector<128x128xf32>
        %add3A_558 = vector.broadcast %mul3A_74 : vector<128x1xf32> to vector<128x128xf32>
        %add3A_559 = vector.broadcast %slice3A_525 : vector<1x128xf32> to vector<128x128xf32>
        %add3A_560 = arith.addf %add3A_558, %add3A_559 : vector<128x128xf32>
        %sub3A_561 = arith.subf %add3A_560, %mul3A_557 : vector<128x128xf32>
        %div3A_562 = arith.divf %mul3A_557, %sub3A_561 : vector<128x128xf32>
        %ge3A_563 = arith.constant 5.000000e-01 : f32
        %ge3A_564 = vector.broadcast %ge3A_563 : f32 to vector<128x128xf32>
        %ge3A_565 = arith.cmpf oge, %div3A_562, %ge3A_564 : vector<128x128xf32>
        %jit3A_566 = arith.constant 1.000000e+00 : f32
        %jit3A_567 = arith.constant 0.000000e+00 : f32
        %broadcast_in_dim3A_568 = vector.broadcast %jit3A_566 : f32 to vector<128x128xf32>
        %broadcast_in_dim3A_569 = vector.broadcast %jit3A_567 : f32 to vector<128x128xf32>
        %select_n3A_570 = arith.select %ge3A_565, %broadcast_in_dim3A_568, %broadcast_in_dim3A_569 : vector<128x128xi1>, vector<128x128xf32>
        %add3A_571 = arith.constant 0 : i32
        %add3A_572 = arith.addi %add3A_330, %add3A_571 : i32
        %get3A_573 = arith.constant 1 : index
        %get3A_574 = arith.index_cast %add3A_572 : i32 to index
        %get3A_575 = arith.constant 0 : index
        %get3A_576 = arith.constant 0 : index
        %get3A_577 = vector.load %arg7[%get3A_573, %get3A_574, %get3A_575, %get3A_576] : memref<2x40x8x128xf32, #tpu.memory_space<vmem>>, vector<1x1x8x128xf32>
        %get3A_578 = vector.shape_cast %get3A_577 : vector<1x1x8x128xf32> to vector<8x128xf32>
        %slice3A_579 = vector.extract_strided_slice %get3A_578 {offsets = [0, 0], sizes = [1, 128], strides = [1, 1]} : vector<8x128xf32> to vector<1x128xf32>
        %slice3A_580 = vector.extract_strided_slice %get3A_578 {offsets = [1, 0], sizes = [1, 128], strides = [1, 1]} : vector<8x128xf32> to vector<1x128xf32>
        %slice3A_581 = vector.extract_strided_slice %get3A_578 {offsets = [2, 0], sizes = [1, 128], strides = [1, 1]} : vector<8x128xf32> to vector<1x128xf32>
        %slice3A_582 = vector.extract_strided_slice %get3A_578 {offsets = [3, 0], sizes = [1, 128], strides = [1, 1]} : vector<8x128xf32> to vector<1x128xf32>
        %slice3A_583 = vector.extract_strided_slice %get3A_578 {offsets = [4, 0], sizes = [1, 128], strides = [1, 1]} : vector<8x128xf32> to vector<1x128xf32>
        %slice3A_584 = vector.extract_strided_slice %get3A_578 {offsets = [5, 0], sizes = [1, 128], strides = [1, 1]} : vector<8x128xf32> to vector<1x128xf32>
        %slice3A_585 = vector.extract_strided_slice %get3A_578 {offsets = [6, 0], sizes = [1, 128], strides = [1, 1]} : vector<8x128xf32> to vector<1x128xf32>
        %min3A_586 = vector.broadcast %add3A_102 : vector<128x1xf32> to vector<128x128xf32>
        %min3A_587 = vector.broadcast %slice3A_582 : vector<1x128xf32> to vector<128x128xf32>
        %min3A_588 = arith.minimumf %min3A_586, %min3A_587 : vector<128x128xf32>
        %max3A_589 = vector.broadcast %sub3A_90 : vector<128x1xf32> to vector<128x128xf32>
        %max3A_590 = vector.broadcast %slice3A_579 : vector<1x128xf32> to vector<128x128xf32>
        %max3A_591 = arith.maximumf %max3A_589, %max3A_590 : vector<128x128xf32>
        %sub3A_592 = arith.subf %min3A_588, %max3A_591 : vector<128x128xf32>
        %max3A_593 = arith.constant 0.000000e+00 : f32
        %max3A_594 = vector.broadcast %max3A_593 : f32 to vector<128x128xf32>
        %max3A_595 = arith.maximumf %sub3A_592, %max3A_594 : vector<128x128xf32>
        %min3A_596 = vector.broadcast %add3A_106 : vector<128x1xf32> to vector<128x128xf32>
        %min3A_597 = vector.broadcast %slice3A_583 : vector<1x128xf32> to vector<128x128xf32>
        %min3A_598 = arith.minimumf %min3A_596, %min3A_597 : vector<128x128xf32>
        %max3A_599 = vector.broadcast %sub3A_94 : vector<128x1xf32> to vector<128x128xf32>
        %max3A_600 = vector.broadcast %slice3A_580 : vector<1x128xf32> to vector<128x128xf32>
        %max3A_601 = arith.maximumf %max3A_599, %max3A_600 : vector<128x128xf32>
        %sub3A_602 = arith.subf %min3A_598, %max3A_601 : vector<128x128xf32>
        %max3A_603 = arith.constant 0.000000e+00 : f32
        %max3A_604 = vector.broadcast %max3A_603 : f32 to vector<128x128xf32>
        %max3A_605 = arith.maximumf %sub3A_602, %max3A_604 : vector<128x128xf32>
        %min3A_606 = vector.broadcast %add3A_110 : vector<128x1xf32> to vector<128x128xf32>
        %min3A_607 = vector.broadcast %slice3A_584 : vector<1x128xf32> to vector<128x128xf32>
        %min3A_608 = arith.minimumf %min3A_606, %min3A_607 : vector<128x128xf32>
        %max3A_609 = vector.broadcast %sub3A_98 : vector<128x1xf32> to vector<128x128xf32>
        %max3A_610 = vector.broadcast %slice3A_581 : vector<1x128xf32> to vector<128x128xf32>
        %max3A_611 = arith.maximumf %max3A_609, %max3A_610 : vector<128x128xf32>
        %sub3A_612 = arith.subf %min3A_608, %max3A_611 : vector<128x128xf32>
        %max3A_613 = arith.constant 0.000000e+00 : f32
        %max3A_614 = vector.broadcast %max3A_613 : f32 to vector<128x128xf32>
        %max3A_615 = arith.maximumf %sub3A_612, %max3A_614 : vector<128x128xf32>
        %mul3A_616 = arith.mulf %max3A_595, %max3A_605 : vector<128x128xf32>
        %mul3A_617 = arith.mulf %mul3A_616, %max3A_615 : vector<128x128xf32>
        %add3A_618 = vector.broadcast %mul3A_112 : vector<128x1xf32> to vector<128x128xf32>
        %add3A_619 = vector.broadcast %slice3A_585 : vector<1x128xf32> to vector<128x128xf32>
        %add3A_620 = arith.addf %add3A_618, %add3A_619 : vector<128x128xf32>
        %sub3A_621 = arith.subf %add3A_620, %mul3A_617 : vector<128x128xf32>
        %div3A_622 = arith.divf %mul3A_617, %sub3A_621 : vector<128x128xf32>
        %ge3A_623 = arith.constant 5.000000e-01 : f32
        %ge3A_624 = vector.broadcast %ge3A_623 : f32 to vector<128x128xf32>
        %ge3A_625 = arith.cmpf oge, %div3A_622, %ge3A_624 : vector<128x128xf32>
        %jit3A_626 = arith.constant 1.000000e+00 : f32
        %jit3A_627 = arith.constant 0.000000e+00 : f32
        %broadcast_in_dim3A_628 = vector.broadcast %jit3A_626 : f32 to vector<128x128xf32>
        %broadcast_in_dim3A_629 = vector.broadcast %jit3A_627 : f32 to vector<128x128xf32>
        %select_n3A_630 = arith.select %ge3A_625, %broadcast_in_dim3A_628, %broadcast_in_dim3A_629 : vector<128x128xi1>, vector<128x128xf32>
        %add3A_631 = arith.constant 1 : i32
        %add3A_632 = arith.addi %add3A_330, %add3A_631 : i32
        %get3A_633 = arith.constant 1 : index
        %get3A_634 = arith.index_cast %add3A_632 : i32 to index
        %get3A_635 = arith.constant 0 : index
        %get3A_636 = arith.constant 0 : index
        %get3A_637 = vector.load %arg7[%get3A_633, %get3A_634, %get3A_635, %get3A_636] : memref<2x40x8x128xf32, #tpu.memory_space<vmem>>, vector<1x1x8x128xf32>
        %get3A_638 = vector.shape_cast %get3A_637 : vector<1x1x8x128xf32> to vector<8x128xf32>
        %slice3A_639 = vector.extract_strided_slice %get3A_638 {offsets = [0, 0], sizes = [1, 128], strides = [1, 1]} : vector<8x128xf32> to vector<1x128xf32>
        %slice3A_640 = vector.extract_strided_slice %get3A_638 {offsets = [1, 0], sizes = [1, 128], strides = [1, 1]} : vector<8x128xf32> to vector<1x128xf32>
        %slice3A_641 = vector.extract_strided_slice %get3A_638 {offsets = [2, 0], sizes = [1, 128], strides = [1, 1]} : vector<8x128xf32> to vector<1x128xf32>
        %slice3A_642 = vector.extract_strided_slice %get3A_638 {offsets = [3, 0], sizes = [1, 128], strides = [1, 1]} : vector<8x128xf32> to vector<1x128xf32>
        %slice3A_643 = vector.extract_strided_slice %get3A_638 {offsets = [4, 0], sizes = [1, 128], strides = [1, 1]} : vector<8x128xf32> to vector<1x128xf32>
        %slice3A_644 = vector.extract_strided_slice %get3A_638 {offsets = [5, 0], sizes = [1, 128], strides = [1, 1]} : vector<8x128xf32> to vector<1x128xf32>
        %slice3A_645 = vector.extract_strided_slice %get3A_638 {offsets = [6, 0], sizes = [1, 128], strides = [1, 1]} : vector<8x128xf32> to vector<1x128xf32>
        %min3A_646 = vector.broadcast %add3A_102 : vector<128x1xf32> to vector<128x128xf32>
        %min3A_647 = vector.broadcast %slice3A_642 : vector<1x128xf32> to vector<128x128xf32>
        %min3A_648 = arith.minimumf %min3A_646, %min3A_647 : vector<128x128xf32>
        %max3A_649 = vector.broadcast %sub3A_90 : vector<128x1xf32> to vector<128x128xf32>
        %max3A_650 = vector.broadcast %slice3A_639 : vector<1x128xf32> to vector<128x128xf32>
        %max3A_651 = arith.maximumf %max3A_649, %max3A_650 : vector<128x128xf32>
        %sub3A_652 = arith.subf %min3A_648, %max3A_651 : vector<128x128xf32>
        %max3A_653 = arith.constant 0.000000e+00 : f32
        %max3A_654 = vector.broadcast %max3A_653 : f32 to vector<128x128xf32>
        %max3A_655 = arith.maximumf %sub3A_652, %max3A_654 : vector<128x128xf32>
        %min3A_656 = vector.broadcast %add3A_106 : vector<128x1xf32> to vector<128x128xf32>
        %min3A_657 = vector.broadcast %slice3A_643 : vector<1x128xf32> to vector<128x128xf32>
        %min3A_658 = arith.minimumf %min3A_656, %min3A_657 : vector<128x128xf32>
        %max3A_659 = vector.broadcast %sub3A_94 : vector<128x1xf32> to vector<128x128xf32>
        %max3A_660 = vector.broadcast %slice3A_640 : vector<1x128xf32> to vector<128x128xf32>
        %max3A_661 = arith.maximumf %max3A_659, %max3A_660 : vector<128x128xf32>
        %sub3A_662 = arith.subf %min3A_658, %max3A_661 : vector<128x128xf32>
        %max3A_663 = arith.constant 0.000000e+00 : f32
        %max3A_664 = vector.broadcast %max3A_663 : f32 to vector<128x128xf32>
        %max3A_665 = arith.maximumf %sub3A_662, %max3A_664 : vector<128x128xf32>
        %min3A_666 = vector.broadcast %add3A_110 : vector<128x1xf32> to vector<128x128xf32>
        %min3A_667 = vector.broadcast %slice3A_644 : vector<1x128xf32> to vector<128x128xf32>
        %min3A_668 = arith.minimumf %min3A_666, %min3A_667 : vector<128x128xf32>
        %max3A_669 = vector.broadcast %sub3A_98 : vector<128x1xf32> to vector<128x128xf32>
        %max3A_670 = vector.broadcast %slice3A_641 : vector<1x128xf32> to vector<128x128xf32>
        %max3A_671 = arith.maximumf %max3A_669, %max3A_670 : vector<128x128xf32>
        %sub3A_672 = arith.subf %min3A_668, %max3A_671 : vector<128x128xf32>
        %max3A_673 = arith.constant 0.000000e+00 : f32
        %max3A_674 = vector.broadcast %max3A_673 : f32 to vector<128x128xf32>
        %max3A_675 = arith.maximumf %sub3A_672, %max3A_674 : vector<128x128xf32>
        %mul3A_676 = arith.mulf %max3A_655, %max3A_665 : vector<128x128xf32>
        %mul3A_677 = arith.mulf %mul3A_676, %max3A_675 : vector<128x128xf32>
        %add3A_678 = vector.broadcast %mul3A_112 : vector<128x1xf32> to vector<128x128xf32>
        %add3A_679 = vector.broadcast %slice3A_645 : vector<1x128xf32> to vector<128x128xf32>
        %add3A_680 = arith.addf %add3A_678, %add3A_679 : vector<128x128xf32>
        %sub3A_681 = arith.subf %add3A_680, %mul3A_677 : vector<128x128xf32>
        %div3A_682 = arith.divf %mul3A_677, %sub3A_681 : vector<128x128xf32>
        %ge3A_683 = arith.constant 5.000000e-01 : f32
        %ge3A_684 = vector.broadcast %ge3A_683 : f32 to vector<128x128xf32>
        %ge3A_685 = arith.cmpf oge, %div3A_682, %ge3A_684 : vector<128x128xf32>
        %jit3A_686 = arith.constant 1.000000e+00 : f32
        %jit3A_687 = arith.constant 0.000000e+00 : f32
        %broadcast_in_dim3A_688 = vector.broadcast %jit3A_686 : f32 to vector<128x128xf32>
        %broadcast_in_dim3A_689 = vector.broadcast %jit3A_687 : f32 to vector<128x128xf32>
        %select_n3A_690 = arith.select %ge3A_685, %broadcast_in_dim3A_688, %broadcast_in_dim3A_689 : vector<128x128xi1>, vector<128x128xf32>
        %add3A_691 = arith.constant 2 : i32
        %add3A_692 = arith.addi %add3A_330, %add3A_691 : i32
        %get3A_693 = arith.constant 1 : index
        %get3A_694 = arith.index_cast %add3A_692 : i32 to index
        %get3A_695 = arith.constant 0 : index
        %get3A_696 = arith.constant 0 : index
        %get3A_697 = vector.load %arg7[%get3A_693, %get3A_694, %get3A_695, %get3A_696] : memref<2x40x8x128xf32, #tpu.memory_space<vmem>>, vector<1x1x8x128xf32>
        %get3A_698 = vector.shape_cast %get3A_697 : vector<1x1x8x128xf32> to vector<8x128xf32>
        %slice3A_699 = vector.extract_strided_slice %get3A_698 {offsets = [0, 0], sizes = [1, 128], strides = [1, 1]} : vector<8x128xf32> to vector<1x128xf32>
        %slice3A_700 = vector.extract_strided_slice %get3A_698 {offsets = [1, 0], sizes = [1, 128], strides = [1, 1]} : vector<8x128xf32> to vector<1x128xf32>
        %slice3A_701 = vector.extract_strided_slice %get3A_698 {offsets = [2, 0], sizes = [1, 128], strides = [1, 1]} : vector<8x128xf32> to vector<1x128xf32>
        %slice3A_702 = vector.extract_strided_slice %get3A_698 {offsets = [3, 0], sizes = [1, 128], strides = [1, 1]} : vector<8x128xf32> to vector<1x128xf32>
        %slice3A_703 = vector.extract_strided_slice %get3A_698 {offsets = [4, 0], sizes = [1, 128], strides = [1, 1]} : vector<8x128xf32> to vector<1x128xf32>
        %slice3A_704 = vector.extract_strided_slice %get3A_698 {offsets = [5, 0], sizes = [1, 128], strides = [1, 1]} : vector<8x128xf32> to vector<1x128xf32>
        %slice3A_705 = vector.extract_strided_slice %get3A_698 {offsets = [6, 0], sizes = [1, 128], strides = [1, 1]} : vector<8x128xf32> to vector<1x128xf32>
        %min3A_706 = vector.broadcast %add3A_102 : vector<128x1xf32> to vector<128x128xf32>
        %min3A_707 = vector.broadcast %slice3A_702 : vector<1x128xf32> to vector<128x128xf32>
        %min3A_708 = arith.minimumf %min3A_706, %min3A_707 : vector<128x128xf32>
        %max3A_709 = vector.broadcast %sub3A_90 : vector<128x1xf32> to vector<128x128xf32>
        %max3A_710 = vector.broadcast %slice3A_699 : vector<1x128xf32> to vector<128x128xf32>
        %max3A_711 = arith.maximumf %max3A_709, %max3A_710 : vector<128x128xf32>
        %sub3A_712 = arith.subf %min3A_708, %max3A_711 : vector<128x128xf32>
        %max3A_713 = arith.constant 0.000000e+00 : f32
        %max3A_714 = vector.broadcast %max3A_713 : f32 to vector<128x128xf32>
        %max3A_715 = arith.maximumf %sub3A_712, %max3A_714 : vector<128x128xf32>
        %min3A_716 = vector.broadcast %add3A_106 : vector<128x1xf32> to vector<128x128xf32>
        %min3A_717 = vector.broadcast %slice3A_703 : vector<1x128xf32> to vector<128x128xf32>
        %min3A_718 = arith.minimumf %min3A_716, %min3A_717 : vector<128x128xf32>
        %max3A_719 = vector.broadcast %sub3A_94 : vector<128x1xf32> to vector<128x128xf32>
        %max3A_720 = vector.broadcast %slice3A_700 : vector<1x128xf32> to vector<128x128xf32>
        %max3A_721 = arith.maximumf %max3A_719, %max3A_720 : vector<128x128xf32>
        %sub3A_722 = arith.subf %min3A_718, %max3A_721 : vector<128x128xf32>
        %max3A_723 = arith.constant 0.000000e+00 : f32
        %max3A_724 = vector.broadcast %max3A_723 : f32 to vector<128x128xf32>
        %max3A_725 = arith.maximumf %sub3A_722, %max3A_724 : vector<128x128xf32>
        %min3A_726 = vector.broadcast %add3A_110 : vector<128x1xf32> to vector<128x128xf32>
        %min3A_727 = vector.broadcast %slice3A_704 : vector<1x128xf32> to vector<128x128xf32>
        %min3A_728 = arith.minimumf %min3A_726, %min3A_727 : vector<128x128xf32>
        %max3A_729 = vector.broadcast %sub3A_98 : vector<128x1xf32> to vector<128x128xf32>
        %max3A_730 = vector.broadcast %slice3A_701 : vector<1x128xf32> to vector<128x128xf32>
        %max3A_731 = arith.maximumf %max3A_729, %max3A_730 : vector<128x128xf32>
        %sub3A_732 = arith.subf %min3A_728, %max3A_731 : vector<128x128xf32>
        %max3A_733 = arith.constant 0.000000e+00 : f32
        %max3A_734 = vector.broadcast %max3A_733 : f32 to vector<128x128xf32>
        %max3A_735 = arith.maximumf %sub3A_732, %max3A_734 : vector<128x128xf32>
        %mul3A_736 = arith.mulf %max3A_715, %max3A_725 : vector<128x128xf32>
        %mul3A_737 = arith.mulf %mul3A_736, %max3A_735 : vector<128x128xf32>
        %add3A_738 = vector.broadcast %mul3A_112 : vector<128x1xf32> to vector<128x128xf32>
        %add3A_739 = vector.broadcast %slice3A_705 : vector<1x128xf32> to vector<128x128xf32>
        %add3A_740 = arith.addf %add3A_738, %add3A_739 : vector<128x128xf32>
        %sub3A_741 = arith.subf %add3A_740, %mul3A_737 : vector<128x128xf32>
        %div3A_742 = arith.divf %mul3A_737, %sub3A_741 : vector<128x128xf32>
        %ge3A_743 = arith.constant 5.000000e-01 : f32
        %ge3A_744 = vector.broadcast %ge3A_743 : f32 to vector<128x128xf32>
        %ge3A_745 = arith.cmpf oge, %div3A_742, %ge3A_744 : vector<128x128xf32>
        %jit3A_746 = arith.constant 1.000000e+00 : f32
        %jit3A_747 = arith.constant 0.000000e+00 : f32
        %broadcast_in_dim3A_748 = vector.broadcast %jit3A_746 : f32 to vector<128x128xf32>
        %broadcast_in_dim3A_749 = vector.broadcast %jit3A_747 : f32 to vector<128x128xf32>
        %select_n3A_750 = arith.select %ge3A_745, %broadcast_in_dim3A_748, %broadcast_in_dim3A_749 : vector<128x128xi1>, vector<128x128xf32>
        %add3A_751 = arith.constant 3 : i32
        %add3A_752 = arith.addi %add3A_330, %add3A_751 : i32
        %get3A_753 = arith.constant 1 : index
        %get3A_754 = arith.index_cast %add3A_752 : i32 to index
        %get3A_755 = arith.constant 0 : index
        %get3A_756 = arith.constant 0 : index
        %get3A_757 = vector.load %arg7[%get3A_753, %get3A_754, %get3A_755, %get3A_756] : memref<2x40x8x128xf32, #tpu.memory_space<vmem>>, vector<1x1x8x128xf32>
        %get3A_758 = vector.shape_cast %get3A_757 : vector<1x1x8x128xf32> to vector<8x128xf32>
        %slice3A_759 = vector.extract_strided_slice %get3A_758 {offsets = [0, 0], sizes = [1, 128], strides = [1, 1]} : vector<8x128xf32> to vector<1x128xf32>
        %slice3A_760 = vector.extract_strided_slice %get3A_758 {offsets = [1, 0], sizes = [1, 128], strides = [1, 1]} : vector<8x128xf32> to vector<1x128xf32>
        %slice3A_761 = vector.extract_strided_slice %get3A_758 {offsets = [2, 0], sizes = [1, 128], strides = [1, 1]} : vector<8x128xf32> to vector<1x128xf32>
        %slice3A_762 = vector.extract_strided_slice %get3A_758 {offsets = [3, 0], sizes = [1, 128], strides = [1, 1]} : vector<8x128xf32> to vector<1x128xf32>
        %slice3A_763 = vector.extract_strided_slice %get3A_758 {offsets = [4, 0], sizes = [1, 128], strides = [1, 1]} : vector<8x128xf32> to vector<1x128xf32>
        %slice3A_764 = vector.extract_strided_slice %get3A_758 {offsets = [5, 0], sizes = [1, 128], strides = [1, 1]} : vector<8x128xf32> to vector<1x128xf32>
        %slice3A_765 = vector.extract_strided_slice %get3A_758 {offsets = [6, 0], sizes = [1, 128], strides = [1, 1]} : vector<8x128xf32> to vector<1x128xf32>
        %min3A_766 = vector.broadcast %add3A_102 : vector<128x1xf32> to vector<128x128xf32>
        %min3A_767 = vector.broadcast %slice3A_762 : vector<1x128xf32> to vector<128x128xf32>
        %min3A_768 = arith.minimumf %min3A_766, %min3A_767 : vector<128x128xf32>
        %max3A_769 = vector.broadcast %sub3A_90 : vector<128x1xf32> to vector<128x128xf32>
        %max3A_770 = vector.broadcast %slice3A_759 : vector<1x128xf32> to vector<128x128xf32>
        %max3A_771 = arith.maximumf %max3A_769, %max3A_770 : vector<128x128xf32>
        %sub3A_772 = arith.subf %min3A_768, %max3A_771 : vector<128x128xf32>
        %max3A_773 = arith.constant 0.000000e+00 : f32
        %max3A_774 = vector.broadcast %max3A_773 : f32 to vector<128x128xf32>
        %max3A_775 = arith.maximumf %sub3A_772, %max3A_774 : vector<128x128xf32>
        %min3A_776 = vector.broadcast %add3A_106 : vector<128x1xf32> to vector<128x128xf32>
        %min3A_777 = vector.broadcast %slice3A_763 : vector<1x128xf32> to vector<128x128xf32>
        %min3A_778 = arith.minimumf %min3A_776, %min3A_777 : vector<128x128xf32>
        %max3A_779 = vector.broadcast %sub3A_94 : vector<128x1xf32> to vector<128x128xf32>
        %max3A_780 = vector.broadcast %slice3A_760 : vector<1x128xf32> to vector<128x128xf32>
        %max3A_781 = arith.maximumf %max3A_779, %max3A_780 : vector<128x128xf32>
        %sub3A_782 = arith.subf %min3A_778, %max3A_781 : vector<128x128xf32>
        %max3A_783 = arith.constant 0.000000e+00 : f32
        %max3A_784 = vector.broadcast %max3A_783 : f32 to vector<128x128xf32>
        %max3A_785 = arith.maximumf %sub3A_782, %max3A_784 : vector<128x128xf32>
        %min3A_786 = vector.broadcast %add3A_110 : vector<128x1xf32> to vector<128x128xf32>
        %min3A_787 = vector.broadcast %slice3A_764 : vector<1x128xf32> to vector<128x128xf32>
        %min3A_788 = arith.minimumf %min3A_786, %min3A_787 : vector<128x128xf32>
        %max3A_789 = vector.broadcast %sub3A_98 : vector<128x1xf32> to vector<128x128xf32>
        %max3A_790 = vector.broadcast %slice3A_761 : vector<1x128xf32> to vector<128x128xf32>
        %max3A_791 = arith.maximumf %max3A_789, %max3A_790 : vector<128x128xf32>
        %sub3A_792 = arith.subf %min3A_788, %max3A_791 : vector<128x128xf32>
        %max3A_793 = arith.constant 0.000000e+00 : f32
        %max3A_794 = vector.broadcast %max3A_793 : f32 to vector<128x128xf32>
        %max3A_795 = arith.maximumf %sub3A_792, %max3A_794 : vector<128x128xf32>
        %mul3A_796 = arith.mulf %max3A_775, %max3A_785 : vector<128x128xf32>
        %mul3A_797 = arith.mulf %mul3A_796, %max3A_795 : vector<128x128xf32>
        %add3A_798 = vector.broadcast %mul3A_112 : vector<128x1xf32> to vector<128x128xf32>
        %add3A_799 = vector.broadcast %slice3A_765 : vector<1x128xf32> to vector<128x128xf32>
        %add3A_800 = arith.addf %add3A_798, %add3A_799 : vector<128x128xf32>
        %sub3A_801 = arith.subf %add3A_800, %mul3A_797 : vector<128x128xf32>
        %div3A_802 = arith.divf %mul3A_797, %sub3A_801 : vector<128x128xf32>
        %ge3A_803 = arith.constant 5.000000e-01 : f32
        %ge3A_804 = vector.broadcast %ge3A_803 : f32 to vector<128x128xf32>
        %ge3A_805 = arith.cmpf oge, %div3A_802, %ge3A_804 : vector<128x128xf32>
        %jit3A_806 = arith.constant 1.000000e+00 : f32
        %jit3A_807 = arith.constant 0.000000e+00 : f32
        %broadcast_in_dim3A_808 = vector.broadcast %jit3A_806 : f32 to vector<128x128xf32>
        %broadcast_in_dim3A_809 = vector.broadcast %jit3A_807 : f32 to vector<128x128xf32>
        %select_n3A_810 = arith.select %ge3A_805, %broadcast_in_dim3A_808, %broadcast_in_dim3A_809 : vector<128x128xi1>, vector<128x128xf32>
        %concatenate3A = tpu.concatenate %select_n3A_390, %select_n3A_450, %select_n3A_510, %select_n3A_570 in 1 : vector<128x128xf32>, vector<128x128xf32>, vector<128x128xf32>, vector<128x128xf32> -> vector<128x512xf32>
        %dot_general3A = arith.constant dense<0.000000e+00> : vector<1x512xf32>
        %dot_general3A_811 = tpu.matmul %while3A_238#0, %concatenate3A, %dot_general3A {dimension_numbers = #tpu.dot_dimension_numbers<[1], [0], [0], [1], [0, 0, 1, 1], [], []>, transpose_lhs_hint = false} : vector<1x128xf32>, vector<128x512xf32>, vector<1x512xf32> -> vector<1x512xf32>
        %concatenate3A_812 = tpu.concatenate %select_n3A_630, %select_n3A_690, %select_n3A_750, %select_n3A_810 in 1 : vector<128x128xf32>, vector<128x128xf32>, vector<128x128xf32>, vector<128x128xf32> -> vector<128x512xf32>
        %dot_general3A_813 = arith.constant dense<0.000000e+00> : vector<1x512xf32>
        %dot_general3A_814 = tpu.matmul %while3A_238#1, %concatenate3A_812, %dot_general3A_813 {dimension_numbers = #tpu.dot_dimension_numbers<[1], [0], [0], [1], [0, 0, 1, 1], [], []>, transpose_lhs_hint = false} : vector<1x128xf32>, vector<128x512xf32>, vector<1x512xf32> -> vector<1x512xf32>
        %slice3A_815 = vector.extract_strided_slice %dot_general3A_811 {offsets = [0, 0], sizes = [1, 128], strides = [1, 1]} : vector<1x512xf32> to vector<1x128xf32>
        %gt3A_816 = arith.constant 5.000000e-01 : f32
        %gt3A_817 = vector.broadcast %gt3A_816 : f32 to vector<1x128xf32>
        %gt3A_818 = arith.cmpf ogt, %slice3A_815, %gt3A_817 : vector<1x128xf32>
        %add3A_819 = arith.constant 0 : i32
        %add3A_820 = arith.addi %add3A_330, %add3A_819 : i32
        %get3A_821 = arith.constant 0 : index
        %get3A_822 = arith.index_cast %add3A_820 : i32 to index
        %get3A_823 = arith.constant 0 : index
        %get3A_824 = arith.constant 0 : index
        %get3A_825 = vector.load %arg6[%get3A_821, %get3A_822, %get3A_823, %get3A_824] : memref<2x40x1x128xf32, #tpu.memory_space<vmem>>, vector<1x1x1x128xf32>
        %get3A_826 = vector.shape_cast %get3A_825 : vector<1x1x1x128xf32> to vector<1x128xf32>
        %jit3A_827 = arith.constant 0.000000e+00 : f32
        %broadcast_in_dim3A_828 = vector.broadcast %jit3A_827 : f32 to vector<1x128xf32>
        %select_n3A_829 = arith.select %gt3A_818, %broadcast_in_dim3A_828, %get3A_826 : vector<1x128xi1>, vector<1x128xf32>
        %add3A_830 = arith.constant 0 : i32
        %add3A_831 = arith.addi %add3A_330, %add3A_830 : i32
        %swap3A_832 = arith.constant 0 : index
        %swap3A_833 = arith.index_cast %add3A_831 : i32 to index
        %swap3A_834 = arith.constant 0 : index
        %swap3A_835 = arith.constant 0 : index
        %swap3A_836 = vector.load %arg6[%swap3A_832, %swap3A_833, %swap3A_834, %swap3A_835] : memref<2x40x1x128xf32, #tpu.memory_space<vmem>>, vector<1x1x1x128xf32>
        %swap3A_837 = vector.shape_cast %swap3A_836 : vector<1x1x1x128xf32> to vector<1x128xf32>
        %swap3A_838 = vector.shape_cast %select_n3A_829 : vector<1x128xf32> to vector<1x1x1x128xf32>
        tpu.vector_store %arg6[%swap3A_832, %swap3A_833, %swap3A_834, %swap3A_835], %swap3A_838 {strides = array<i32>} : memref<2x40x1x128xf32, #tpu.memory_space<vmem>>, vector<1x1x1x128xf32>,
        %slice3A_839 = vector.extract_strided_slice %dot_general3A_814 {offsets = [0, 0], sizes = [1, 128], strides = [1, 1]} : vector<1x512xf32> to vector<1x128xf32>
        %gt3A_840 = arith.constant 5.000000e-01 : f32
        %gt3A_841 = vector.broadcast %gt3A_840 : f32 to vector<1x128xf32>
        %gt3A_842 = arith.cmpf ogt, %slice3A_839, %gt3A_841 : vector<1x128xf32>
        %add3A_843 = arith.constant 0 : i32
        %add3A_844 = arith.addi %add3A_330, %add3A_843 : i32
        %get3A_845 = arith.constant 1 : index
        %get3A_846 = arith.index_cast %add3A_844 : i32 to index
        %get3A_847 = arith.constant 0 : index
        %get3A_848 = arith.constant 0 : index
        %get3A_849 = vector.load %arg6[%get3A_845, %get3A_846, %get3A_847, %get3A_848] : memref<2x40x1x128xf32, #tpu.memory_space<vmem>>, vector<1x1x1x128xf32>
        %get3A_850 = vector.shape_cast %get3A_849 : vector<1x1x1x128xf32> to vector<1x128xf32>
        %jit3A_851 = arith.constant 0.000000e+00 : f32
        %broadcast_in_dim3A_852 = vector.broadcast %jit3A_851 : f32 to vector<1x128xf32>
        %select_n3A_853 = arith.select %gt3A_842, %broadcast_in_dim3A_852, %get3A_850 : vector<1x128xi1>, vector<1x128xf32>
        %add3A_854 = arith.constant 0 : i32
        %add3A_855 = arith.addi %add3A_330, %add3A_854 : i32
        %swap3A_856 = arith.constant 1 : index
        %swap3A_857 = arith.index_cast %add3A_855 : i32 to index
        %swap3A_858 = arith.constant 0 : index
        %swap3A_859 = arith.constant 0 : index
        %swap3A_860 = vector.load %arg6[%swap3A_856, %swap3A_857, %swap3A_858, %swap3A_859] : memref<2x40x1x128xf32, #tpu.memory_space<vmem>>, vector<1x1x1x128xf32>
        %swap3A_861 = vector.shape_cast %swap3A_860 : vector<1x1x1x128xf32> to vector<1x128xf32>
        %swap3A_862 = vector.shape_cast %select_n3A_853 : vector<1x128xf32> to vector<1x1x1x128xf32>
        tpu.vector_store %arg6[%swap3A_856, %swap3A_857, %swap3A_858, %swap3A_859], %swap3A_862 {strides = array<i32>} : memref<2x40x1x128xf32, #tpu.memory_space<vmem>>, vector<1x1x1x128xf32>,
        %slice3A_863 = vector.extract_strided_slice %dot_general3A_811 {offsets = [0, 128], sizes = [1, 128], strides = [1, 1]} : vector<1x512xf32> to vector<1x128xf32>
        %gt3A_864 = arith.constant 5.000000e-01 : f32
        %gt3A_865 = vector.broadcast %gt3A_864 : f32 to vector<1x128xf32>
        %gt3A_866 = arith.cmpf ogt, %slice3A_863, %gt3A_865 : vector<1x128xf32>
        %add3A_867 = arith.constant 1 : i32
        %add3A_868 = arith.addi %add3A_330, %add3A_867 : i32
        %get3A_869 = arith.constant 0 : index
        %get3A_870 = arith.index_cast %add3A_868 : i32 to index
        %get3A_871 = arith.constant 0 : index
        %get3A_872 = arith.constant 0 : index
        %get3A_873 = vector.load %arg6[%get3A_869, %get3A_870, %get3A_871, %get3A_872] : memref<2x40x1x128xf32, #tpu.memory_space<vmem>>, vector<1x1x1x128xf32>
        %get3A_874 = vector.shape_cast %get3A_873 : vector<1x1x1x128xf32> to vector<1x128xf32>
        %jit3A_875 = arith.constant 0.000000e+00 : f32
        %broadcast_in_dim3A_876 = vector.broadcast %jit3A_875 : f32 to vector<1x128xf32>
        %select_n3A_877 = arith.select %gt3A_866, %broadcast_in_dim3A_876, %get3A_874 : vector<1x128xi1>, vector<1x128xf32>
        %add3A_878 = arith.constant 1 : i32
        %add3A_879 = arith.addi %add3A_330, %add3A_878 : i32
        %swap3A_880 = arith.constant 0 : index
        %swap3A_881 = arith.index_cast %add3A_879 : i32 to index
        %swap3A_882 = arith.constant 0 : index
        %swap3A_883 = arith.constant 0 : index
        %swap3A_884 = vector.load %arg6[%swap3A_880, %swap3A_881, %swap3A_882, %swap3A_883] : memref<2x40x1x128xf32, #tpu.memory_space<vmem>>, vector<1x1x1x128xf32>
        %swap3A_885 = vector.shape_cast %swap3A_884 : vector<1x1x1x128xf32> to vector<1x128xf32>
        %swap3A_886 = vector.shape_cast %select_n3A_877 : vector<1x128xf32> to vector<1x1x1x128xf32>
        tpu.vector_store %arg6[%swap3A_880, %swap3A_881, %swap3A_882, %swap3A_883], %swap3A_886 {strides = array<i32>} : memref<2x40x1x128xf32, #tpu.memory_space<vmem>>, vector<1x1x1x128xf32>,
        %slice3A_887 = vector.extract_strided_slice %dot_general3A_814 {offsets = [0, 128], sizes = [1, 128], strides = [1, 1]} : vector<1x512xf32> to vector<1x128xf32>
        %gt3A_888 = arith.constant 5.000000e-01 : f32
        %gt3A_889 = vector.broadcast %gt3A_888 : f32 to vector<1x128xf32>
        %gt3A_890 = arith.cmpf ogt, %slice3A_887, %gt3A_889 : vector<1x128xf32>
        %add3A_891 = arith.constant 1 : i32
        %add3A_892 = arith.addi %add3A_330, %add3A_891 : i32
        %get3A_893 = arith.constant 1 : index
        %get3A_894 = arith.index_cast %add3A_892 : i32 to index
        %get3A_895 = arith.constant 0 : index
        %get3A_896 = arith.constant 0 : index
        %get3A_897 = vector.load %arg6[%get3A_893, %get3A_894, %get3A_895, %get3A_896] : memref<2x40x1x128xf32, #tpu.memory_space<vmem>>, vector<1x1x1x128xf32>
        %get3A_898 = vector.shape_cast %get3A_897 : vector<1x1x1x128xf32> to vector<1x128xf32>
        %jit3A_899 = arith.constant 0.000000e+00 : f32
        %broadcast_in_dim3A_900 = vector.broadcast %jit3A_899 : f32 to vector<1x128xf32>
        %select_n3A_901 = arith.select %gt3A_890, %broadcast_in_dim3A_900, %get3A_898 : vector<1x128xi1>, vector<1x128xf32>
        %add3A_902 = arith.constant 1 : i32
        %add3A_903 = arith.addi %add3A_330, %add3A_902 : i32
        %swap3A_904 = arith.constant 1 : index
        %swap3A_905 = arith.index_cast %add3A_903 : i32 to index
        %swap3A_906 = arith.constant 0 : index
        %swap3A_907 = arith.constant 0 : index
        %swap3A_908 = vector.load %arg6[%swap3A_904, %swap3A_905, %swap3A_906, %swap3A_907] : memref<2x40x1x128xf32, #tpu.memory_space<vmem>>, vector<1x1x1x128xf32>
        %swap3A_909 = vector.shape_cast %swap3A_908 : vector<1x1x1x128xf32> to vector<1x128xf32>
        %swap3A_910 = vector.shape_cast %select_n3A_901 : vector<1x128xf32> to vector<1x1x1x128xf32>
        tpu.vector_store %arg6[%swap3A_904, %swap3A_905, %swap3A_906, %swap3A_907], %swap3A_910 {strides = array<i32>} : memref<2x40x1x128xf32, #tpu.memory_space<vmem>>, vector<1x1x1x128xf32>,
        %slice3A_911 = vector.extract_strided_slice %dot_general3A_811 {offsets = [0, 256], sizes = [1, 128], strides = [1, 1]} : vector<1x512xf32> to vector<1x128xf32>
        %gt3A_912 = arith.constant 5.000000e-01 : f32
        %gt3A_913 = vector.broadcast %gt3A_912 : f32 to vector<1x128xf32>
        %gt3A_914 = arith.cmpf ogt, %slice3A_911, %gt3A_913 : vector<1x128xf32>
        %add3A_915 = arith.constant 2 : i32
        %add3A_916 = arith.addi %add3A_330, %add3A_915 : i32
        %get3A_917 = arith.constant 0 : index
        %get3A_918 = arith.index_cast %add3A_916 : i32 to index
        %get3A_919 = arith.constant 0 : index
        %get3A_920 = arith.constant 0 : index
        %get3A_921 = vector.load %arg6[%get3A_917, %get3A_918, %get3A_919, %get3A_920] : memref<2x40x1x128xf32, #tpu.memory_space<vmem>>, vector<1x1x1x128xf32>
        %get3A_922 = vector.shape_cast %get3A_921 : vector<1x1x1x128xf32> to vector<1x128xf32>
        %jit3A_923 = arith.constant 0.000000e+00 : f32
        %broadcast_in_dim3A_924 = vector.broadcast %jit3A_923 : f32 to vector<1x128xf32>
        %select_n3A_925 = arith.select %gt3A_914, %broadcast_in_dim3A_924, %get3A_922 : vector<1x128xi1>, vector<1x128xf32>
        %add3A_926 = arith.constant 2 : i32
        %add3A_927 = arith.addi %add3A_330, %add3A_926 : i32
        %swap3A_928 = arith.constant 0 : index
        %swap3A_929 = arith.index_cast %add3A_927 : i32 to index
        %swap3A_930 = arith.constant 0 : index
        %swap3A_931 = arith.constant 0 : index
        %swap3A_932 = vector.load %arg6[%swap3A_928, %swap3A_929, %swap3A_930, %swap3A_931] : memref<2x40x1x128xf32, #tpu.memory_space<vmem>>, vector<1x1x1x128xf32>
        %swap3A_933 = vector.shape_cast %swap3A_932 : vector<1x1x1x128xf32> to vector<1x128xf32>
        %swap3A_934 = vector.shape_cast %select_n3A_925 : vector<1x128xf32> to vector<1x1x1x128xf32>
        tpu.vector_store %arg6[%swap3A_928, %swap3A_929, %swap3A_930, %swap3A_931], %swap3A_934 {strides = array<i32>} : memref<2x40x1x128xf32, #tpu.memory_space<vmem>>, vector<1x1x1x128xf32>,
        %slice3A_935 = vector.extract_strided_slice %dot_general3A_814 {offsets = [0, 256], sizes = [1, 128], strides = [1, 1]} : vector<1x512xf32> to vector<1x128xf32>
        %gt3A_936 = arith.constant 5.000000e-01 : f32
        %gt3A_937 = vector.broadcast %gt3A_936 : f32 to vector<1x128xf32>
        %gt3A_938 = arith.cmpf ogt, %slice3A_935, %gt3A_937 : vector<1x128xf32>
        %add3A_939 = arith.constant 2 : i32
        %add3A_940 = arith.addi %add3A_330, %add3A_939 : i32
        %get3A_941 = arith.constant 1 : index
        %get3A_942 = arith.index_cast %add3A_940 : i32 to index
        %get3A_943 = arith.constant 0 : index
        %get3A_944 = arith.constant 0 : index
        %get3A_945 = vector.load %arg6[%get3A_941, %get3A_942, %get3A_943, %get3A_944] : memref<2x40x1x128xf32, #tpu.memory_space<vmem>>, vector<1x1x1x128xf32>
        %get3A_946 = vector.shape_cast %get3A_945 : vector<1x1x1x128xf32> to vector<1x128xf32>
        %jit3A_947 = arith.constant 0.000000e+00 : f32
        %broadcast_in_dim3A_948 = vector.broadcast %jit3A_947 : f32 to vector<1x128xf32>
        %select_n3A_949 = arith.select %gt3A_938, %broadcast_in_dim3A_948, %get3A_946 : vector<1x128xi1>, vector<1x128xf32>
        %add3A_950 = arith.constant 2 : i32
        %add3A_951 = arith.addi %add3A_330, %add3A_950 : i32
        %swap3A_952 = arith.constant 1 : index
        %swap3A_953 = arith.index_cast %add3A_951 : i32 to index
        %swap3A_954 = arith.constant 0 : index
        %swap3A_955 = arith.constant 0 : index
        %swap3A_956 = vector.load %arg6[%swap3A_952, %swap3A_953, %swap3A_954, %swap3A_955] : memref<2x40x1x128xf32, #tpu.memory_space<vmem>>, vector<1x1x1x128xf32>
        %swap3A_957 = vector.shape_cast %swap3A_956 : vector<1x1x1x128xf32> to vector<1x128xf32>
        %swap3A_958 = vector.shape_cast %select_n3A_949 : vector<1x128xf32> to vector<1x1x1x128xf32>
        tpu.vector_store %arg6[%swap3A_952, %swap3A_953, %swap3A_954, %swap3A_955], %swap3A_958 {strides = array<i32>} : memref<2x40x1x128xf32, #tpu.memory_space<vmem>>, vector<1x1x1x128xf32>,
        %slice3A_959 = vector.extract_strided_slice %dot_general3A_811 {offsets = [0, 384], sizes = [1, 128], strides = [1, 1]} : vector<1x512xf32> to vector<1x128xf32>
        %gt3A_960 = arith.constant 5.000000e-01 : f32
        %gt3A_961 = vector.broadcast %gt3A_960 : f32 to vector<1x128xf32>
        %gt3A_962 = arith.cmpf ogt, %slice3A_959, %gt3A_961 : vector<1x128xf32>
        %add3A_963 = arith.constant 3 : i32
        %add3A_964 = arith.addi %add3A_330, %add3A_963 : i32
        %get3A_965 = arith.constant 0 : index
        %get3A_966 = arith.index_cast %add3A_964 : i32 to index
        %get3A_967 = arith.constant 0 : index
        %get3A_968 = arith.constant 0 : index
        %get3A_969 = vector.load %arg6[%get3A_965, %get3A_966, %get3A_967, %get3A_968] : memref<2x40x1x128xf32, #tpu.memory_space<vmem>>, vector<1x1x1x128xf32>
        %get3A_970 = vector.shape_cast %get3A_969 : vector<1x1x1x128xf32> to vector<1x128xf32>
        %jit3A_971 = arith.constant 0.000000e+00 : f32
        %broadcast_in_dim3A_972 = vector.broadcast %jit3A_971 : f32 to vector<1x128xf32>
        %select_n3A_973 = arith.select %gt3A_962, %broadcast_in_dim3A_972, %get3A_970 : vector<1x128xi1>, vector<1x128xf32>
        %add3A_974 = arith.constant 3 : i32
        %add3A_975 = arith.addi %add3A_330, %add3A_974 : i32
        %swap3A_976 = arith.constant 0 : index
        %swap3A_977 = arith.index_cast %add3A_975 : i32 to index
        %swap3A_978 = arith.constant 0 : index
        %swap3A_979 = arith.constant 0 : index
        %swap3A_980 = vector.load %arg6[%swap3A_976, %swap3A_977, %swap3A_978, %swap3A_979] : memref<2x40x1x128xf32, #tpu.memory_space<vmem>>, vector<1x1x1x128xf32>
        %swap3A_981 = vector.shape_cast %swap3A_980 : vector<1x1x1x128xf32> to vector<1x128xf32>
        %swap3A_982 = vector.shape_cast %select_n3A_973 : vector<1x128xf32> to vector<1x1x1x128xf32>
        tpu.vector_store %arg6[%swap3A_976, %swap3A_977, %swap3A_978, %swap3A_979], %swap3A_982 {strides = array<i32>} : memref<2x40x1x128xf32, #tpu.memory_space<vmem>>, vector<1x1x1x128xf32>,
        %slice3A_983 = vector.extract_strided_slice %dot_general3A_814 {offsets = [0, 384], sizes = [1, 128], strides = [1, 1]} : vector<1x512xf32> to vector<1x128xf32>
        %gt3A_984 = arith.constant 5.000000e-01 : f32
        %gt3A_985 = vector.broadcast %gt3A_984 : f32 to vector<1x128xf32>
        %gt3A_986 = arith.cmpf ogt, %slice3A_983, %gt3A_985 : vector<1x128xf32>
        %add3A_987 = arith.constant 3 : i32
        %add3A_988 = arith.addi %add3A_330, %add3A_987 : i32
        %get3A_989 = arith.constant 1 : index
        %get3A_990 = arith.index_cast %add3A_988 : i32 to index
        %get3A_991 = arith.constant 0 : index
        %get3A_992 = arith.constant 0 : index
        %get3A_993 = vector.load %arg6[%get3A_989, %get3A_990, %get3A_991, %get3A_992] : memref<2x40x1x128xf32, #tpu.memory_space<vmem>>, vector<1x1x1x128xf32>
        %get3A_994 = vector.shape_cast %get3A_993 : vector<1x1x1x128xf32> to vector<1x128xf32>
        %jit3A_995 = arith.constant 0.000000e+00 : f32
        %broadcast_in_dim3A_996 = vector.broadcast %jit3A_995 : f32 to vector<1x128xf32>
        %select_n3A_997 = arith.select %gt3A_986, %broadcast_in_dim3A_996, %get3A_994 : vector<1x128xi1>, vector<1x128xf32>
        %add3A_998 = arith.constant 3 : i32
        %add3A_999 = arith.addi %add3A_330, %add3A_998 : i32
        %swap3A_1000 = arith.constant 1 : index
        %swap3A_1001 = arith.index_cast %add3A_999 : i32 to index
        %swap3A_1002 = arith.constant 0 : index
        %swap3A_1003 = arith.constant 0 : index
        %swap3A_1004 = vector.load %arg6[%swap3A_1000, %swap3A_1001, %swap3A_1002, %swap3A_1003] : memref<2x40x1x128xf32, #tpu.memory_space<vmem>>, vector<1x1x1x128xf32>
        %swap3A_1005 = vector.shape_cast %swap3A_1004 : vector<1x1x1x128xf32> to vector<1x128xf32>
        %swap3A_1006 = vector.shape_cast %select_n3A_997 : vector<1x128xf32> to vector<1x1x1x128xf32>
        tpu.vector_store %arg6[%swap3A_1000, %swap3A_1001, %swap3A_1002, %swap3A_1003], %swap3A_1006 {strides = array<i32>} : memref<2x40x1x128xf32, #tpu.memory_space<vmem>>, vector<1x1x1x128xf32>,
      }
      %add3A_287 = arith.constant 1 : i32
      %add3A_288 = arith.addi %scan3A_40, %add3A_287 : i32
      %jit3A_289 = arith.constant 4 : i32
      %div3A_290 = arith.divsi %sub3A_256, %jit3A_289 : i32
      %sign3A_291 = arith.constant 0 : i32
      %sign3A_292 = arith.cmpi sgt, %sub3A_256, %sign3A_291 : i32
      %sign3A_293 = arith.extui %sign3A_292 : i1 to i32
      %sign3A_294 = arith.constant 0 : i32
      %sign3A_295 = arith.cmpi slt, %sub3A_256, %sign3A_294 : i32
      %sign3A_296 = arith.extui %sign3A_295 : i1 to i32
      %sign3A_297 = arith.subi %sign3A_293, %sign3A_296 : i32
      %sign3A_298 = arith.constant 0 : i32
      %sign3A_299 = arith.cmpi sgt, %jit3A_289, %sign3A_298 : i32
      %sign3A_300 = arith.extui %sign3A_299 : i1 to i32
      %sign3A_301 = arith.constant 0 : i32
      %sign3A_302 = arith.cmpi slt, %jit3A_289, %sign3A_301 : i32
      %sign3A_303 = arith.extui %sign3A_302 : i1 to i32
      %sign3A_304 = arith.subi %sign3A_300, %sign3A_303 : i32
      %ne3A_305 = arith.cmpi ne, %sign3A_297, %sign3A_304 : i32
      %rem3A_306 = arith.remsi %sub3A_256, %jit3A_289 : i32
      %ne3A_307 = arith.constant 0 : i32
      %ne3A_308 = arith.cmpi ne, %rem3A_306, %ne3A_307 : i32
      %and3A_309 = arith.andi %ne3A_305, %ne3A_308 : i1
      %sub3A_310 = arith.constant 1 : i32
      %sub3A_311 = arith.subi %div3A_290, %sub3A_310 : i32
      %select_n3A_312 = arith.select %and3A_309, %sub3A_311, %div3A_290 : i32
      %mul3A_313 = arith.constant 4 : i32
      %mul3A_314 = arith.muli %select_n3A_312, %mul3A_313 : i32
      %add3A_315 = arith.addi %add3A_288, %mul3A_314 : i32
      %while3A_316 = arith.constant 40 : i32
      %while3A_317 = arith.subi %while3A_316, %add3A_315 : i32
      %while3A_318 = arith.addi %add3A_315, %while3A_317 : i32
      %while3A_319 = arith.constant 1 : i32
      %while3A_320 = arith.divsi %while3A_317, %while3A_319 : i32
      %while3A_321 = arith.muli %while3A_320, %while3A_319 : i32
      %while3A_322 = arith.addi %add3A_315, %while3A_321 : i32
      %while3A_323 = arith.constant 1 : i32
      scf.for %while3A_325 = %add3A_315 to %while3A_322 step %while3A_323  : i32 {
        %get3A_326 = arith.constant 0 : index
        %get3A_327 = arith.index_cast %while3A_325 : i32 to index
        %get3A_328 = arith.constant 0 : index
        %get3A_329 = arith.constant 0 : index
        %get3A_330 = vector.load %arg7[%get3A_326, %get3A_327, %get3A_328, %get3A_329] : memref<2x40x8x128xf32, #tpu.memory_space<vmem>>, vector<1x1x8x128xf32>
        %get3A_331 = vector.shape_cast %get3A_330 : vector<1x1x8x128xf32> to vector<8x128xf32>
        %slice3A_332 = vector.extract_strided_slice %get3A_331 {offsets = [0, 0], sizes = [1, 128], strides = [1, 1]} : vector<8x128xf32> to vector<1x128xf32>
        %slice3A_333 = vector.extract_strided_slice %get3A_331 {offsets = [1, 0], sizes = [1, 128], strides = [1, 1]} : vector<8x128xf32> to vector<1x128xf32>
        %slice3A_334 = vector.extract_strided_slice %get3A_331 {offsets = [2, 0], sizes = [1, 128], strides = [1, 1]} : vector<8x128xf32> to vector<1x128xf32>
        %slice3A_335 = vector.extract_strided_slice %get3A_331 {offsets = [3, 0], sizes = [1, 128], strides = [1, 1]} : vector<8x128xf32> to vector<1x128xf32>
        %slice3A_336 = vector.extract_strided_slice %get3A_331 {offsets = [4, 0], sizes = [1, 128], strides = [1, 1]} : vector<8x128xf32> to vector<1x128xf32>
        %slice3A_337 = vector.extract_strided_slice %get3A_331 {offsets = [5, 0], sizes = [1, 128], strides = [1, 1]} : vector<8x128xf32> to vector<1x128xf32>
        %slice3A_338 = vector.extract_strided_slice %get3A_331 {offsets = [6, 0], sizes = [1, 128], strides = [1, 1]} : vector<8x128xf32> to vector<1x128xf32>
        %min3A_339 = vector.broadcast %add3A : vector<128x1xf32> to vector<128x128xf32>
        %min3A_340 = vector.broadcast %slice3A_335 : vector<1x128xf32> to vector<128x128xf32>
        %min3A_341 = arith.minimumf %min3A_339, %min3A_340 : vector<128x128xf32>
        %max3A_342 = vector.broadcast %sub3A : vector<128x1xf32> to vector<128x128xf32>
        %max3A_343 = vector.broadcast %slice3A_332 : vector<1x128xf32> to vector<128x128xf32>
        %max3A_344 = arith.maximumf %max3A_342, %max3A_343 : vector<128x128xf32>
        %sub3A_345 = arith.subf %min3A_341, %max3A_344 : vector<128x128xf32>
        %max3A_346 = arith.constant 0.000000e+00 : f32
        %max3A_347 = vector.broadcast %max3A_346 : f32 to vector<128x128xf32>
        %max3A_348 = arith.maximumf %sub3A_345, %max3A_347 : vector<128x128xf32>
        %min3A_349 = vector.broadcast %add3A_68 : vector<128x1xf32> to vector<128x128xf32>
        %min3A_350 = vector.broadcast %slice3A_336 : vector<1x128xf32> to vector<128x128xf32>
        %min3A_351 = arith.minimumf %min3A_349, %min3A_350 : vector<128x128xf32>
        %max3A_352 = vector.broadcast %sub3A_57 : vector<128x1xf32> to vector<128x128xf32>
        %max3A_353 = vector.broadcast %slice3A_333 : vector<1x128xf32> to vector<128x128xf32>
        %max3A_354 = arith.maximumf %max3A_352, %max3A_353 : vector<128x128xf32>
        %sub3A_355 = arith.subf %min3A_351, %max3A_354 : vector<128x128xf32>
        %max3A_356 = arith.constant 0.000000e+00 : f32
        %max3A_357 = vector.broadcast %max3A_356 : f32 to vector<128x128xf32>
        %max3A_358 = arith.maximumf %sub3A_355, %max3A_357 : vector<128x128xf32>
        %min3A_359 = vector.broadcast %add3A_72 : vector<128x1xf32> to vector<128x128xf32>
        %min3A_360 = vector.broadcast %slice3A_337 : vector<1x128xf32> to vector<128x128xf32>
        %min3A_361 = arith.minimumf %min3A_359, %min3A_360 : vector<128x128xf32>
        %max3A_362 = vector.broadcast %sub3A_61 : vector<128x1xf32> to vector<128x128xf32>
        %max3A_363 = vector.broadcast %slice3A_334 : vector<1x128xf32> to vector<128x128xf32>
        %max3A_364 = arith.maximumf %max3A_362, %max3A_363 : vector<128x128xf32>
        %sub3A_365 = arith.subf %min3A_361, %max3A_364 : vector<128x128xf32>
        %max3A_366 = arith.constant 0.000000e+00 : f32
        %max3A_367 = vector.broadcast %max3A_366 : f32 to vector<128x128xf32>
        %max3A_368 = arith.maximumf %sub3A_365, %max3A_367 : vector<128x128xf32>
        %mul3A_369 = arith.mulf %max3A_348, %max3A_358 : vector<128x128xf32>
        %mul3A_370 = arith.mulf %mul3A_369, %max3A_368 : vector<128x128xf32>
        %add3A_371 = vector.broadcast %mul3A_74 : vector<128x1xf32> to vector<128x128xf32>
        %add3A_372 = vector.broadcast %slice3A_338 : vector<1x128xf32> to vector<128x128xf32>
        %add3A_373 = arith.addf %add3A_371, %add3A_372 : vector<128x128xf32>
        %sub3A_374 = arith.subf %add3A_373, %mul3A_370 : vector<128x128xf32>
        %div3A_375 = arith.divf %mul3A_370, %sub3A_374 : vector<128x128xf32>
        %ge3A_376 = arith.constant 5.000000e-01 : f32
        %ge3A_377 = vector.broadcast %ge3A_376 : f32 to vector<128x128xf32>
        %ge3A_378 = arith.cmpf oge, %div3A_375, %ge3A_377 : vector<128x128xf32>
        %jit3A_379 = arith.constant 1.000000e+00 : f32
        %jit3A_380 = arith.constant 0.000000e+00 : f32
        %broadcast_in_dim3A_381 = vector.broadcast %jit3A_379 : f32 to vector<128x128xf32>
        %broadcast_in_dim3A_382 = vector.broadcast %jit3A_380 : f32 to vector<128x128xf32>
        %select_n3A_383 = arith.select %ge3A_378, %broadcast_in_dim3A_381, %broadcast_in_dim3A_382 : vector<128x128xi1>, vector<128x128xf32>
        %get3A_384 = arith.constant 1 : index
        %get3A_385 = arith.index_cast %while3A_325 : i32 to index
        %get3A_386 = arith.constant 0 : index
        %get3A_387 = arith.constant 0 : index
        %get3A_388 = vector.load %arg7[%get3A_384, %get3A_385, %get3A_386, %get3A_387] : memref<2x40x8x128xf32, #tpu.memory_space<vmem>>, vector<1x1x8x128xf32>
        %get3A_389 = vector.shape_cast %get3A_388 : vector<1x1x8x128xf32> to vector<8x128xf32>
        %slice3A_390 = vector.extract_strided_slice %get3A_389 {offsets = [0, 0], sizes = [1, 128], strides = [1, 1]} : vector<8x128xf32> to vector<1x128xf32>
        %slice3A_391 = vector.extract_strided_slice %get3A_389 {offsets = [1, 0], sizes = [1, 128], strides = [1, 1]} : vector<8x128xf32> to vector<1x128xf32>
        %slice3A_392 = vector.extract_strided_slice %get3A_389 {offsets = [2, 0], sizes = [1, 128], strides = [1, 1]} : vector<8x128xf32> to vector<1x128xf32>
        %slice3A_393 = vector.extract_strided_slice %get3A_389 {offsets = [3, 0], sizes = [1, 128], strides = [1, 1]} : vector<8x128xf32> to vector<1x128xf32>
        %slice3A_394 = vector.extract_strided_slice %get3A_389 {offsets = [4, 0], sizes = [1, 128], strides = [1, 1]} : vector<8x128xf32> to vector<1x128xf32>
        %slice3A_395 = vector.extract_strided_slice %get3A_389 {offsets = [5, 0], sizes = [1, 128], strides = [1, 1]} : vector<8x128xf32> to vector<1x128xf32>
        %slice3A_396 = vector.extract_strided_slice %get3A_389 {offsets = [6, 0], sizes = [1, 128], strides = [1, 1]} : vector<8x128xf32> to vector<1x128xf32>
        %min3A_397 = vector.broadcast %add3A_102 : vector<128x1xf32> to vector<128x128xf32>
        %min3A_398 = vector.broadcast %slice3A_393 : vector<1x128xf32> to vector<128x128xf32>
        %min3A_399 = arith.minimumf %min3A_397, %min3A_398 : vector<128x128xf32>
        %max3A_400 = vector.broadcast %sub3A_90 : vector<128x1xf32> to vector<128x128xf32>
        %max3A_401 = vector.broadcast %slice3A_390 : vector<1x128xf32> to vector<128x128xf32>
        %max3A_402 = arith.maximumf %max3A_400, %max3A_401 : vector<128x128xf32>
        %sub3A_403 = arith.subf %min3A_399, %max3A_402 : vector<128x128xf32>
        %max3A_404 = arith.constant 0.000000e+00 : f32
        %max3A_405 = vector.broadcast %max3A_404 : f32 to vector<128x128xf32>
        %max3A_406 = arith.maximumf %sub3A_403, %max3A_405 : vector<128x128xf32>
        %min3A_407 = vector.broadcast %add3A_106 : vector<128x1xf32> to vector<128x128xf32>
        %min3A_408 = vector.broadcast %slice3A_394 : vector<1x128xf32> to vector<128x128xf32>
        %min3A_409 = arith.minimumf %min3A_407, %min3A_408 : vector<128x128xf32>
        %max3A_410 = vector.broadcast %sub3A_94 : vector<128x1xf32> to vector<128x128xf32>
        %max3A_411 = vector.broadcast %slice3A_391 : vector<1x128xf32> to vector<128x128xf32>
        %max3A_412 = arith.maximumf %max3A_410, %max3A_411 : vector<128x128xf32>
        %sub3A_413 = arith.subf %min3A_409, %max3A_412 : vector<128x128xf32>
        %max3A_414 = arith.constant 0.000000e+00 : f32
        %max3A_415 = vector.broadcast %max3A_414 : f32 to vector<128x128xf32>
        %max3A_416 = arith.maximumf %sub3A_413, %max3A_415 : vector<128x128xf32>
        %min3A_417 = vector.broadcast %add3A_110 : vector<128x1xf32> to vector<128x128xf32>
        %min3A_418 = vector.broadcast %slice3A_395 : vector<1x128xf32> to vector<128x128xf32>
        %min3A_419 = arith.minimumf %min3A_417, %min3A_418 : vector<128x128xf32>
        %max3A_420 = vector.broadcast %sub3A_98 : vector<128x1xf32> to vector<128x128xf32>
        %max3A_421 = vector.broadcast %slice3A_392 : vector<1x128xf32> to vector<128x128xf32>
        %max3A_422 = arith.maximumf %max3A_420, %max3A_421 : vector<128x128xf32>
        %sub3A_423 = arith.subf %min3A_419, %max3A_422 : vector<128x128xf32>
        %max3A_424 = arith.constant 0.000000e+00 : f32
        %max3A_425 = vector.broadcast %max3A_424 : f32 to vector<128x128xf32>
        %max3A_426 = arith.maximumf %sub3A_423, %max3A_425 : vector<128x128xf32>
        %mul3A_427 = arith.mulf %max3A_406, %max3A_416 : vector<128x128xf32>
        %mul3A_428 = arith.mulf %mul3A_427, %max3A_426 : vector<128x128xf32>
        %add3A_429 = vector.broadcast %mul3A_112 : vector<128x1xf32> to vector<128x128xf32>
        %add3A_430 = vector.broadcast %slice3A_396 : vector<1x128xf32> to vector<128x128xf32>
        %add3A_431 = arith.addf %add3A_429, %add3A_430 : vector<128x128xf32>
        %sub3A_432 = arith.subf %add3A_431, %mul3A_428 : vector<128x128xf32>
        %div3A_433 = arith.divf %mul3A_428, %sub3A_432 : vector<128x128xf32>
        %ge3A_434 = arith.constant 5.000000e-01 : f32
        %ge3A_435 = vector.broadcast %ge3A_434 : f32 to vector<128x128xf32>
        %ge3A_436 = arith.cmpf oge, %div3A_433, %ge3A_435 : vector<128x128xf32>
        %jit3A_437 = arith.constant 1.000000e+00 : f32
        %jit3A_438 = arith.constant 0.000000e+00 : f32
        %broadcast_in_dim3A_439 = vector.broadcast %jit3A_437 : f32 to vector<128x128xf32>
        %broadcast_in_dim3A_440 = vector.broadcast %jit3A_438 : f32 to vector<128x128xf32>
        %select_n3A_441 = arith.select %ge3A_436, %broadcast_in_dim3A_439, %broadcast_in_dim3A_440 : vector<128x128xi1>, vector<128x128xf32>
        %dot_general3A = arith.constant dense<0.000000e+00> : vector<1x128xf32>
        %dot_general3A_442 = tpu.matmul %while3A_238#0, %select_n3A_383, %dot_general3A {dimension_numbers = #tpu.dot_dimension_numbers<[1], [0], [0], [1], [0, 0, 1, 1], [], []>, transpose_lhs_hint = false} : vector<1x128xf32>, vector<128x128xf32>, vector<1x128xf32> -> vector<1x128xf32>
        %dot_general3A_443 = arith.constant dense<0.000000e+00> : vector<1x128xf32>
        %dot_general3A_444 = tpu.matmul %while3A_238#1, %select_n3A_441, %dot_general3A_443 {dimension_numbers = #tpu.dot_dimension_numbers<[1], [0], [0], [1], [0, 0, 1, 1], [], []>, transpose_lhs_hint = false} : vector<1x128xf32>, vector<128x128xf32>, vector<1x128xf32> -> vector<1x128xf32>
        %gt3A_445 = arith.constant 5.000000e-01 : f32
        %gt3A_446 = vector.broadcast %gt3A_445 : f32 to vector<1x128xf32>
        %gt3A_447 = arith.cmpf ogt, %dot_general3A_442, %gt3A_446 : vector<1x128xf32>
        %get3A_448 = arith.constant 0 : index
        %get3A_449 = arith.index_cast %while3A_325 : i32 to index
        %get3A_450 = arith.constant 0 : index
        %get3A_451 = arith.constant 0 : index
        %get3A_452 = vector.load %arg6[%get3A_448, %get3A_449, %get3A_450, %get3A_451] : memref<2x40x1x128xf32, #tpu.memory_space<vmem>>, vector<1x1x1x128xf32>
        %get3A_453 = vector.shape_cast %get3A_452 : vector<1x1x1x128xf32> to vector<1x128xf32>
        %jit3A_454 = arith.constant 0.000000e+00 : f32
        %broadcast_in_dim3A_455 = vector.broadcast %jit3A_454 : f32 to vector<1x128xf32>
        %select_n3A_456 = arith.select %gt3A_447, %broadcast_in_dim3A_455, %get3A_453 : vector<1x128xi1>, vector<1x128xf32>
        %swap3A_457 = arith.constant 0 : index
        %swap3A_458 = arith.index_cast %while3A_325 : i32 to index
        %swap3A_459 = arith.constant 0 : index
        %swap3A_460 = arith.constant 0 : index
        %swap3A_461 = vector.load %arg6[%swap3A_457, %swap3A_458, %swap3A_459, %swap3A_460] : memref<2x40x1x128xf32, #tpu.memory_space<vmem>>, vector<1x1x1x128xf32>
        %swap3A_462 = vector.shape_cast %swap3A_461 : vector<1x1x1x128xf32> to vector<1x128xf32>
        %swap3A_463 = vector.shape_cast %select_n3A_456 : vector<1x128xf32> to vector<1x1x1x128xf32>
        tpu.vector_store %arg6[%swap3A_457, %swap3A_458, %swap3A_459, %swap3A_460], %swap3A_463 {strides = array<i32>} : memref<2x40x1x128xf32, #tpu.memory_space<vmem>>, vector<1x1x1x128xf32>,
        %gt3A_464 = arith.constant 5.000000e-01 : f32
        %gt3A_465 = vector.broadcast %gt3A_464 : f32 to vector<1x128xf32>
        %gt3A_466 = arith.cmpf ogt, %dot_general3A_444, %gt3A_465 : vector<1x128xf32>
        %get3A_467 = arith.constant 1 : index
        %get3A_468 = arith.index_cast %while3A_325 : i32 to index
        %get3A_469 = arith.constant 0 : index
        %get3A_470 = arith.constant 0 : index
        %get3A_471 = vector.load %arg6[%get3A_467, %get3A_468, %get3A_469, %get3A_470] : memref<2x40x1x128xf32, #tpu.memory_space<vmem>>, vector<1x1x1x128xf32>
        %get3A_472 = vector.shape_cast %get3A_471 : vector<1x1x1x128xf32> to vector<1x128xf32>
        %jit3A_473 = arith.constant 0.000000e+00 : f32
        %broadcast_in_dim3A_474 = vector.broadcast %jit3A_473 : f32 to vector<1x128xf32>
        %select_n3A_475 = arith.select %gt3A_466, %broadcast_in_dim3A_474, %get3A_472 : vector<1x128xi1>, vector<1x128xf32>
        %swap3A_476 = arith.constant 1 : index
        %swap3A_477 = arith.index_cast %while3A_325 : i32 to index
        %swap3A_478 = arith.constant 0 : index
        %swap3A_479 = arith.constant 0 : index
        %swap3A_480 = vector.load %arg6[%swap3A_476, %swap3A_477, %swap3A_478, %swap3A_479] : memref<2x40x1x128xf32, #tpu.memory_space<vmem>>, vector<1x1x1x128xf32>
        %swap3A_481 = vector.shape_cast %swap3A_480 : vector<1x1x1x128xf32> to vector<1x128xf32>
        %swap3A_482 = vector.shape_cast %select_n3A_475 : vector<1x128xf32> to vector<1x1x1x128xf32>
        tpu.vector_store %arg6[%swap3A_476, %swap3A_477, %swap3A_478, %swap3A_479], %swap3A_482 {strides = array<i32>} : memref<2x40x1x128xf32, #tpu.memory_space<vmem>>, vector<1x1x1x128xf32>,
      }
      %while3A_324 = arith.constant 1 : i32
      scf.for %while3A_325 = %while3A_322 to %while3A_318 step %while3A_324  : i32 {
        %get3A_326 = arith.constant 0 : index
        %get3A_327 = arith.index_cast %while3A_325 : i32 to index
        %get3A_328 = arith.constant 0 : index
        %get3A_329 = arith.constant 0 : index
        %get3A_330 = vector.load %arg7[%get3A_326, %get3A_327, %get3A_328, %get3A_329] : memref<2x40x8x128xf32, #tpu.memory_space<vmem>>, vector<1x1x8x128xf32>
        %get3A_331 = vector.shape_cast %get3A_330 : vector<1x1x8x128xf32> to vector<8x128xf32>
        %slice3A_332 = vector.extract_strided_slice %get3A_331 {offsets = [0, 0], sizes = [1, 128], strides = [1, 1]} : vector<8x128xf32> to vector<1x128xf32>
        %slice3A_333 = vector.extract_strided_slice %get3A_331 {offsets = [1, 0], sizes = [1, 128], strides = [1, 1]} : vector<8x128xf32> to vector<1x128xf32>
        %slice3A_334 = vector.extract_strided_slice %get3A_331 {offsets = [2, 0], sizes = [1, 128], strides = [1, 1]} : vector<8x128xf32> to vector<1x128xf32>
        %slice3A_335 = vector.extract_strided_slice %get3A_331 {offsets = [3, 0], sizes = [1, 128], strides = [1, 1]} : vector<8x128xf32> to vector<1x128xf32>
        %slice3A_336 = vector.extract_strided_slice %get3A_331 {offsets = [4, 0], sizes = [1, 128], strides = [1, 1]} : vector<8x128xf32> to vector<1x128xf32>
        %slice3A_337 = vector.extract_strided_slice %get3A_331 {offsets = [5, 0], sizes = [1, 128], strides = [1, 1]} : vector<8x128xf32> to vector<1x128xf32>
        %slice3A_338 = vector.extract_strided_slice %get3A_331 {offsets = [6, 0], sizes = [1, 128], strides = [1, 1]} : vector<8x128xf32> to vector<1x128xf32>
        %min3A_339 = vector.broadcast %add3A : vector<128x1xf32> to vector<128x128xf32>
        %min3A_340 = vector.broadcast %slice3A_335 : vector<1x128xf32> to vector<128x128xf32>
        %min3A_341 = arith.minimumf %min3A_339, %min3A_340 : vector<128x128xf32>
        %max3A_342 = vector.broadcast %sub3A : vector<128x1xf32> to vector<128x128xf32>
        %max3A_343 = vector.broadcast %slice3A_332 : vector<1x128xf32> to vector<128x128xf32>
        %max3A_344 = arith.maximumf %max3A_342, %max3A_343 : vector<128x128xf32>
        %sub3A_345 = arith.subf %min3A_341, %max3A_344 : vector<128x128xf32>
        %max3A_346 = arith.constant 0.000000e+00 : f32
        %max3A_347 = vector.broadcast %max3A_346 : f32 to vector<128x128xf32>
        %max3A_348 = arith.maximumf %sub3A_345, %max3A_347 : vector<128x128xf32>
        %min3A_349 = vector.broadcast %add3A_68 : vector<128x1xf32> to vector<128x128xf32>
        %min3A_350 = vector.broadcast %slice3A_336 : vector<1x128xf32> to vector<128x128xf32>
        %min3A_351 = arith.minimumf %min3A_349, %min3A_350 : vector<128x128xf32>
        %max3A_352 = vector.broadcast %sub3A_57 : vector<128x1xf32> to vector<128x128xf32>
        %max3A_353 = vector.broadcast %slice3A_333 : vector<1x128xf32> to vector<128x128xf32>
        %max3A_354 = arith.maximumf %max3A_352, %max3A_353 : vector<128x128xf32>
        %sub3A_355 = arith.subf %min3A_351, %max3A_354 : vector<128x128xf32>
        %max3A_356 = arith.constant 0.000000e+00 : f32
        %max3A_357 = vector.broadcast %max3A_356 : f32 to vector<128x128xf32>
        %max3A_358 = arith.maximumf %sub3A_355, %max3A_357 : vector<128x128xf32>
        %min3A_359 = vector.broadcast %add3A_72 : vector<128x1xf32> to vector<128x128xf32>
        %min3A_360 = vector.broadcast %slice3A_337 : vector<1x128xf32> to vector<128x128xf32>
        %min3A_361 = arith.minimumf %min3A_359, %min3A_360 : vector<128x128xf32>
        %max3A_362 = vector.broadcast %sub3A_61 : vector<128x1xf32> to vector<128x128xf32>
        %max3A_363 = vector.broadcast %slice3A_334 : vector<1x128xf32> to vector<128x128xf32>
        %max3A_364 = arith.maximumf %max3A_362, %max3A_363 : vector<128x128xf32>
        %sub3A_365 = arith.subf %min3A_361, %max3A_364 : vector<128x128xf32>
        %max3A_366 = arith.constant 0.000000e+00 : f32
        %max3A_367 = vector.broadcast %max3A_366 : f32 to vector<128x128xf32>
        %max3A_368 = arith.maximumf %sub3A_365, %max3A_367 : vector<128x128xf32>
        %mul3A_369 = arith.mulf %max3A_348, %max3A_358 : vector<128x128xf32>
        %mul3A_370 = arith.mulf %mul3A_369, %max3A_368 : vector<128x128xf32>
        %add3A_371 = vector.broadcast %mul3A_74 : vector<128x1xf32> to vector<128x128xf32>
        %add3A_372 = vector.broadcast %slice3A_338 : vector<1x128xf32> to vector<128x128xf32>
        %add3A_373 = arith.addf %add3A_371, %add3A_372 : vector<128x128xf32>
        %sub3A_374 = arith.subf %add3A_373, %mul3A_370 : vector<128x128xf32>
        %div3A_375 = arith.divf %mul3A_370, %sub3A_374 : vector<128x128xf32>
        %ge3A_376 = arith.constant 5.000000e-01 : f32
        %ge3A_377 = vector.broadcast %ge3A_376 : f32 to vector<128x128xf32>
        %ge3A_378 = arith.cmpf oge, %div3A_375, %ge3A_377 : vector<128x128xf32>
        %jit3A_379 = arith.constant 1.000000e+00 : f32
        %jit3A_380 = arith.constant 0.000000e+00 : f32
        %broadcast_in_dim3A_381 = vector.broadcast %jit3A_379 : f32 to vector<128x128xf32>
        %broadcast_in_dim3A_382 = vector.broadcast %jit3A_380 : f32 to vector<128x128xf32>
        %select_n3A_383 = arith.select %ge3A_378, %broadcast_in_dim3A_381, %broadcast_in_dim3A_382 : vector<128x128xi1>, vector<128x128xf32>
        %get3A_384 = arith.constant 1 : index
        %get3A_385 = arith.index_cast %while3A_325 : i32 to index
        %get3A_386 = arith.constant 0 : index
        %get3A_387 = arith.constant 0 : index
        %get3A_388 = vector.load %arg7[%get3A_384, %get3A_385, %get3A_386, %get3A_387] : memref<2x40x8x128xf32, #tpu.memory_space<vmem>>, vector<1x1x8x128xf32>
        %get3A_389 = vector.shape_cast %get3A_388 : vector<1x1x8x128xf32> to vector<8x128xf32>
        %slice3A_390 = vector.extract_strided_slice %get3A_389 {offsets = [0, 0], sizes = [1, 128], strides = [1, 1]} : vector<8x128xf32> to vector<1x128xf32>
        %slice3A_391 = vector.extract_strided_slice %get3A_389 {offsets = [1, 0], sizes = [1, 128], strides = [1, 1]} : vector<8x128xf32> to vector<1x128xf32>
        %slice3A_392 = vector.extract_strided_slice %get3A_389 {offsets = [2, 0], sizes = [1, 128], strides = [1, 1]} : vector<8x128xf32> to vector<1x128xf32>
        %slice3A_393 = vector.extract_strided_slice %get3A_389 {offsets = [3, 0], sizes = [1, 128], strides = [1, 1]} : vector<8x128xf32> to vector<1x128xf32>
        %slice3A_394 = vector.extract_strided_slice %get3A_389 {offsets = [4, 0], sizes = [1, 128], strides = [1, 1]} : vector<8x128xf32> to vector<1x128xf32>
        %slice3A_395 = vector.extract_strided_slice %get3A_389 {offsets = [5, 0], sizes = [1, 128], strides = [1, 1]} : vector<8x128xf32> to vector<1x128xf32>
        %slice3A_396 = vector.extract_strided_slice %get3A_389 {offsets = [6, 0], sizes = [1, 128], strides = [1, 1]} : vector<8x128xf32> to vector<1x128xf32>
        %min3A_397 = vector.broadcast %add3A_102 : vector<128x1xf32> to vector<128x128xf32>
        %min3A_398 = vector.broadcast %slice3A_393 : vector<1x128xf32> to vector<128x128xf32>
        %min3A_399 = arith.minimumf %min3A_397, %min3A_398 : vector<128x128xf32>
        %max3A_400 = vector.broadcast %sub3A_90 : vector<128x1xf32> to vector<128x128xf32>
        %max3A_401 = vector.broadcast %slice3A_390 : vector<1x128xf32> to vector<128x128xf32>
        %max3A_402 = arith.maximumf %max3A_400, %max3A_401 : vector<128x128xf32>
        %sub3A_403 = arith.subf %min3A_399, %max3A_402 : vector<128x128xf32>
        %max3A_404 = arith.constant 0.000000e+00 : f32
        %max3A_405 = vector.broadcast %max3A_404 : f32 to vector<128x128xf32>
        %max3A_406 = arith.maximumf %sub3A_403, %max3A_405 : vector<128x128xf32>
        %min3A_407 = vector.broadcast %add3A_106 : vector<128x1xf32> to vector<128x128xf32>
        %min3A_408 = vector.broadcast %slice3A_394 : vector<1x128xf32> to vector<128x128xf32>
        %min3A_409 = arith.minimumf %min3A_407, %min3A_408 : vector<128x128xf32>
        %max3A_410 = vector.broadcast %sub3A_94 : vector<128x1xf32> to vector<128x128xf32>
        %max3A_411 = vector.broadcast %slice3A_391 : vector<1x128xf32> to vector<128x128xf32>
        %max3A_412 = arith.maximumf %max3A_410, %max3A_411 : vector<128x128xf32>
        %sub3A_413 = arith.subf %min3A_409, %max3A_412 : vector<128x128xf32>
        %max3A_414 = arith.constant 0.000000e+00 : f32
        %max3A_415 = vector.broadcast %max3A_414 : f32 to vector<128x128xf32>
        %max3A_416 = arith.maximumf %sub3A_413, %max3A_415 : vector<128x128xf32>
        %min3A_417 = vector.broadcast %add3A_110 : vector<128x1xf32> to vector<128x128xf32>
        %min3A_418 = vector.broadcast %slice3A_395 : vector<1x128xf32> to vector<128x128xf32>
        %min3A_419 = arith.minimumf %min3A_417, %min3A_418 : vector<128x128xf32>
        %max3A_420 = vector.broadcast %sub3A_98 : vector<128x1xf32> to vector<128x128xf32>
        %max3A_421 = vector.broadcast %slice3A_392 : vector<1x128xf32> to vector<128x128xf32>
        %max3A_422 = arith.maximumf %max3A_420, %max3A_421 : vector<128x128xf32>
        %sub3A_423 = arith.subf %min3A_419, %max3A_422 : vector<128x128xf32>
        %max3A_424 = arith.constant 0.000000e+00 : f32
        %max3A_425 = vector.broadcast %max3A_424 : f32 to vector<128x128xf32>
        %max3A_426 = arith.maximumf %sub3A_423, %max3A_425 : vector<128x128xf32>
        %mul3A_427 = arith.mulf %max3A_406, %max3A_416 : vector<128x128xf32>
        %mul3A_428 = arith.mulf %mul3A_427, %max3A_426 : vector<128x128xf32>
        %add3A_429 = vector.broadcast %mul3A_112 : vector<128x1xf32> to vector<128x128xf32>
        %add3A_430 = vector.broadcast %slice3A_396 : vector<1x128xf32> to vector<128x128xf32>
        %add3A_431 = arith.addf %add3A_429, %add3A_430 : vector<128x128xf32>
        %sub3A_432 = arith.subf %add3A_431, %mul3A_428 : vector<128x128xf32>
        %div3A_433 = arith.divf %mul3A_428, %sub3A_432 : vector<128x128xf32>
        %ge3A_434 = arith.constant 5.000000e-01 : f32
        %ge3A_435 = vector.broadcast %ge3A_434 : f32 to vector<128x128xf32>
        %ge3A_436 = arith.cmpf oge, %div3A_433, %ge3A_435 : vector<128x128xf32>
        %jit3A_437 = arith.constant 1.000000e+00 : f32
        %jit3A_438 = arith.constant 0.000000e+00 : f32
        %broadcast_in_dim3A_439 = vector.broadcast %jit3A_437 : f32 to vector<128x128xf32>
        %broadcast_in_dim3A_440 = vector.broadcast %jit3A_438 : f32 to vector<128x128xf32>
        %select_n3A_441 = arith.select %ge3A_436, %broadcast_in_dim3A_439, %broadcast_in_dim3A_440 : vector<128x128xi1>, vector<128x128xf32>
        %dot_general3A = arith.constant dense<0.000000e+00> : vector<1x128xf32>
        %dot_general3A_442 = tpu.matmul %while3A_238#0, %select_n3A_383, %dot_general3A {dimension_numbers = #tpu.dot_dimension_numbers<[1], [0], [0], [1], [0, 0, 1, 1], [], []>, transpose_lhs_hint = false} : vector<1x128xf32>, vector<128x128xf32>, vector<1x128xf32> -> vector<1x128xf32>
        %dot_general3A_443 = arith.constant dense<0.000000e+00> : vector<1x128xf32>
        %dot_general3A_444 = tpu.matmul %while3A_238#1, %select_n3A_441, %dot_general3A_443 {dimension_numbers = #tpu.dot_dimension_numbers<[1], [0], [0], [1], [0, 0, 1, 1], [], []>, transpose_lhs_hint = false} : vector<1x128xf32>, vector<128x128xf32>, vector<1x128xf32> -> vector<1x128xf32>
        %gt3A_445 = arith.constant 5.000000e-01 : f32
        %gt3A_446 = vector.broadcast %gt3A_445 : f32 to vector<1x128xf32>
        %gt3A_447 = arith.cmpf ogt, %dot_general3A_442, %gt3A_446 : vector<1x128xf32>
        %get3A_448 = arith.constant 0 : index
        %get3A_449 = arith.index_cast %while3A_325 : i32 to index
        %get3A_450 = arith.constant 0 : index
        %get3A_451 = arith.constant 0 : index
        %get3A_452 = vector.load %arg6[%get3A_448, %get3A_449, %get3A_450, %get3A_451] : memref<2x40x1x128xf32, #tpu.memory_space<vmem>>, vector<1x1x1x128xf32>
        %get3A_453 = vector.shape_cast %get3A_452 : vector<1x1x1x128xf32> to vector<1x128xf32>
        %jit3A_454 = arith.constant 0.000000e+00 : f32
        %broadcast_in_dim3A_455 = vector.broadcast %jit3A_454 : f32 to vector<1x128xf32>
        %select_n3A_456 = arith.select %gt3A_447, %broadcast_in_dim3A_455, %get3A_453 : vector<1x128xi1>, vector<1x128xf32>
        %swap3A_457 = arith.constant 0 : index
        %swap3A_458 = arith.index_cast %while3A_325 : i32 to index
        %swap3A_459 = arith.constant 0 : index
        %swap3A_460 = arith.constant 0 : index
        %swap3A_461 = vector.load %arg6[%swap3A_457, %swap3A_458, %swap3A_459, %swap3A_460] : memref<2x40x1x128xf32, #tpu.memory_space<vmem>>, vector<1x1x1x128xf32>
        %swap3A_462 = vector.shape_cast %swap3A_461 : vector<1x1x1x128xf32> to vector<1x128xf32>
        %swap3A_463 = vector.shape_cast %select_n3A_456 : vector<1x128xf32> to vector<1x1x1x128xf32>
        tpu.vector_store %arg6[%swap3A_457, %swap3A_458, %swap3A_459, %swap3A_460], %swap3A_463 {strides = array<i32>} : memref<2x40x1x128xf32, #tpu.memory_space<vmem>>, vector<1x1x1x128xf32>,
        %gt3A_464 = arith.constant 5.000000e-01 : f32
        %gt3A_465 = vector.broadcast %gt3A_464 : f32 to vector<1x128xf32>
        %gt3A_466 = arith.cmpf ogt, %dot_general3A_444, %gt3A_465 : vector<1x128xf32>
        %get3A_467 = arith.constant 1 : index
        %get3A_468 = arith.index_cast %while3A_325 : i32 to index
        %get3A_469 = arith.constant 0 : index
        %get3A_470 = arith.constant 0 : index
        %get3A_471 = vector.load %arg6[%get3A_467, %get3A_468, %get3A_469, %get3A_470] : memref<2x40x1x128xf32, #tpu.memory_space<vmem>>, vector<1x1x1x128xf32>
        %get3A_472 = vector.shape_cast %get3A_471 : vector<1x1x1x128xf32> to vector<1x128xf32>
        %jit3A_473 = arith.constant 0.000000e+00 : f32
        %broadcast_in_dim3A_474 = vector.broadcast %jit3A_473 : f32 to vector<1x128xf32>
        %select_n3A_475 = arith.select %gt3A_466, %broadcast_in_dim3A_474, %get3A_472 : vector<1x128xi1>, vector<1x128xf32>
        %swap3A_476 = arith.constant 1 : index
        %swap3A_477 = arith.index_cast %while3A_325 : i32 to index
        %swap3A_478 = arith.constant 0 : index
        %swap3A_479 = arith.constant 0 : index
        %swap3A_480 = vector.load %arg6[%swap3A_476, %swap3A_477, %swap3A_478, %swap3A_479] : memref<2x40x1x128xf32, #tpu.memory_space<vmem>>, vector<1x1x1x128xf32>
        %swap3A_481 = vector.shape_cast %swap3A_480 : vector<1x1x1x128xf32> to vector<1x128xf32>
        %swap3A_482 = vector.shape_cast %select_n3A_475 : vector<1x128xf32> to vector<1x1x1x128xf32>
        tpu.vector_store %arg6[%swap3A_476, %swap3A_477, %swap3A_478, %swap3A_479], %swap3A_482 {strides = array<i32>} : memref<2x40x1x128xf32, #tpu.memory_space<vmem>>, vector<1x1x1x128xf32>,
      }
    }
    %scan3A_13 = arith.constant 40 : i32
    %get3A = arith.constant 0 : index
    %get3A_14 = arith.constant 0 : index
    %get3A_15 = arith.constant 0 : index
    %get3A_16 = arith.constant 0 : index
    %get3A_17 = vector.load %arg6[%get3A, %get3A_14, %get3A_15, %get3A_16] : memref<2x40x1x128xf32, #tpu.memory_space<vmem>>, vector<2x40x1x128xf32>
    %get3A_18 = arith.constant 0 : index
    %get3A_19 = arith.constant 0 : index
    %get3A_20 = arith.constant 0 : index
    %get3A_21 = arith.constant 0 : index
    %get3A_22 = vector.load %arg3[%get3A_18, %get3A_19, %get3A_20, %get3A_21] : memref<2x40x1x128xf32, #tpu.memory_space<vmem>>, vector<2x40x1x128xf32>
    %mul3A = arith.mulf %get3A_22, %get3A_17 : vector<2x40x1x128xf32>
    %swap3A_23 = arith.constant 0 : index
    %swap3A_24 = arith.constant 0 : index
    %swap3A_25 = arith.constant 0 : index
    %swap3A_26 = arith.constant 0 : index
    %swap3A_27 = vector.load %arg4[%swap3A_23, %swap3A_24, %swap3A_25, %swap3A_26] : memref<2x40x1x128xf32, #tpu.memory_space<vmem>>, vector<2x40x1x128xf32>
    tpu.vector_store %arg4[%swap3A_23, %swap3A_24, %swap3A_25, %swap3A_26], %mul3A {strides = array<i32>} : memref<2x40x1x128xf32, #tpu.memory_space<vmem>>, vector<2x40x1x128xf32>,
    %get3A_28 = arith.constant 0 : index
    %get3A_29 = arith.constant 0 : index
    %get3A_30 = arith.constant 0 : index
    %get3A_31 = arith.constant 0 : index
    %get3A_32 = vector.load %arg1[%get3A_28, %get3A_29, %get3A_30, %get3A_31] : memref<2x40x6x128xf32, #tpu.memory_space<vmem>>, vector<2x40x6x128xf32>
    %mul3A_33 = vector.broadcast %get3A_17 : vector<2x40x1x128xf32> to vector<2x40x6x128xf32>
    %mul3A_34 = arith.mulf %get3A_32, %mul3A_33 : vector<2x40x6x128xf32>
    %swap3A_35 = arith.constant 0 : index
    %swap3A_36 = arith.constant 0 : index
    %swap3A_37 = arith.constant 0 : index
    %swap3A_38 = arith.constant 0 : index
    %swap3A_39 = vector.load %arg5[%swap3A_35, %swap3A_36, %swap3A_37, %swap3A_38] : memref<2x40x6x128xf32, #tpu.memory_space<vmem>>, vector<2x40x6x128xf32>
    tpu.vector_store %arg5[%swap3A_35, %swap3A_36, %swap3A_37, %swap3A_38], %mul3A_34 {strides = array<i32>} : memref<2x40x6x128xf32, #tpu.memory_space<vmem>>, vector<2x40x6x128xf32>,
    return
  }
  func.func @transform_0(%arg0: i32) -> (i32, i32, i32, i32) {
    %c0_i32 = arith.constant 0 : i32
    %c0_i32_0 = arith.constant 0 : i32
    %c0_i32_1 = arith.constant 0 : i32
    %c0_i32_2 = arith.constant 0 : i32
    %c0_i32_3 = arith.constant 0 : i32
    return %c0_i32, %c0_i32_0, %c0_i32_1, %c0_i32_2 : i32, i32, i32, i32
  }
  func.func @transform_1(%arg0: i32) -> (i32, i32, i32, i32) {
    %c0_i32 = arith.constant 0 : i32
    %c0_i32_0 = arith.constant 0 : i32
    %c0_i32_1 = arith.constant 0 : i32
    %c0_i32_2 = arith.constant 0 : i32
    %c0_i32_3 = arith.constant 0 : i32
    return %c0_i32, %c0_i32_0, %c0_i32_1, %c0_i32_2 : i32, i32, i32, i32
  }
  func.func @transform_2(%arg0: i32) -> (i32, i32, i32, i32) {
    %c0_i32 = arith.constant 0 : i32
    %c0_i32_0 = arith.constant 0 : i32
    %c0_i32_1 = arith.constant 0 : i32
    %c0_i32_2 = arith.constant 0 : i32
    %c0_i32_3 = arith.constant 0 : i32
    return %c0_i32, %c0_i32_0, %c0_i32_1, %c0_i32_2 : i32, i32, i32, i32
  }
  func.func @transform_3(%arg0: i32) -> (i32, i32, i32, i32) {
    %c0_i32 = arith.constant 0 : i32
    %c0_i32_0 = arith.constant 0 : i32
    %c0_i32_1 = arith.constant 0 : i32
    %c0_i32_2 = arith.constant 0 : i32
    %c0_i32_3 = arith.constant 0 : i32
    return %c0_i32, %c0_i32_0, %c0_i32_1, %c0_i32_2 : i32, i32, i32, i32
  }
  func.func @transform_4(%arg0: i32) -> (i32, i32, i32, i32) {
    %c0_i32 = arith.constant 0 : i32
    %c0_i32_0 = arith.constant 0 : i32
    %c0_i32_1 = arith.constant 0 : i32
    %c0_i32_2 = arith.constant 0 : i32
    %c0_i32_3 = arith.constant 0 : i32
    return %c0_i32, %c0_i32_0, %c0_i32_1, %c0_i32_2 : i32, i32, i32, i32
  }
}

</mosaic_0001>

<sc_bundles>
// kernel: gather_offload_async_start.1
scs
__scs_entry_jumppad:
0x0: {  	(pc) =	sbr.rel $0x88, $3  }
0x1: {  	(tag) =	ssettag $0x0;
	lr =	simm.s32 $0x1  }
0x2: {  	[smem:$0x3F9F] =	sst lr;
	_ =	strace $0xD0000000  }
0x3: {  	_ = 	snop  }
0x4: {  	_ = 	snop  }
0x5: {  	_ = 	snop  }
0x6: {  	_ = 	snop  }
0x7: {  	_ = 	snop  }
__scs_overlays_trampoline_lowered:
0x8: {  	[smem:$0x3FAE] =	sst s0  }
0x9: {  	[smem:$0x3FAF] =	sst s1  }
0xa: {  	[smem:$0x3FB0] =	sst s2  }
0xb: {  	[smem:$0x3FB1] =	sst s3  }
0xc: {  	[smem:$0x3FB2] =	sst s4  }
0xd: {  	[smem:$0x3FB3] =	sst s5  }
0xe: {  	[smem:$0x3FB4] =	sst s6  }
0xf: {  	[smem:$0x3FB5] =	sst s7  }
0x10: {  	[smem:$0x3FB6] =	sst s8  }
0x11: {  	[smem:$0x3FB7] =	sst s9;
	s0 =	simm.s32 @!p0 $0x0  }
0x12: {  	s1 =	sld [smem:$0x3F9D];
	s0 =	simm.s32 @p0 $0x1  }
0x13: {  	[smem:$0x3FB8] =	sst s0;
	s0 =	simm.s32 @!p1 $0x0  }
0x14: {  	s2 =	sld [smem:$0x3F9C];
	s0 =	simm.s32 @p1 $0x1  }
0x15: {  	[smem:$0x3FB9] =	sst s0;
	s0 =	simm.s32 @!p2 $0x0  }
0x16: {  	s3 =	sld [smem:$0x3FDB];
	s0 =	simm.s32 @p2 $0x1  }
0x17: {  	s4 =	simm.s32 $0x1BF5;
	[smem:$0x3FBB] =	sst s0  }
0x18: {  	s0 =	sld [smem:$0x3F9E];
	_ =	swait.ge [sflag:s4], $0x0  }
0x19: {  	s7 =	sld [smem:$0x3F9F]  }
0x1a: {  	s8 =	sadd.s32 $0xFFFFE003, lr  }
0x1b: {  	s9 =	sadd.s32 $0xFFFFFEF7, lr;
	s5 =	simm.s32 $0xFFFFFFFF;
	p2 =	slt.u32 s8, $0xFFFFF086  }
0x1c: {  	p1 =	slt.u32 s9, $0xF7A;
	s5 =	simm.s32 @!p2 $0x0  }
0x1d: {  	s5 =	simm.s32 @p1 $0x1;
	p0 =	seq.s32 s7, s2  }
0x1e: {  	s7 =	smul.u32 @!p0 $0xF7A, s2;
	p2 =	seq.s32 @!p0 s5, $0x0  }
0x1f: {  	s9 =	smul.u32 $0xF7A, s1;
	s8 =	simm.s32 @!p0 $0x1BF5;
	p2 =	por !p2, p0  }
0x20: {  	[sflag:s8] =	ssyncset.s32 @!p0 $0xFFFFF086;
	s6 =	sadd.s32 @!p0 s3, s7;
	s7 =	simm.s32 @!p0 $0x108  }
0x21: {  	s3 =	sadd.s32 s3, s9;
	s6 =	sadd.s32 @!p0 $0x88, s6;
	s7 =	simm.s32 @p2 $0x1082  }
0x22: {  	[simem:s7], [sflag:s8] =	dma.local @!p0 [hbm:s6], $0xF7A  }
0x23: {  	s9 =	sor.u32 $0xD0000000, s2;
	s6 =	simm.s32 $0x108;
	_ =	swait.ge @!p0 [sflag:s8], $0x0  }
0x24: {  	s3 =	sadd.s32 $0x88, s3;
	s6 =	simm.s32 @!p1 $0x1082;
	[sflag:s4] =	ssyncset.s32 $0xFFFFF086  }
0x25: {  	[simem:s6], [sflag:s4] =	dma.local [hbm:s3], $0xF7A  }
0x26: {  	[smem:$0x3F9F] =	sst s1;
	(tag) =	ssettag s2;
	_ =	strace s9  }
0x27: {  	s1 =	sld [smem:$0x3FAF]  }
0x28: {  	s2 =	sld [smem:$0x3FB0]  }
0x29: {  	s4 =	sld [smem:$0x3FB2]  }
0x2a: {  	p0 =	seq.s32 s5, $0x0;
	s5 =	sld [smem:$0x3FB3]  }
0x2b: {  	s6 =	sld [smem:$0x3FB4]  }
0x2c: {  	s7 =	sld [smem:$0x3FB5]  }
0x2d: {  	s3 =	simm.s32 $0x108;
	s8 =	sld [smem:$0x3FB6]  }
0x2e: {  	s3 =	simm.s32 @!p0 $0x1082;
	s9 =	sld [smem:$0x3FB7]  }
0x2f: {  	lr =	sadd.s32 s0, s3;
	s0 =	sld [smem:$0x3FAE]  }
0x30: {  	s3 =	sld [smem:$0x3FB1]  }
0x31: {  	[smem:$0x3FBA] =	sst s10  }
0x32: {  	s10 =	sld [smem:$0x3FB8];
	_ =	sdelay $0x3  }
0x33: {  	p0 =	seq.s32 s10, $0x1;
	s10 =	sld [smem:$0x3FBA];
	_ =	sdelay $0x3  }
0x34: {  	[smem:$0x3FBA] =	sst s10  }
0x35: {  	s10 =	sld [smem:$0x3FB9];
	_ =	sdelay $0x3  }
0x36: {  	p1 =	seq.s32 s10, $0x1;
	s10 =	sld [smem:$0x3FBA];
	_ =	sdelay $0x3  }
0x37: {  	[smem:$0x3FBA] =	sst s10  }
0x38: {  	s10 =	sld [smem:$0x3FBB]  }
0x39: {  	_ = 	snop;
	(pc) =	sbr.ind lr, $3  }
0x3a: {  	_ = 	snop  }
0x3b: {  	_ = 	snop  }
0x3c: {  	p2 =	seq.s32 s10, $0x1;
	s10 =	sld [smem:$0x3FBA]  }
0x3d: {  	_ =	shalt  }
0x3e: {  	_ =	shalt  }
0x3f: {  	_ =	shalt  }
0x40: {  	_ =	shalt  }
0x41: {  	_ =	shalt  }
0x42: {  	_ =	shalt  }
0x43: {  	_ =	shalt  }
0x44: {  	_ =	shalt  }
0x45: {  	_ =	shalt  }
0x46: {  	_ =	shalt  }
0x47: {  	_ =	shalt  }
0x48: {  	_ =	shalt  }
0x49: {  	_ =	shalt  }
0x4a: {  	_ =	shalt  }
0x4b: {  	_ =	shalt  }
0x4c: {  	_ =	shalt  }
0x4d: {  	_ =	shalt  }
0x4e: {  	_ =	shalt  }
0x4f: {  	_ =	shalt  }
0x50: {  	_ =	shalt  }
0x51: {  	_ =	shalt  }
0x52: {  	_ =	shalt  }
0x53: {  	_ =	shalt  }
0x54: {  	_ =	shalt  }
0x55: {  	_ =	shalt  }
0x56: {  	_ =	shalt  }
0x57: {  	_ =	shalt  }
0x58: {  	_ =	shalt  }
0x59: {  	_ =	shalt  }
0x5a: {  	_ =	shalt  }
0x5b: {  	_ =	shalt  }
0x5c: {  	_ =	shalt  }
0x5d: {  	_ =	shalt  }
0x5e: {  	_ =	shalt  }
0x5f: {  	_ =	shalt  }
0x60: {  	_ =	shalt  }
0x61: {  	_ =	shalt  }
0x62: {  	_ =	shalt  }
0x63: {  	_ =	shalt  }
0x64: {  	_ =	shalt  }
0x65: {  	_ =	shalt  }
0x66: {  	_ =	shalt  }
0x67: {  	_ =	shalt  }
0x68: {  	_ =	shalt  }
0x69: {  	_ =	shalt  }
0x6a: {  	_ =	shalt  }
0x6b: {  	_ =	shalt  }
0x6c: {  	_ =	shalt  }
0x6d: {  	_ =	shalt  }
0x6e: {  	_ =	shalt  }
0x6f: {  	_ =	shalt  }
0x70: {  	_ =	shalt  }
0x71: {  	_ =	shalt  }
0x72: {  	_ =	shalt  }
0x73: {  	_ =	shalt  }
0x74: {  	_ =	shalt  }
0x75: {  	_ =	shalt  }
0x76: {  	_ =	shalt  }
0x77: {  	_ =	shalt  }
0x78: {  	_ =	shalt  }
0x79: {  	_ =	shalt  }
0x7a: {  	_ =	shalt  }
0x7b: {  	_ =	shalt  }
0x7c: {  	_ =	shalt  }
0x7d: {  	_ =	shalt  }
0x7e: {  	_ =	shalt  }
0x7f: {  	_ =	shalt  }
0x80: {  	_ =	shalt  }
0x81: {  	_ =	shalt  }
0x82: {  	_ =	shalt  }
0x83: {  	_ =	shalt  }
0x84: {  	_ =	shalt  }
0x85: {  	_ =	shalt  }
0x86: {  	_ =	shalt  }
0x87: {  	_ =	shalt  }
.Lfunc_end0:
.L_simem_size_0:
called_computation.1_lowered:
.L_overlay_start_0:
0x88: {  	s0 =	sld [smem:$0x3FD9]  }
0x89: {  	s1 =	sld [smem:$0x3FFE];
	_ =	sdelay $0x3  }
0x8a: {  	s0 =	sadd.s32 s1, s0  }
0x8b: {  	[smem:$0x3FC6] =	sst s0  }
0x8c: {  	_ = 	snop  }
0x8d: {  	s0 =	sld [smem:$0x3FC8]  }
0x8e: {  	s16 =	sld [smem:$0x3FD0];
	(tm) =	ssettm $0x1  }
0x8f: {  	s2 =	sld [smem:$0x3FFB];
	_ =	sdelay $0x3  }
0x90: {  	_ =	strace s2  }
0x91: {  	s2 =	sld [smem:$0x3FFC];
	_ =	sdelay $0x3  }
0x92: {  	_ =	strace s2  }
0x93: {  	s2 =	sld [smem:$0x3FFD];
	_ =	sdelay $0x3  }
0x94: {  	_ =	strace s2  }
0x95: {  	_ =	strace $0x8FFFFFFF  }
0x96: {  	s17 =	sld [smem:$0x3FDB];
	_ =	sdelay $0x1  }
0x97: {  	s3 =	simm.s32 $_scs_section_size  }
0x98: {  	s4 =	simm.s32 $_size__tile_overlayer_lowered;
	s5 =	simm.s32 $_tile_overlayer_lowered  }
0x99: {  	s20 =	simm.s32 $0x1BFF;
	s19 =	sshll.u32 s5, $0x1;
	s2 =	sadd.s32 s3, s17  }
0x9a: {  	s6 =	simm.s32 $0x0;
	s18 =	sshll.u32 s4, $0x1;
	s4 =	sadd.s32 s19, s2  }
0x9b: {  	[timem:s6], [sflag:s20] =	dma.local [hbm:s4], s18  }
0x9c: {  	_ =	swait.ge [sflag:s20], s18  }
0x9d: {  	s3 =	ssub.s32 $0x0, s18;
	[sflag:s20] =	ssyncset.done $0x0  }
0x9e: {  	[sflag:s20] =	ssyncadd.s32 s3;
	_ =	sdelay $0x1  }
0x9f: {  	s21 =	simm.s32 $0x1B8B  }
0xa0: {  	_ =	swait.ge [sflag:s21], $0x1  }
0xa1: {  	[sflag:s21] =	ssyncset.done $0x0  }
0xa2: {  	s23 =	simm.s32 $0x1B8E;
	s22 =	sld [smem:$0x3FFE];
	[sflag:s21] =	ssyncadd.s32 $0xFFFFFFFF  }
0xa3: {  	s24 =	simm.s32 $execute0_lowered;
	[smem:$0x3FD2] =	sst s23  }
0xa4: {  	s4 =	sshll.u32 s24, $0x1;
	_ =	strace $0x80000046;
	[dreg:$0x1] =	wrdreg $0xFFFFFFFF  }
0xa5: {  	s25 =	simm.s32 $_size_execute0_lowered;
	s2 =	sadd.s32 s2, s4;
	[dreg:$0x0] =	wrdreg $0x0  }
0xa6: {  	s4 =	sshll.u32 s25, $0x1;
	[dreg:$0x2] =	wrdreg s2  }
0xa7: {  	[dreg:$0x3] =	wrdreg s4  }
0xa8: {  	[dreg:$0x4] =	wrdreg $0xC0  }
0xa9: {  	_ =	task [dreg:s6], $0x5FFFF  }
0xaa: {  	[dreg:$0x1] =	wrdreg $0xFFFFFFFF  }
0xab: {  	[dreg:$0x0] =	wrdreg $0x60  }
0xac: {  	[dreg:$0x2] =	wrdreg s0  }
0xad: {  	[dreg:$0x3] =	wrdreg s16  }
0xae: {  	[dreg:$0x4] =	wrdreg s22  }
0xaf: {  	[dreg:$0x5] =	wrdreg $0x9  }
0xb0: {  	_ =	task.clear_ibuf [dreg:s6], $0x6FFFF;
	_ =	strace $0x90000046  }
0xb1: {  	s26 =	simm.s32 $0x9;
	_ =	strace $0x80000048  }
0xb2: {  	_ =	swait.ge [sflag:s26], $0x1  }
0xb3: {  	[sflag:s26] =	ssyncadd.s32 $0xFFFFFFFF  }
0xb4: {  	_ =	strace $0x90000048  }
0xb5: {  	_ =	sfence  }
0xb6: {  	s28 =	sld [smem:$0x0];
	_ =	sdelay $0x1  }
0xb7: {  	s29 =	srdreg.scid  }
0xb8: {  	s30 =	sshll.u32 s29, $0xD;
	s31 =	sshrl.u32 s29, $0x2  }
0xb9: {  	s1 =	sand.u32 $0x1, s29;
	s2 =	sand.u32 $0x4000, s30;
	s0 =	sadd.s32 s31, s28  }
0xba: {  	s1 =	sor.u32 s2, s1;
	s0 =	sshll.u32 s0, $0x11  }
0xbb: {  	s0 =	sor.u32 s0, s1  }
0xbc: {  	s0 =	sadd.s32 $0x8F2B, s0  }
0xbd: {  	[sflag:s0] =	ssyncadd.remote.s32 $0x1  }
0xbe: {  	_ =	sfence.sel $0xFFFF  }
0xbf: {  	[dreg:$0x0] =	wrdreg $0xFFFFFFFF;
	(pc) =	sbr.abs _section_cstart, $3  }
0xc0: {  	[dreg:$0x1] =	wrdreg $0xFFFFFFFF  }
0xc1: {  	_ =	task.clear_ibuf [dreg:s6], $0x2FFFF;
	_ =	strace $0x9FFFFFFF  }
0xc2: {  	(tm) =	ssettm $0x7FFFFFFF  }
0xc3: {  	_ =	shalt  }
tec
execute0_lowered:
.L_overlay_start_1:
0x0: {  	(tag) =	ssettag $0x1  }
0x1: {  	s2 =	rddreg [dreg:$0x0]  }
0x2: {  	s3 =	rddreg [dreg:$0x1]  }
0x3: {  	s4 =	rddreg [dreg:$0x2]  }
0x4: {  	s0 =	rddreg [dreg:$0x3];
	_ =	strace $0x80000047  }
0x5: {  	s5 =	simm.s32 $0x1;
	s1 =	stileid.u32;
	s8 =	simm.s32 $0x1  }
0x6: {  	s9 =	simm.s32 $0x1;
	s7 =	simm.s32 $0x2;
	s10 =	simm.s32 $0x3  }
.Ltmp0:
0x7: {  	s13 =	simm.s32 $0x0;
	p0 =	slt.u32 s1, $0xA;
	(pc) =	sbr.rel .LBB2_1-.Ltmp0, $4  }
0x8: {  	[sflag:s5] =	ssyncpa.u1 $0x0;
	s8 =	simm.s32 @!p0 $0x0;
	p0 =	sne.s32 s1, $0x9  }
0x9: {  	s6 =	smul.u32 $0x190, s1;
	[sflag:s7] =	ssyncpa.u1 $0x0;
	s9 =	simm.s32 @!p0 $0x0  }
0xa: {  	s12 =	simm.s32 $0x0;
	[sflag:s10] =	ssyncpa.u1 $0x0;
	s8 =	sadd.s32 s9, s8  }
0xb: {  	vm0 =	vmmov $0xffff;
	s10 =	simm.s32 $0x0;
	s11 =	smov.u32 s6;
	s9 =	sadd.s32 $0x1, s8  }
.LBB2_4:
0xc: {  	vm1 =	veq.s32 v4, $0x80000000;
	v56 =	vand.u32 $0x1, v4;
	v6 =	vand.u32 $0x1FFF, v6  }
0xd: {  	v2 =	vor.u32 v2, v5;
	v59 =	vshrl.u32 v1, $0x1;
	v60 =	vand.u32 $0x1, v1  }
0xe: {  	v4 =	vsel vm1, $0xFFFFFFFF, v56;
	v6 =	vsel vm1, $0xFFFFFFFF, v6;
	v2 =	vor.u32 v3, v2  }
0xf: {  	vm1 =	veq.s32 v1, $0x80000000;
	v5 =	vand.u32 $0x1FFF, v59;
	v7 =	vshrl.u32 v4, $0x1  }
0x10: {  	v57 =	vshll.u32 v6, $0x1;
	v4 =	vshll.u32 v4, $0x7;
	v1 =	vsel vm1, $0xFFFFFFFF, v60  }
0x11: {  	v5 =	vsel vm1, $0xFFFFFFFF, v5;
	v6 =	vand.u32 $0x7F, v6;
	v7 =	vmul.u32 $0x2800, v7  }
0x12: {  	v58 =	vand.u32 $0xFFFFFF00, v57;
	v4 =	vand.u32 $0x80, v4;
	v61 =	vshrl.u32 v1, $0x1  }
0x13: {  	v62 =	vshll.u32 v5, $0x1;
	v3 =	vadd.s32 v7, v58;
	v7 =	vmul.u32 $0x2800, v61  }
0x14: {  	v1 =	vshll.u32 v1, $0x7;
	v3 =	vor.u32 v4, v3;
	v4 =	vand.u32 $0xFFFFFF00, v62  }
0x15: {  	v1 =	vand.u32 $0x80, v1;
	v3 =	vor.u32 v6, v3;
	v4 =	vadd.s32 v7, v4  }
0x16: {  	[tilespmem:s16], [sflag:$0x1] =	stream.indirect_vreg.gather [hbm4b:s2+s10], $0x1, v0, vm0, $0x4038;
	v63 =	vand.u32 $0x7F, v5;
	v1 =	vor.u32 v1, v4;
	[tilespmem:$0x640] =	vst v63  }
0x17: {  	s15 =	sadd.s32 $0x10, s15;
	(ifvalue) =	ssetifvalue $0x7FFFFFFF;
	v0 =	vor.u32 v63, v1  }
0x18: {  	[tilespmem:s15], [sflag:$0x1] =	stream.indirect_vreg.gather [hbm4b:s2+s10], $0x1, v2, vm0, $0x4038;
	[tilespmem:$0x640] =	vst v63  }
0x19: {  	s15 =	sadd.s32 $0x10, s15;
	(ifvalue) =	ssetifvalue $0x7FFFFFFF  }
0x1a: {  	[tilespmem:s15], [sflag:$0x1] =	stream.indirect_vreg.gather [hbm4b:s2+s10], $0x1, v3, vm0, $0x4038;
	[tilespmem:$0x640] =	vst v63  }
0x1b: {  	s15 =	sadd.s32 $0x10, s15;
	(ifvalue) =	ssetifvalue $0x7FFFFFFF  }
0x1c: {  	[tilespmem:s15], [sflag:$0x1] =	stream.indirect_vreg.gather [hbm4b:s2+s10], $0x1, v0, vm0, $0x4038;
	[tilespmem:$0x640] =	vst v63  }
0x1d: {  	_ =	swait.ge [sflag:s5], $0x190  }
0x1e: {  	s30 =	sshrl.u32 s13, $0x3;
	[sflag:s5] =	ssyncset.done $0x0  }
0x1f: {  	s31 =	sand.u32 $0x7, s13;
	s15 =	sadd.s32 s4, s30;
	[sflag:s5] =	ssyncadd.s32 $0xFFFFFE70  }
0x20: {  	[hbm4b:s15+s31] =	stream.linear.scatter [tilespmem:s14], [sflag:$0x3], $0x190, $0x38;
	[tilespmem:$0x640] =	vst v63  }
.LBB2_5:
0x21: {  	s15 =	sadd.s32 $0x1900, s11  }
0x22: {  	p1 =	sgt.s32 s15, $0x270F  }
0x23: {  	s15 =	smov.u32 @p1 s6;
	p1 =	sne.s32 s12, s9  }
.Ltmp1:
0x24: {  	p0 =	slt.u32 s12, $0x2;
	(pc) =	sbr.rel @!p1 .LBB2_6-.Ltmp1, $4  }
0x25: {  	s14 =	simm.s32 @!p0 $0x3  }
0x26: {  	_ =	swait.ge @!p0 [sflag:s14], $0x190  }
0x27: {  	s16 =	sadd.s32 $0x1, s12;
	s13 =	smov.u32 s11;
	[sflag:s14] =	ssyncset.done @!p0 $0x0  }
0x28: {  	s12 =	smov.u32 s16;
	s11 =	smov.u32 s15;
	[sflag:s14] =	ssyncadd.s32 @!p0 $0xFFFFFE70  }
.LBB2_1:
0x29: {  	p0 =	sge.u32 s12, s8  }
0x2a: {  	s14 =	sxor.u32 @!p0 $0x1, s12  }
0x2b: {  	s14 =	smul.u32 @!p0 $0x640, s14  }
0x2c: {  	s31 =	sadd.s32 $0xFFFFFFFF, s12;
	s15 =	sshrl.u32 @!p0 s11, $0x3  }
0x2d: {  	s16 =	sand.u32 @!p0 $0x7, s11;
	s15 =	sadd.s32 @!p0 s3, s15;
	s14 =	sshra.s32 @!p0 s14, $0x2  }
0x2e: {  	[tilespmem:s14], [sflag:$0x2] =	stream.linear.gather @!p0 [hbm4b:s15+s16], $0x190, $0x38;
	[tilespmem:$0x640] =	vst v63  }
0x2f: {  	p0 =	sge.u32 s31, s8  }
.Ltmp2:
0x30: {  	_ = 	snop;
	(pc) =	sbr.rel @p0 .LBB2_5-.Ltmp2, $1  }
0x31: {  	_ =	sdelay $0x3  }
0x32: {  	s14 =	sand.u32 $0x1, s12  }
0x33: {  	_ =	swait.ge [sflag:s7], $0x190;
	p0 =	seq.s32 s14, $0x1;
	s14 =	simm.s32 $0x190  }
0x34: {  	[sflag:s7] =	ssyncset.done $0x0;
	s14 =	simm.s32 @!p0 $0x0  }
0x35: {  	[sflag:s7] =	ssyncadd.s32 $0xFFFFFE70;
	(ifvalue) =	ssetifvalue $0x7FFFFFFF;
	v0 =	vld.msk [tilespmem:s14+$0x0 ss:$0x1], $0xffff  }
0x36: {  	s15 =	sadd.s32 $0x10, s14  }
0x37: {  	v1 =	vld.msk [tilespmem:s15+$0x0 ss:$0x1], $0xffff;
	_ =	sdelay $0x2  }
0x38: {  	v2 =	vshrl.u32 v0, $0x1  }
0x39: {  	vm1 =	veq.s32 v0, $0x80000000;
	v0 =	vand.u32 $0x1, v0;
	v2 =	vand.u32 $0x1FFF, v2  }
0x3a: {  	v0 =	vsel vm1, $0xFFFFFFFF, v0;
	v6 =	vshrl.u32 v1, $0x1;
	v2 =	vsel vm1, $0xFFFFFFFF, v2  }
0x3b: {  	v3 =	vshrl.u32 v0, $0x1;
	v0 =	vshll.u32 v0, $0x7;
	vm1 =	veq.s32 v1, $0x80000000  }
0x3c: {  	s15 =	sadd.s32 $0x10, s15;
	v1 =	vand.u32 $0x1, v1;
	v4 =	vshll.u32 v2, $0x1;
	v3 =	vmul.u32 $0x2800, v3  }
0x3d: {  	v0 =	vand.u32 $0x80, v0;
	v7 =	vand.u32 $0x7F, v2;
	v5 =	vand.u32 $0xFFFFFF00, v4;
	v4 =	vld.msk [tilespmem:s15+$0x0 ss:$0x1], $0xffff  }
0x3e: {  	v1 =	vsel vm1, $0xFFFFFFFF, v1;
	v2 =	vadd.s32 v3, v5;
	v3 =	vand.u32 $0x1FFF, v6  }
0x3f: {  	v3 =	vsel vm1, $0xFFFFFFFF, v3;
	v0 =	vor.u32 v0, v2;
	v2 =	vshrl.u32 v1, $0x1  }
0x40: {  	v1 =	vshll.u32 v1, $0x7;
	v5 =	vshll.u32 v3, $0x1;
	v8 =	vmul.u32 $0x2800, v2  }
0x41: {  	s18 =	simm.s32 $0x30;
	s14 =	sadd.s32 $0x320, s14;
	s17 =	sadd.s32 $0x10, s15;
	v2 =	vand.u32 $0x80, v1;
	v0 =	vor.u32 v7, v0;
	v5 =	vand.u32 $0xFFFFFF00, v5  }
0x42: {  	s16 =	smov.u32 s14;
	s15 =	smov.u32 s14;
	v1 =	vld.msk [tilespmem:s17+$0x0 ss:$0x1], $0xffff;
	v3 =	vand.u32 $0x7F, v3;
	(ifvalue) =	ssetifvalue $0x7FFFFFFF;
	v6 =	vshrl.u32 v4, $0x1;
	v5 =	vadd.s32 v8, v5  }
.LBB2_3:
0x43: {  	s18 =	sadd.s32 $0x10, s18  }
0x44: {  	vm1 =	veq.s32 v4, $0x80000000;
	v4 =	vand.u32 $0x1, v4;
	v6 =	vand.u32 $0x1FFF, v6;
	s15 =	sadd.s32 $0x10, s15;
	p0 =	slt.u32 s18, $0x180  }
.Ltmp3:
0x45: {  	v5 =	vor.u32 v2, v5;
	v4 =	vsel vm1, $0xFFFFFFFF, v4;
	v7 =	vsel vm1, $0xFFFFFFFF, v6;
	(pc) =	sbr.rel @p0 .LBB2_3-.Ltmp3, $4  }
0x46: {  	v2 =	vshrl.u32 v4, $0x1;
	v6 =	vshll.u32 v7, $0x1;
	v4 =	vshll.u32 v4, $0x7;
	[tilespmem:s16], [sflag:$0x1] =	stream.indirect_vreg.gather [hbm4b:s2+s10], $0x1, v0, vm0, $0x4038;
	[tilespmem:$0x640] =	vst v63  }
0x47: {  	v0 =	vor.u32 v3, v5;
	s16 =	smov.u32 s15;
	v8 =	vmul.u32 $0x2800, v2;
	v2 =	vand.u32 $0x80, v4  }
0x48: {  	s17 =	sadd.s32 $0x10, s17;
	v9 =	vand.u32 $0xFFFFFF00, v6  }
0x49: {  	v3 =	vand.u32 $0x7F, v7;
	v6 =	vshrl.u32 v1, $0x1;
	v5 =	vadd.s32 v8, v9;
	(ifvalue) =	ssetifvalue $0x7FFFFFFF;
	v4 =	vmovc v1;
	v1 =	vld.msk [tilespmem:s17+$0x0 ss:$0x1], $0xffff  }
.Ltmp4:
0x4a: {  	_ = 	snop;
	(pc) =	sbr.rel .LBB2_4-.Ltmp4, $1  }
0x4b: {  	_ =	sdelay $0x3  }
.LBB2_6:
0x4c: {  	_ =	sfence.sel $0x180000  }
0x4d: {  	s2 =	simm.s32 $0x2;
	[bflag:$0x0] =	sbarrier.arrive $0xFFFF  }
0x4e: {  	s30 =	simm.s32 $0x3;
	[sflag:s2] =	ssyncpa.u1 $0x1  }
0x4f: {  	s31 =	simm.s32 $0x1;
	[sflag:s30] =	ssyncpa.u1 $0x1  }
0x50: {  	[sflag:s31] =	ssyncpa.u1 $0x1  }
0x51: {  	p0 =	sne.s32 s1, $0x0;
	_ =	strace $0x90000047  }
0x52: {  	s0 =	sadd.s32 @!p0 $0x100000, s0;
	[bflag:$0x2] =	sbarrier.arrive $0xFFFF  }
0x53: {  	[sflag:s0] =	ssyncadd.tile.s32 @!p0 $0x1;
	_ =	shalt  }
.Lfunc_end2:
_tile_overlayer_lowered:
.L_overlay_start_2:
0x54: {  	(tag) =	ssettag $0x2  }
0x55: {  	s0 =	rddreg [dreg:$0x0];
	s2 =	stileid.u32  }
0x56: {  	s1 =	rddreg [dreg:$0x1];
	p0 =	sne.s32 s2, $0x0  }
0x57: {  	s3 =	rddreg [dreg:$0x2];
	[bflag:$0x3] =	sbarrier.arrive $0xFFFF;
	s2 =	simm.s32 @!p0 $0x1C01  }
0x58: {  	[timem:s3], [sflag:s2] =	dma.local @!p0 [hbm:s0], s1  }
0x59: {  	s0 =	simm.s32 @!p0 $0x1  }
0x5a: {  	_ =	swait.ge @!p0 [sflag:s0], s1  }
0x5b: {  	s1 =	ssub.s32 @!p0 $0x0, s1;
	[sflag:s0] =	ssyncset.done @!p0 $0x0  }
0x5c: {  	[sflag:s0] =	ssyncadd.s32 @!p0 s1  }
0x5d: {  	[bflag:$0x3] =	sbarrier.arrive $0xFFFF  }
0x5e: {  	_ =	shalt  }

// kernel: gather_offload_async_start
scs
__scs_entry_jumppad:
0x0: {  	(pc) =	sbr.rel $0x88, $3  }
0x1: {  	(tag) =	ssettag $0x0;
	lr =	simm.s32 $0x1  }
0x2: {  	[smem:$0x3F9F] =	sst lr;
	_ =	strace $0xD0000000  }
0x3: {  	_ = 	snop  }
0x4: {  	_ = 	snop  }
0x5: {  	_ = 	snop  }
0x6: {  	_ = 	snop  }
0x7: {  	_ = 	snop  }
__scs_overlays_trampoline_lowered:
0x8: {  	[smem:$0x3FAE] =	sst s0  }
0x9: {  	[smem:$0x3FAF] =	sst s1  }
0xa: {  	[smem:$0x3FB0] =	sst s2  }
0xb: {  	[smem:$0x3FB1] =	sst s3  }
0xc: {  	[smem:$0x3FB2] =	sst s4  }
0xd: {  	[smem:$0x3FB3] =	sst s5  }
0xe: {  	[smem:$0x3FB4] =	sst s6  }
0xf: {  	[smem:$0x3FB5] =	sst s7  }
0x10: {  	[smem:$0x3FB6] =	sst s8  }
0x11: {  	[smem:$0x3FB7] =	sst s9;
	s0 =	simm.s32 @!p0 $0x0  }
0x12: {  	s1 =	sld [smem:$0x3F9D];
	s0 =	simm.s32 @p0 $0x1  }
0x13: {  	[smem:$0x3FB8] =	sst s0;
	s0 =	simm.s32 @!p1 $0x0  }
0x14: {  	s2 =	sld [smem:$0x3F9C];
	s0 =	simm.s32 @p1 $0x1  }
0x15: {  	[smem:$0x3FB9] =	sst s0;
	s0 =	simm.s32 @!p2 $0x0  }
0x16: {  	s3 =	sld [smem:$0x3FDB];
	s0 =	simm.s32 @p2 $0x1  }
0x17: {  	s4 =	simm.s32 $0x1BF5;
	[smem:$0x3FBB] =	sst s0  }
0x18: {  	s0 =	sld [smem:$0x3F9E];
	_ =	swait.ge [sflag:s4], $0x0  }
0x19: {  	s7 =	sld [smem:$0x3F9F]  }
0x1a: {  	s8 =	sadd.s32 $0xFFFFE003, lr  }
0x1b: {  	s9 =	sadd.s32 $0xFFFFFEF7, lr;
	s5 =	simm.s32 $0xFFFFFFFF;
	p2 =	slt.u32 s8, $0xFFFFF086  }
0x1c: {  	p1 =	slt.u32 s9, $0xF7A;
	s5 =	simm.s32 @!p2 $0x0  }
0x1d: {  	s5 =	simm.s32 @p1 $0x1;
	p0 =	seq.s32 s7, s2  }
0x1e: {  	s7 =	smul.u32 @!p0 $0xF7A, s2;
	p2 =	seq.s32 @!p0 s5, $0x0  }
0x1f: {  	s9 =	smul.u32 $0xF7A, s1;
	s8 =	simm.s32 @!p0 $0x1BF5;
	p2 =	por !p2, p0  }
0x20: {  	[sflag:s8] =	ssyncset.s32 @!p0 $0xFFFFF086;
	s6 =	sadd.s32 @!p0 s3, s7;
	s7 =	simm.s32 @!p0 $0x108  }
0x21: {  	s3 =	sadd.s32 s3, s9;
	s6 =	sadd.s32 @!p0 $0x88, s6;
	s7 =	simm.s32 @p2 $0x1082  }
0x22: {  	[simem:s7], [sflag:s8] =	dma.local @!p0 [hbm:s6], $0xF7A  }
0x23: {  	s9 =	sor.u32 $0xD0000000, s2;
	s6 =	simm.s32 $0x108;
	_ =	swait.ge @!p0 [sflag:s8], $0x0  }
0x24: {  	s3 =	sadd.s32 $0x88, s3;
	s6 =	simm.s32 @!p1 $0x1082;
	[sflag:s4] =	ssyncset.s32 $0xFFFFF086  }
0x25: {  	[simem:s6], [sflag:s4] =	dma.local [hbm:s3], $0xF7A  }
0x26: {  	[smem:$0x3F9F] =	sst s1;
	(tag) =	ssettag s2;
	_ =	strace s9  }
0x27: {  	s1 =	sld [smem:$0x3FAF]  }
0x28: {  	s2 =	sld [smem:$0x3FB0]  }
0x29: {  	s4 =	sld [smem:$0x3FB2]  }
0x2a: {  	p0 =	seq.s32 s5, $0x0;
	s5 =	sld [smem:$0x3FB3]  }
0x2b: {  	s6 =	sld [smem:$0x3FB4]  }
0x2c: {  	s7 =	sld [smem:$0x3FB5]  }
0x2d: {  	s3 =	simm.s32 $0x108;
	s8 =	sld [smem:$0x3FB6]  }
0x2e: {  	s3 =	simm.s32 @!p0 $0x1082;
	s9 =	sld [smem:$0x3FB7]  }
0x2f: {  	lr =	sadd.s32 s0, s3;
	s0 =	sld [smem:$0x3FAE]  }
0x30: {  	s3 =	sld [smem:$0x3FB1]  }
0x31: {  	[smem:$0x3FBA] =	sst s10  }
0x32: {  	s10 =	sld [smem:$0x3FB8];
	_ =	sdelay $0x3  }
0x33: {  	p0 =	seq.s32 s10, $0x1;
	s10 =	sld [smem:$0x3FBA];
	_ =	sdelay $0x3  }
0x34: {  	[smem:$0x3FBA] =	sst s10  }
0x35: {  	s10 =	sld [smem:$0x3FB9];
	_ =	sdelay $0x3  }
0x36: {  	p1 =	seq.s32 s10, $0x1;
	s10 =	sld [smem:$0x3FBA];
	_ =	sdelay $0x3  }
0x37: {  	[smem:$0x3FBA] =	sst s10  }
0x38: {  	s10 =	sld [smem:$0x3FBB]  }
0x39: {  	_ = 	snop;
	(pc) =	sbr.ind lr, $3  }
0x3a: {  	_ = 	snop  }
0x3b: {  	_ = 	snop  }
0x3c: {  	p2 =	seq.s32 s10, $0x1;
	s10 =	sld [smem:$0x3FBA]  }
0x3d: {  	_ =	shalt  }
0x3e: {  	_ =	shalt  }
0x3f: {  	_ =	shalt  }
0x40: {  	_ =	shalt  }
0x41: {  	_ =	shalt  }
0x42: {  	_ =	shalt  }
0x43: {  	_ =	shalt  }
0x44: {  	_ =	shalt  }
0x45: {  	_ =	shalt  }
0x46: {  	_ =	shalt  }
0x47: {  	_ =	shalt  }
0x48: {  	_ =	shalt  }
0x49: {  	_ =	shalt  }
0x4a: {  	_ =	shalt  }
0x4b: {  	_ =	shalt  }
0x4c: {  	_ =	shalt  }
0x4d: {  	_ =	shalt  }
0x4e: {  	_ =	shalt  }
0x4f: {  	_ =	shalt  }
0x50: {  	_ =	shalt  }
0x51: {  	_ =	shalt  }
0x52: {  	_ =	shalt  }
0x53: {  	_ =	shalt  }
0x54: {  	_ =	shalt  }
0x55: {  	_ =	shalt  }
0x56: {  	_ =	shalt  }
0x57: {  	_ =	shalt  }
0x58: {  	_ =	shalt  }
0x59: {  	_ =	shalt  }
0x5a: {  	_ =	shalt  }
0x5b: {  	_ =	shalt  }
0x5c: {  	_ =	shalt  }
0x5d: {  	_ =	shalt  }
0x5e: {  	_ =	shalt  }
0x5f: {  	_ =	shalt  }
0x60: {  	_ =	shalt  }
0x61: {  	_ =	shalt  }
0x62: {  	_ =	shalt  }
0x63: {  	_ =	shalt  }
0x64: {  	_ =	shalt  }
0x65: {  	_ =	shalt  }
0x66: {  	_ =	shalt  }
0x67: {  	_ =	shalt  }
0x68: {  	_ =	shalt  }
0x69: {  	_ =	shalt  }
0x6a: {  	_ =	shalt  }
0x6b: {  	_ =	shalt  }
0x6c: {  	_ =	shalt  }
0x6d: {  	_ =	shalt  }
0x6e: {  	_ =	shalt  }
0x6f: {  	_ =	shalt  }
0x70: {  	_ =	shalt  }
0x71: {  	_ =	shalt  }
0x72: {  	_ =	shalt  }
0x73: {  	_ =	shalt  }
0x74: {  	_ =	shalt  }
0x75: {  	_ =	shalt  }
0x76: {  	_ =	shalt  }
0x77: {  	_ =	shalt  }
0x78: {  	_ =	shalt  }
0x79: {  	_ =	shalt  }
0x7a: {  	_ =	shalt  }
0x7b: {  	_ =	shalt  }
0x7c: {  	_ =	shalt  }
0x7d: {  	_ =	shalt  }
0x7e: {  	_ =	shalt  }
0x7f: {  	_ =	shalt  }
0x80: {  	_ =	shalt  }
0x81: {  	_ =	shalt  }
0x82: {  	_ =	shalt  }
0x83: {  	_ =	shalt  }
0x84: {  	_ =	shalt  }
0x85: {  	_ =	shalt  }
0x86: {  	_ =	shalt  }
0x87: {  	_ =	shalt  }
.Lfunc_end0:
.L_simem_size_0:
called_computation_lowered:
.L_overlay_start_0:
0x88: {  	s0 =	sld [smem:$0x3FD9]  }
0x89: {  	s1 =	sld [smem:$0x3FFE];
	_ =	sdelay $0x3  }
0x8a: {  	s0 =	sadd.s32 s1, s0  }
0x8b: {  	[smem:$0x3FC6] =	sst s0  }
0x8c: {  	_ = 	snop  }
0x8d: {  	s0 =	sld [smem:$0x3FD0];
	(tm) =	ssettm $0x1  }
0x8e: {  	s16 =	sld [smem:$0x3FFB];
	_ =	sdelay $0x3  }
0x8f: {  	_ =	strace s16  }
0x90: {  	s1 =	sld [smem:$0x3FFC];
	_ =	sdelay $0x3  }
0x91: {  	_ =	strace s1  }
0x92: {  	s1 =	sld [smem:$0x3FFD];
	_ =	sdelay $0x3  }
0x93: {  	_ =	strace s1  }
0x94: {  	_ =	strace $0x8FFFFFFF  }
0x95: {  	s17 =	sld [smem:$0x3FDB];
	_ =	sdelay $0x1  }
0x96: {  	s2 =	simm.s32 $_scs_section_size  }
0x97: {  	s3 =	simm.s32 $_size__tile_overlayer_lowered;
	s4 =	simm.s32 $_tile_overlayer_lowered  }
0x98: {  	s20 =	simm.s32 $0x1BFF;
	s19 =	sshll.u32 s4, $0x1;
	s1 =	sadd.s32 s2, s17  }
0x99: {  	s5 =	simm.s32 $0x0;
	s18 =	sshll.u32 s3, $0x1;
	s3 =	sadd.s32 s19, s1  }
0x9a: {  	[timem:s5], [sflag:s20] =	dma.local [hbm:s3], s18  }
0x9b: {  	_ =	swait.ge [sflag:s20], s18  }
0x9c: {  	s2 =	ssub.s32 $0x0, s18;
	[sflag:s20] =	ssyncset.done $0x0  }
0x9d: {  	[sflag:s20] =	ssyncadd.s32 s2;
	_ =	sdelay $0x1  }
0x9e: {  	s21 =	simm.s32 $0x1B8B  }
0x9f: {  	_ =	swait.ge [sflag:s21], $0x1  }
0xa0: {  	[sflag:s21] =	ssyncset.done $0x0  }
0xa1: {  	s23 =	simm.s32 $0x1B8E;
	s22 =	sld [smem:$0x3FFE];
	[sflag:s21] =	ssyncadd.s32 $0xFFFFFFFF  }
0xa2: {  	s24 =	simm.s32 $execute0_lowered;
	[smem:$0x3FD2] =	sst s23  }
0xa3: {  	s3 =	sshll.u32 s24, $0x1;
	_ =	strace $0x80000049;
	[dreg:$0x1] =	wrdreg $0xFFFFFFFF  }
0xa4: {  	s25 =	simm.s32 $_size_execute0_lowered;
	s1 =	sadd.s32 s1, s3;
	[dreg:$0x0] =	wrdreg $0x0  }
0xa5: {  	s3 =	sshll.u32 s25, $0x1;
	[dreg:$0x2] =	wrdreg s1  }
0xa6: {  	[dreg:$0x3] =	wrdreg s3  }
0xa7: {  	[dreg:$0x4] =	wrdreg $0xC0  }
0xa8: {  	_ =	task [dreg:s5], $0x5FFFF  }
0xa9: {  	[dreg:$0x1] =	wrdreg $0xFFFFFFFF  }
0xaa: {  	[dreg:$0x0] =	wrdreg $0x60  }
0xab: {  	[dreg:$0x2] =	wrdreg s22  }
0xac: {  	[dreg:$0x3] =	wrdreg s0  }
0xad: {  	[dreg:$0x4] =	wrdreg $0x9  }
0xae: {  	_ =	task.clear_ibuf [dreg:s5], $0x5FFFF;
	_ =	strace $0x90000049  }
0xaf: {  	s26 =	simm.s32 $0x9;
	_ =	strace $0x8000004B  }
0xb0: {  	_ =	swait.ge [sflag:s26], $0x1  }
0xb1: {  	[sflag:s26] =	ssyncadd.s32 $0xFFFFFFFF  }
0xb2: {  	_ =	strace $0x9000004B  }
0xb3: {  	_ =	sfence  }
0xb4: {  	s28 =	sld [smem:$0x0];
	_ =	sdelay $0x1  }
0xb5: {  	s29 =	srdreg.scid  }
0xb6: {  	s30 =	sshll.u32 s29, $0xD;
	s31 =	sshrl.u32 s29, $0x2  }
0xb7: {  	s2 =	sand.u32 $0x4000, s30;
	s1 =	sand.u32 $0x1, s29;
	s0 =	sadd.s32 s31, s28  }
0xb8: {  	s1 =	sor.u32 s2, s1;
	s0 =	sshll.u32 s0, $0x11  }
0xb9: {  	s0 =	sor.u32 s0, s1  }
0xba: {  	s0 =	sadd.s32 $0x8F2B, s0  }
0xbb: {  	[sflag:s0] =	ssyncadd.remote.s32 $0x1  }
0xbc: {  	_ =	sfence.sel $0xFFFF  }
0xbd: {  	[dreg:$0x0] =	wrdreg $0xFFFFFFFF;
	(pc) =	sbr.abs _section_cstart, $3  }
0xbe: {  	[dreg:$0x1] =	wrdreg $0xFFFFFFFF  }
0xbf: {  	_ =	task.clear_ibuf [dreg:s5], $0x2FFFF;
	_ =	strace $0x9FFFFFFF  }
0xc0: {  	(tm) =	ssettm $0x7FFFFFFF  }
0xc1: {  	_ =	shalt  }
tec
execute0_lowered:
.L_overlay_start_1:
0x0: {  	(tag) =	ssettag $0x1  }
0x1: {  	s0 =	stileid.u32  }
0x2: {  	s1 =	smin.u32 s0, $0x9  }
0x3: {  	s1 =	sadd.s32 s0, s1  }
0x4: {  	s2 =	simm.s32 $0x320;
	p0 =	slt.u32 s0, $0x9;
	s1 =	smul.u32 $0x190, s1  }
0x5: {  	s2 =	simm.s32 @!p0 $0x190  }
0x6: {  	s2 =	sadd.s32 s2, s1  }
0x7: {  	s3 =	smin.u32 s2, $0x2710  }
0x8: {  	s7 =	ssub.s32 s3, s1  }
0x9: {  	p0 =	sgt.s32 s7, $0x0  }
0xa: {  	s7 =	simm.s32 @!p0 $0x0  }
0xb: {  	s31 =	sand.u32 $0xFFF0, s7  }
0xc: {  	s2 =	sshrl.u32 s31, $0x4  }
0xd: {  	s9 =	rddreg [dreg:$0x0];
	s2 =	smul.u32 $0xA3E, s2  }
0xe: {  	s4 =	rddreg [dreg:$0x1];
	s6 =	simm.s32 $0x1  }
0xf: {  	s11 =	simm.s32 $0x3;
	s13 =	simm.s32 $0x0;
	s8 =	sshrl.u32 s2, $0x10  }
0x10: {  	s12 =	simm.s32 $0x0;
	s5 =	sadd.s32 $0x600, s9;
	s10 =	smul.u32 $0x190, s8  }
.Ltmp0:
0x11: {  	s9 =	sadd.s32 $0x27800, s9;
	s2 =	rddreg [dreg:$0x2];
	(pc) =	sbr.rel .LBB2_1-.Ltmp0, $4  }
0x12: {  	_ =	strace $0x8000004A;
	p0 =	sne.s32 s7, s10;
	s10 =	simm.s32 $0x1  }
0x13: {  	[sflag:s6] =	ssyncpa.u1 $0x0;
	s7 =	simm.s32 $0x2;
	s10 =	simm.s32 @!p0 $0x0  }
0x14: {  	[sflag:s7] =	ssyncpa.u1 $0x0;
	p0 =	por $0x0, $0x0;
	s8 =	sadd.s32 s8, s10  }
0x15: {  	v0 =	vimm.s32 $0x0;
	vm0 =	vmmov $0xff;
	vm1 =	vcmask $0x3F20;
	[sflag:s11] =	ssyncpa.u1 $0x0;
	s11 =	smov.u32 s1;
	s10 =	sadd.s32 $0x1, s8  }
.LBB2_6:
0x16: {  	[hbm:s17] =	stream.linear.scatter [tilespmem:s14], [sflag:$0x3], $0x400, $0x38;
	[tilespmem:$0x19320] =	vst v63  }
.LBB2_7:
0x17: {  	s13 =	sadd.s32 $0x190, s11  }
0x18: {  	s15 =	smov.u32 s1;
	p2 =	slt.s32 s13, s3  }
0x19: {  	s15 =	smov.u32 @p2 s13;
	p2 =	sne.s32 s12, s10  }
.Ltmp1:
0x1a: {  	p1 =	slt.u32 s12, $0x2;
	(pc) =	sbr.rel @!p2 .LBB2_8-.Ltmp1, $4  }
0x1b: {  	s14 =	simm.s32 @!p1 $0x3  }
0x1c: {  	s16 =	sadd.s32 $0x1, s12;
	_ =	swait.ge @!p1 [sflag:s14], $0xC800  }
0x1d: {  	p0 =	por !p0, !p0;
	s13 =	smov.u32 s11;
	[sflag:s14] =	ssyncset.done @!p1 $0x0  }
0x1e: {  	s12 =	smov.u32 s16;
	s11 =	smov.u32 s15;
	[sflag:s14] =	ssyncadd.s32 @!p1 $0xFFFF3800  }
.LBB2_1:
0x1f: {  	p1 =	sge.u32 s12, s8  }
0x20: {  	s14 =	sxor.u32 @!p1 $0xFFFFFFFF, s12  }
0x21: {  	s14 =	sand.u32 @!p1 $0x1, s14  }
0x22: {  	s14 =	smul.u32 @!p1 $0x640, s14  }
0x23: {  	s31 =	sadd.s32 $0xFFFFFFFF, s12;
	s15 =	sshrl.u32 @!p1 s11, $0x3  }
0x24: {  	s16 =	sand.u32 @!p1 $0x7, s11;
	s15 =	sadd.s32 @!p1 s4, s15;
	s14 =	sshrl.u32 @!p1 s14, $0x2  }
0x25: {  	[tilespmem:s14], [sflag:$0x2] =	stream.linear.gather @!p1 [hbm4b:s15+s16], $0x190, $0x38;
	[tilespmem:$0x19320] =	vst v63  }
0x26: {  	p1 =	sge.u32 s31, s8  }
.Ltmp2:
0x27: {  	_ = 	snop;
	(pc) =	sbr.rel @p1 .LBB2_7-.Ltmp2, $1  }
0x28: {  	_ =	sdelay $0x3  }
0x29: {  	s14 =	simm.s32 $0x1  }
0x2a: {  	s14 =	simm.s32 @!p0 $0x0  }
0x2b: {  	s15 =	smul.u32 $0x640, s14  }
0x2c: {  	_ =	swait.ge [sflag:s7], $0x190  }
0x2d: {  	[sflag:s7] =	ssyncset.done $0x0;
	s16 =	sshrl.u32 s15, $0x2  }
0x2e: {  	[sflag:s7] =	ssyncadd.s32 $0xFFFFFE70;
	s15 =	sadd.s32 $0x0, s16  }
0x2f: {  	v1 =	vld.msk [tilespmem:s15+$0x0 ss:$0x1], $0xffff;
	_ =	sdelay $0x4  }
0x30: {  	v2 =	vand.u32 $0x1, v1;
	v3 =	vshll.u32 v1, $0x6  }
0x31: {  	vm2 =	veq.s32 v1, $0x80000000;
	vm3 =	veq.s32 v2, $0x1;
	v1 =	vand.u32 $0xFFF80, v3  }
0x32: {  	v2 =	vsel vm3, $0x9C400, v0;
	v1 =	vsel vm2, $0xFFFFFF80, v1  }
0x33: {  	v2 =	vsel vm2, $0xFFF63C00, v2;
	v3 =	vand.u32 $0xFFFFFC00, v1  }
0x34: {  	v1 =	vand.u32 $0x380, v1;
	v2 =	vadd.s32 v2, v3  }
0x35: {  	v1 =	vor.u32 v1, v2  }
0x36: {  	v1 =	vshrl.u32 v1, $0x3  }
0x37: {  	s14 =	smul.u32 $0x32000, s14;
	_ =	sdelay $0x1  }
0x38: {  	s14 =	sshrl.u32 s14, $0x2  }
0x39: {  	s14 =	sor.u32 $0x320, s14  }
0x3a: {  	[tilespmem:s14], [sflag:$0x1] =	stream.indirect_vreg.gather [hbm:s5], $0x80, v1, vm0, $0x38;
	[tilespmem:$0x19320] =	vst v63  }
0x3b: {  	s17 =	sadd.s32 $0x10, s16;
	s15 =	sadd.s32 $0x400, s14  }
0x3c: {  	[tilespmem:s15], [sflag:$0x1] =	stream.indirect_vreg.gather [hbm:s5], $0x80, v1, vm1, $0x38;
	[tilespmem:$0x19320] =	vst v63  }
0x3d: {  	s18 =	simm.s32 $0x80;
	v1 =	vld.msk [tilespmem:s17+$0x0 ss:$0x1], $0xffff;
	s17 =	smov.u32 s14  }
.LBB2_3:
0x3e: {  	p1 =	sne.s32 s18, $0x600;
	_ =	sdelay $0x4  }
0x3f: {  	v2 =	vand.u32 $0x1, v1;
	v3 =	vshll.u32 v1, $0x6  }
0x40: {  	vm2 =	veq.s32 v1, $0x80000000;
	vm3 =	veq.s32 v2, $0x1;
	v1 =	vand.u32 $0xFFF80, v3  }
0x41: {  	v2 =	vsel vm3, $0x9C400, v0;
	v1 =	vsel vm2, $0xFFFFFF80, v1  }
0x42: {  	v2 =	vsel vm2, $0xFFF63C00, v2;
	v3 =	vand.u32 $0xFFFFFC00, v1  }
0x43: {  	v1 =	vand.u32 $0x380, v1;
	v2 =	vadd.s32 v2, v3  }
0x44: {  	v1 =	vor.u32 v1, v2  }
0x45: {  	v1 =	vshrl.u32 v1, $0x3;
	_ =	sdelay $0x3  }
.Ltmp3:
0x46: {  	s19 =	sshra.s32 s18, $0x2;
	s17 =	sadd.s32 $0x800, s17;
	(pc) =	sbr.rel @p1 .LBB2_3-.Ltmp3, $4  }
0x47: {  	[tilespmem:s17], [sflag:$0x1] =	stream.indirect_vreg.gather [hbm:s5], $0x80, v1, vm0, $0x38;
	[tilespmem:$0x19320] =	vst v63  }
0x48: {  	s19 =	sadd.s32 s19, s16;
	s20 =	sadd.s32 $0x400, s17  }
0x49: {  	[tilespmem:s20], [sflag:$0x1] =	stream.indirect_vreg.gather [hbm:s5], $0x80, v1, vm1, $0x38;
	[tilespmem:$0x19320] =	vst v63  }
0x4a: {  	s18 =	sadd.s32 $0x40, s18;
	v1 =	vld.msk [tilespmem:s19+$0x0 ss:$0x1], $0xffff  }
0x4b: {  	_ =	sdelay $0x3  }
0x4c: {  	v2 =	vand.u32 $0x1, v1;
	v3 =	vshll.u32 v1, $0x6  }
0x4d: {  	vm2 =	veq.s32 v1, $0x80000000;
	vm3 =	veq.s32 v2, $0x1;
	v1 =	vand.u32 $0xFFF80, v3  }
0x4e: {  	v2 =	vsel vm3, $0x9C400, v0;
	v1 =	vsel vm2, $0xFFFFFF80, v1  }
0x4f: {  	v2 =	vsel vm2, $0xFFF63C00, v2;
	v3 =	vand.u32 $0xFFFFFC00, v1  }
0x50: {  	v1 =	vand.u32 $0x380, v1;
	v2 =	vadd.s32 v2, v3  }
0x51: {  	v1 =	vor.u32 v1, v2  }
0x52: {  	v1 =	vshrl.u32 v1, $0x3;
	_ =	sdelay $0x3  }
0x53: {  	s16 =	sadd.s32 $0x800, s17  }
0x54: {  	[tilespmem:s16], [sflag:$0x1] =	stream.indirect_vreg.gather [hbm:s5], $0x80, v1, vm0, $0x38;
	[tilespmem:$0x19320] =	vst v63  }
0x55: {  	s16 =	sadd.s32 $0x400, s16  }
0x56: {  	[tilespmem:s16], [sflag:$0x1] =	stream.indirect_vreg.gather [hbm:s5], $0x80, v1, vm1, $0x38;
	[tilespmem:$0x19320] =	vst v63  }
0x57: {  	s13 =	sshll.u32 s13, $0x4;
	_ =	swait.ge [sflag:s6], $0xC800  }
0x58: {  	s13 =	sadd.s32 s13, s9;
	[sflag:s6] =	ssyncset.done $0x0  }
0x59: {  	s17 =	sadd.s32 $0x0, s13;
	s16 =	simm.s32 $0x80;
	[sflag:s6] =	ssyncadd.s32 $0xFFFF3800  }
.LBB2_5:
0x5a: {  	[hbm:s17] =	stream.linear.scatter [tilespmem:s14], [sflag:$0x3], $0x400, $0x38;
	[tilespmem:$0x19320] =	vst v63  }
0x5b: {  	s17 =	smov.u32 s16;
	s14 =	smov.u32 s15;
	p1 =	sne.s32 s16, $0x1880  }
.Ltmp4:
0x5c: {  	s16 =	sadd.s32 $0x80, s16;
	(pc) =	sbr.rel @p1 .LBB2_5-.Ltmp4, $2  }
0x5d: {  	_ =	sdelay $0x2  }
0x5e: {  	s15 =	sadd.s32 $0x400, s15;
	s17 =	sadd.s32 s17, s13  }
.Ltmp5:
0x5f: {  	_ = 	snop;
	(pc) =	sbr.rel .LBB2_6-.Ltmp5, $1  }
0x60: {  	_ =	sdelay $0x3  }
.LBB2_8:
0x61: {  	_ =	sfence.sel $0x180000  }
0x62: {  	s1 =	simm.s32 $0x2;
	[bflag:$0x0] =	sbarrier.arrive $0xFFFF  }
0x63: {  	s30 =	simm.s32 $0x3;
	[sflag:s1] =	ssyncpa.u1 $0x1  }
0x64: {  	s31 =	simm.s32 $0x1;
	[sflag:s30] =	ssyncpa.u1 $0x1  }
0x65: {  	[sflag:s31] =	ssyncpa.u1 $0x1  }
0x66: {  	p0 =	sne.s32 s0, $0x0;
	_ =	strace $0x9000004A  }
0x67: {  	s0 =	sadd.s32 @!p0 $0x100000, s2;
	[bflag:$0x2] =	sbarrier.arrive $0xFFFF  }
0x68: {  	[sflag:s0] =	ssyncadd.tile.s32 @!p0 $0x1;
	_ =	shalt  }
.Lfunc_end2:
_tile_overlayer_lowered:
.L_overlay_start_2:
0x69: {  	(tag) =	ssettag $0x2  }
0x6a: {  	s0 =	rddreg [dreg:$0x0];
	s2 =	stileid.u32  }
0x6b: {  	s1 =	rddreg [dreg:$0x1];
	p0 =	sne.s32 s2, $0x0  }
0x6c: {  	s3 =	rddreg [dreg:$0x2];
	[bflag:$0x3] =	sbarrier.arrive $0xFFFF;
	s2 =	simm.s32 @!p0 $0x1C01  }
0x6d: {  	[timem:s3], [sflag:s2] =	dma.local @!p0 [hbm:s0], s1  }
0x6e: {  	s0 =	simm.s32 @!p0 $0x1  }
0x6f: {  	_ =	swait.ge @!p0 [sflag:s0], s1  }
0x70: {  	s1 =	ssub.s32 @!p0 $0x0, s1;
	[sflag:s0] =	ssyncset.done @!p0 $0x0  }
0x71: {  	[sflag:s0] =	ssyncadd.s32 @!p0 s1  }
0x72: {  	[bflag:$0x3] =	sbarrier.arrive $0xFFFF  }
0x73: {  	_ =	shalt  }

</sc_bundles>
